<compile_context>
chip_gen: v7x
topology: tpu7x:2x2x1
jax: 0.10.2.dev20260603
libtpu: 0.0.44.dev20260713+nightly
codegen_flags: <defaults>
</compile_context>

<pallas_src>
import functools

import numpy as np
import jax
import jax.numpy as jnp
from jax import lax
from jax.experimental import pallas as pl
from jax.experimental.pallas import tpu as pltpu
from jax.experimental.pallas import tpu_sc as plsc

B = 4096
H = 20
W = 10
D = 128
NK = 7
NPAT = 1 << W
TOK = H + 2
KIND_BASE = H * NPAT
TBL_ROWS = KIND_BASE + 8

NC = 2
NS = 16
NW = NC * NS
ROWS = B * TOK
RPW = ROWS // NW
CHUNK = 128
NCH = RPW // CHUNK


def _packing_matrix() -> np.ndarray:
    pm = np.zeros((H * W + 2, TOK), np.float32)
    for h in range(H):
        for w in range(W):
            pm[h * W + w, h] = float(1 << w)
    pm[H * W, H] = 1.0
    pm[H * W + 1, H + 1] = 1.0
    return pm


def _row_offsets() -> np.ndarray:
    offs = [h * NPAT for h in range(H)] + [KIND_BASE, KIND_BASE]
    return np.asarray(offs, np.int32).reshape(1, TOK)


def _prep_body(pmat_ref, offs_ref, pattern_ref, row_pos_ref, kind_ref,
               boardx_ref, table_ref, ids_ref):
    for h in range(H):
        table_ref[pl.ds(h * NPAT, NPAT), :] = (
            pattern_ref[...] + row_pos_ref[pl.ds(h, 1), :])
    table_ref[pl.ds(KIND_BASE, 8), :] = kind_ref[...]
    idsf = jnp.dot(boardx_ref[...], pmat_ref[...],
                   preferred_element_type=jnp.float32)
    ids_ref[...] = idsf.astype(jnp.int32) + offs_ref[...]


_prep = pl.pallas_call(
    _prep_body,
    out_shape=(
        jax.ShapeDtypeStruct((TBL_ROWS, D), jnp.float32),
        jax.ShapeDtypeStruct((B, TOK), jnp.int32),
    ),
)


def _gather_body(table_hbm, ids_hbm, out_hbm, idx_v, rows_v, gsem, ssem):
    wid = lax.axis_index("s") * NC + lax.axis_index("c")
    base = wid * RPW
    pltpu.sync_copy(ids_hbm.at[pl.ds(base, RPW)], idx_v)

    def start_gather(ch):
        return pltpu.async_copy(
            table_hbm.at[idx_v.at[pl.ds(ch * CHUNK, CHUNK)]],
            rows_v.at[ch % 2], gsem)

    def start_scatter(ch):
        return pltpu.async_copy(
            rows_v.at[ch % 2],
            out_hbm.at[pl.ds(base + ch * CHUNK, CHUNK)], ssem)

    gd = start_gather(0)
    sd = [None, None]
    for ch in range(NCH):
        nxt_gd = None
        if ch + 1 < NCH:
            if sd[(ch + 1) % 2] is not None:
                sd[(ch + 1) % 2].wait()
            nxt_gd = start_gather(ch + 1)
        gd.wait()
        sd[ch % 2] = start_scatter(ch)
        gd = nxt_gd
    sd[(NCH - 2) % 2].wait()
    sd[(NCH - 1) % 2].wait()


_gather = functools.partial(
    pl.kernel,
    out_type=jax.ShapeDtypeStruct((ROWS, D), jnp.float32),
    mesh=plsc.VectorSubcoreMesh(core_axis_name="c", subcore_axis_name="s",
                                num_cores=NC, num_subcores=NS),
    scratch_types=[
        pltpu.VMEM((RPW,), jnp.int32),
        pltpu.VMEM((2, CHUNK, D), jnp.float32),
        pltpu.SemaphoreType.DMA,
        pltpu.SemaphoreType.DMA,
    ],
)(_gather_body)


def kernel(pattern_table, row_pos, kind_table, board, active_kind, next_kind):
    boardf = board.reshape(B, H * W).astype(jnp.float32)
    akf = active_kind.astype(jnp.float32).reshape(B, 1)
    nkf = next_kind.astype(jnp.float32).reshape(B, 1)
    boardx = jnp.concatenate([boardf, akf, nkf], axis=1)
    kind_pad = jnp.concatenate(
        [kind_table, jnp.zeros((8 - NK, D), jnp.float32)], axis=0)
    pmat = jnp.asarray(_packing_matrix())
    offs = jnp.asarray(_row_offsets())
    table, ids2d = _prep(pmat, offs, pattern_table, row_pos, kind_pad, boardx)
    out = _gather(table, ids2d.reshape(ROWS))
    return out.reshape(B, TOK, D)

# --- scband reference (transcript-rebuilt; emitter-appended) ---
"""Pipeline reference for scband-tetris-tokenizer-68040871903253 (READ-ONLY COPY).

The authoritative reference and input builder live on the scoring server;
editing this copy changes nothing except your own understanding.
"""

import jax, jax.numpy as jnp
import numpy as np

B = 4096
H = 20
W = 10
C = 1
D = 128
NK = 7
NBITS = W * C
NPAT = 2 ** NBITS


def setup_inputs(seed: int = 0) -> dict:
    key = jax.random.key(seed)
    k1, k2, k3, k4, k5, k6 = jax.random.split(key, 6)
    board = jax.random.randint(k1, (B, H, W, C), 0, 2).astype(jnp.int32)
    active_kind = jax.random.randint(k2, (B,), 0, NK).astype(jnp.int64)
    next_kind = jax.random.randint(k3, (B,), 0, NK).astype(jnp.int64)
    pattern_table = jax.random.normal(k4, (NPAT, D), dtype=jnp.float32) * 0.02
    row_pos = jax.random.normal(k5, (H, D), dtype=jnp.float32) * 0.02
    kind_table = jax.random.normal(k6, (NK, D), dtype=jnp.float32) * 0.02
    return {
        "pattern_table": pattern_table,
        "row_pos": row_pos,
        "kind_table": kind_table,
        "board": board,
        "active_kind": active_kind,
        "next_kind": next_kind,
    }


def reference(pattern_table, row_pos, kind_table, board, active_kind, next_kind):
    # layout='row', board_embedding='discrete_pattern':
    # each board row (W*C binary cells) is packed into an integer pattern id,
    # which indexes an embedding table of size 2^(W*C).
    b = board.shape[0]
    bits = board.reshape(b, H, W * C)
    weights = (2 ** jnp.arange(W * C, dtype=jnp.int32))
    pattern_ids = jnp.sum(bits * weights[None, None, :], axis=-1)  # [B, H]
    board_tok = jnp.take(pattern_table, pattern_ids, axis=0)  # [B, H, D]
    board_tok = board_tok + row_pos[None, :, :]  # add row positional embedding
    # shared kind embedding for active and next piece tokens
    active_tok = jnp.take(kind_table, active_kind, axis=0)[:, None, :]  # [B, 1, D]
    next_tok = jnp.take(kind_table, next_kind, axis=0)[:, None, :]  # [B, 1, D]
    tokens = jnp.concatenate([board_tok, active_tok, next_tok], axis=1)  # [B, H+2, D]
    return tokens

if __name__ == "__main__":
    import jax
    _d = setup_inputs()
    print(jax.jit(kernel)(*tuple(_d.values())))

</pallas_src>

<mosaic_0001>
#map = affine_map<(d0, d1) -> (0, 0)>
#map1 = affine_map<(d0, d1) -> (0)>
module attributes {stable_mosaic.version = 14 : i64} {
  func.func @_gather_body(%arg0: i32, %arg1: i32, %arg2: memref<20488x128xf32, #tpu.memory_space<hbm>>, %arg3: memref<90112xi32, #tpu.memory_space<hbm>>, %arg4: memref<90112x128xf32, #tpu.memory_space<hbm>>, %arg5: memref<2816xi32, #tpu.memory_space<vmem>>, %arg6: memref<2x128x128xf32, #tpu.memory_space<vmem>>, %arg7: memref<!tpu.dma_semaphore, #tpu.memory_space<semaphore_mem>>, %arg8: memref<!tpu.dma_semaphore, #tpu.memory_space<semaphore_mem>>) attributes {dimension_semantics = [#tpu.dimension_semantics<core_parallel>, #tpu.dimension_semantics<subcore_parallel>], iteration_bounds = array<i64: 2, 16>, scalar_prefetch = 0 : i64, scratch_operands = 4 : i64, tpu.core_type = #tpu.core_type<sc_vector_subcore>, window_params = [{transform_indices = #map}, {transform_indices = #map1}, {transform_indices = #map}]} {
    %mul3A = arith.constant 2 : i32
    %mul3A_0 = arith.muli %arg1, %mul3A : i32
    %add3A = arith.addi %mul3A_0, %arg0 : i32
    %mul3A_1 = arith.constant 2816 : i32
    %mul3A_2 = arith.muli %add3A, %mul3A_1 : i32
    "tpu.region"() ({
      %run_scoped3A = tpu.sem_alloc : memref<!tpu.dma_semaphore, #tpu.memory_space<semaphore_mem>>
      %dma_start3A_1057 = tpu.memref_slice %arg3[%mul3A_2] : memref<90112xi32, #tpu.memory_space<hbm>> -> memref<2816xi32, #tpu.memory_space<hbm>>
      %dma_start3A_1058 = tpu.memref_slice %arg3[%mul3A_2] : memref<90112xi32, #tpu.memory_space<hbm>> -> memref<2816xi32, #tpu.memory_space<hbm>>
      tpu.enqueue_dma source(%dma_start3A_1058 : memref<2816xi32, #tpu.memory_space<hbm>>) target(%arg5 : memref<2816xi32, #tpu.memory_space<vmem>>) target_semaphore(%run_scoped3A : memref<!tpu.dma_semaphore, #tpu.memory_space<semaphore_mem>>)
      %dma_wait3A_1059 = tpu.memref_slice %arg3[%mul3A_2] : memref<90112xi32, #tpu.memory_space<hbm>> -> memref<2816xi32, #tpu.memory_space<hbm>>
      %dma_wait3A_1060 = tpu.memref_slice %arg3[%mul3A_2] : memref<90112xi32, #tpu.memory_space<hbm>> -> memref<2816xi32, #tpu.memory_space<hbm>>
      tpu.wait_dma2 semaphore(%run_scoped3A : memref<!tpu.dma_semaphore, #tpu.memory_space<semaphore_mem>>) src(%dma_wait3A_1060 : memref<2816xi32, #tpu.memory_space<hbm>>) dst(%arg5 : memref<2816xi32, #tpu.memory_space<vmem>>)
      tpu.yield
    }) : () -> ()
    %dma_start3A = arith.constant 0 : i32
    %dma_start3A_3 = arith.constant 0 : i32
    %dma_start3A_4 = arith.constant 0 : i32
    %dma_start3A_5 = tpu.memref_slice %arg6[%dma_start3A, %dma_start3A_3, %dma_start3A_4] : memref<2x128x128xf32, #tpu.memory_space<vmem>> -> memref<1x128x128xf32, #tpu.memory_space<vmem>>
    %dma_start3A_6 = tpu.memref_squeeze %dma_start3A_5 : memref<1x128x128xf32, #tpu.memory_space<vmem>> -> memref<128x128xf32, #tpu.memory_space<vmem>>
    %dma_start3A_7 = arith.constant 0 : i32
    %dma_start3A_8 = tpu.memref_slice %arg5[%dma_start3A_7] : memref<2816xi32, #tpu.memory_space<vmem>> -> memref<128xi32, #tpu.memory_space<vmem>>
    %dma_start3A_9 = arith.constant 0 : i32
    %dma_start3A_10 = arith.constant 0 : i32
    %dma_start3A_11 = tpu.memref_slice %arg2[%dma_start3A_9, %dma_start3A_10] : memref<20488x128xf32, #tpu.memory_space<hbm>> -> memref<20488x128xf32, #tpu.memory_space<hbm>>
    tpu.enqueue_indirect_dma source(%dma_start3A_11 : memref<20488x128xf32, #tpu.memory_space<hbm>>) target(%dma_start3A_6 : memref<128x128xf32, #tpu.memory_space<vmem>>) offsets(%dma_start3A_8 : memref<128xi32, #tpu.memory_space<vmem>>) semaphore(%arg7 : memref<!tpu.dma_semaphore, #tpu.memory_space<semaphore_mem>>)
    %dma_start3A_12 = arith.constant 1 : i32
    %dma_start3A_13 = arith.constant 0 : i32
    %dma_start3A_14 = arith.constant 0 : i32
    %dma_start3A_15 = tpu.memref_slice %arg6[%dma_start3A_12, %dma_start3A_13, %dma_start3A_14] : memref<2x128x128xf32, #tpu.memory_space<vmem>> -> memref<1x128x128xf32, #tpu.memory_space<vmem>>
    %dma_start3A_16 = tpu.memref_squeeze %dma_start3A_15 : memref<1x128x128xf32, #tpu.memory_space<vmem>> -> memref<128x128xf32, #tpu.memory_space<vmem>>
    %dma_start3A_17 = arith.constant 128 : i32
    %dma_start3A_18 = tpu.memref_slice %arg5[%dma_start3A_17] : memref<2816xi32, #tpu.memory_space<vmem>> -> memref<128xi32, #tpu.memory_space<vmem>>
    %dma_start3A_19 = arith.constant 0 : i32
    %dma_start3A_20 = arith.constant 0 : i32
    %dma_start3A_21 = tpu.memref_slice %arg2[%dma_start3A_19, %dma_start3A_20] : memref<20488x128xf32, #tpu.memory_space<hbm>> -> memref<20488x128xf32, #tpu.memory_space<hbm>>
    tpu.enqueue_indirect_dma source(%dma_start3A_21 : memref<20488x128xf32, #tpu.memory_space<hbm>>) target(%dma_start3A_16 : memref<128x128xf32, #tpu.memory_space<vmem>>) offsets(%dma_start3A_18 : memref<128xi32, #tpu.memory_space<vmem>>) semaphore(%arg7 : memref<!tpu.dma_semaphore, #tpu.memory_space<semaphore_mem>>)
    %dma_wait3A = arith.constant 0 : i32
    %dma_wait3A_22 = arith.constant 0 : i32
    %dma_wait3A_23 = arith.constant 0 : i32
    %dma_wait3A_24 = tpu.memref_slice %arg6[%dma_wait3A, %dma_wait3A_22, %dma_wait3A_23] : memref<2x128x128xf32, #tpu.memory_space<vmem>> -> memref<1x128x128xf32, #tpu.memory_space<vmem>>
    %dma_wait3A_25 = tpu.memref_squeeze %dma_wait3A_24 : memref<1x128x128xf32, #tpu.memory_space<vmem>> -> memref<128x128xf32, #tpu.memory_space<vmem>>
    %dma_wait3A_26 = arith.constant 0 : i32
    %dma_wait3A_27 = tpu.memref_slice %arg5[%dma_wait3A_26] : memref<2816xi32, #tpu.memory_space<vmem>> -> memref<128xi32, #tpu.memory_space<vmem>>
    %dma_wait3A_28 = arith.constant 0 : i32
    %dma_wait3A_29 = arith.constant 0 : i32
    %dma_wait3A_30 = tpu.memref_slice %arg2[%dma_wait3A_28, %dma_wait3A_29] : memref<20488x128xf32, #tpu.memory_space<hbm>> -> memref<20488x128xf32, #tpu.memory_space<hbm>>
    tpu.wait_indirect_dma semaphore(%arg7 : memref<!tpu.dma_semaphore, #tpu.memory_space<semaphore_mem>>) src(%dma_wait3A_30 : memref<20488x128xf32, #tpu.memory_space<hbm>>) dst(%dma_wait3A_25 : memref<128x128xf32, #tpu.memory_space<vmem>>)
    %add3A_31 = arith.constant 0 : i32
    %add3A_32 = arith.addi %mul3A_2, %add3A_31 : i32
    %dma_start3A_33 = arith.constant 0 : i32
    %dma_start3A_34 = arith.constant 0 : i32
    %dma_start3A_35 = arith.constant 0 : i32
    %dma_start3A_36 = tpu.memref_slice %arg6[%dma_start3A_33, %dma_start3A_34, %dma_start3A_35] : memref<2x128x128xf32, #tpu.memory_space<vmem>> -> memref<1x128x128xf32, #tpu.memory_space<vmem>>
    %dma_start3A_37 = tpu.memref_squeeze %dma_start3A_36 : memref<1x128x128xf32, #tpu.memory_space<vmem>> -> memref<128x128xf32, #tpu.memory_space<vmem>>
    %dma_start3A_38 = arith.constant 0 : i32
    %dma_start3A_39 = tpu.memref_slice %arg4[%add3A_32, %dma_start3A_38] : memref<90112x128xf32, #tpu.memory_space<hbm>> -> memref<128x128xf32, #tpu.memory_space<hbm>>
    %dma_start3A_40 = arith.constant 0 : i32
    %dma_start3A_41 = tpu.memref_slice %arg4[%add3A_32, %dma_start3A_40] : memref<90112x128xf32, #tpu.memory_space<hbm>> -> memref<128x128xf32, #tpu.memory_space<hbm>>
    %dma_start3A_42 = arith.constant 0 : i32
    %dma_start3A_43 = arith.constant 0 : i32
    %dma_start3A_44 = tpu.memref_slice %arg6[%dma_start3A_33, %dma_start3A_42, %dma_start3A_43] : memref<2x128x128xf32, #tpu.memory_space<vmem>> -> memref<1x128x128xf32, #tpu.memory_space<vmem>>
    %dma_start3A_45 = tpu.memref_squeeze %dma_start3A_44 : memref<1x128x128xf32, #tpu.memory_space<vmem>> -> memref<128x128xf32, #tpu.memory_space<vmem>>
    tpu.enqueue_dma source(%dma_start3A_45 : memref<128x128xf32, #tpu.memory_space<vmem>>) target(%dma_start3A_41 : memref<128x128xf32, #tpu.memory_space<hbm>>) target_semaphore(%arg8 : memref<!tpu.dma_semaphore, #tpu.memory_space<semaphore_mem>>)
    %dma_wait3A_46 = arith.constant 0 : i32
    %dma_wait3A_47 = arith.constant 0 : i32
    %dma_wait3A_48 = arith.constant 0 : i32
    %dma_wait3A_49 = tpu.memref_slice %arg6[%dma_wait3A_46, %dma_wait3A_47, %dma_wait3A_48] : memref<2x128x128xf32, #tpu.memory_space<vmem>> -> memref<1x128x128xf32, #tpu.memory_space<vmem>>
    %dma_wait3A_50 = tpu.memref_squeeze %dma_wait3A_49 : memref<1x128x128xf32, #tpu.memory_space<vmem>> -> memref<128x128xf32, #tpu.memory_space<vmem>>
    %dma_wait3A_51 = arith.constant 0 : i32
    %dma_wait3A_52 = tpu.memref_slice %arg4[%add3A_32, %dma_wait3A_51] : memref<90112x128xf32, #tpu.memory_space<hbm>> -> memref<128x128xf32, #tpu.memory_space<hbm>>
    %dma_wait3A_53 = arith.constant 0 : i32
    %dma_wait3A_54 = tpu.memref_slice %arg4[%add3A_32, %dma_wait3A_53] : memref<90112x128xf32, #tpu.memory_space<hbm>> -> memref<128x128xf32, #tpu.memory_space<hbm>>
    %dma_wait3A_55 = arith.constant 0 : i32
    %dma_wait3A_56 = arith.constant 0 : i32
    %dma_wait3A_57 = tpu.memref_slice %arg6[%dma_wait3A_46, %dma_wait3A_55, %dma_wait3A_56] : memref<2x128x128xf32, #tpu.memory_space<vmem>> -> memref<1x128x128xf32, #tpu.memory_space<vmem>>
    %dma_wait3A_58 = tpu.memref_squeeze %dma_wait3A_57 : memref<1x128x128xf32, #tpu.memory_space<vmem>> -> memref<128x128xf32, #tpu.memory_space<vmem>>
    tpu.wait_dma2 semaphore(%arg8 : memref<!tpu.dma_semaphore, #tpu.memory_space<semaphore_mem>>) src(%dma_wait3A_58 : memref<128x128xf32, #tpu.memory_space<vmem>>) dst(%dma_wait3A_54 : memref<128x128xf32, #tpu.memory_space<hbm>>)
    %dma_start3A_59 = arith.constant 0 : i32
    %dma_start3A_60 = arith.constant 0 : i32
    %dma_start3A_61 = arith.constant 0 : i32
    %dma_start3A_62 = tpu.memref_slice %arg6[%dma_start3A_59, %dma_start3A_60, %dma_start3A_61] : memref<2x128x128xf32, #tpu.memory_space<vmem>> -> memref<1x128x128xf32, #tpu.memory_space<vmem>>
    %dma_start3A_63 = tpu.memref_squeeze %dma_start3A_62 : memref<1x128x128xf32, #tpu.memory_space<vmem>> -> memref<128x128xf32, #tpu.memory_space<vmem>>
    %dma_start3A_64 = arith.constant 256 : i32
    %dma_start3A_65 = tpu.memref_slice %arg5[%dma_start3A_64] : memref<2816xi32, #tpu.memory_space<vmem>> -> memref<128xi32, #tpu.memory_space<vmem>>
    %dma_start3A_66 = arith.constant 0 : i32
    %dma_start3A_67 = arith.constant 0 : i32
    %dma_start3A_68 = tpu.memref_slice %arg2[%dma_start3A_66, %dma_start3A_67] : memref<20488x128xf32, #tpu.memory_space<hbm>> -> memref<20488x128xf32, #tpu.memory_space<hbm>>
    tpu.enqueue_indirect_dma source(%dma_start3A_68 : memref<20488x128xf32, #tpu.memory_space<hbm>>) target(%dma_start3A_63 : memref<128x128xf32, #tpu.memory_space<vmem>>) offsets(%dma_start3A_65 : memref<128xi32, #tpu.memory_space<vmem>>) semaphore(%arg7 : memref<!tpu.dma_semaphore, #tpu.memory_space<semaphore_mem>>)
    %dma_wait3A_69 = arith.constant 1 : i32
    %dma_wait3A_70 = arith.constant 0 : i32
    %dma_wait3A_71 = arith.constant 0 : i32
    %dma_wait3A_72 = tpu.memref_slice %arg6[%dma_wait3A_69, %dma_wait3A_70, %dma_wait3A_71] : memref<2x128x128xf32, #tpu.memory_space<vmem>> -> memref<1x128x128xf32, #tpu.memory_space<vmem>>
    %dma_wait3A_73 = tpu.memref_squeeze %dma_wait3A_72 : memref<1x128x128xf32, #tpu.memory_space<vmem>> -> memref<128x128xf32, #tpu.memory_space<vmem>>
    %dma_wait3A_74 = arith.constant 128 : i32
    %dma_wait3A_75 = tpu.memref_slice %arg5[%dma_wait3A_74] : memref<2816xi32, #tpu.memory_space<vmem>> -> memref<128xi32, #tpu.memory_space<vmem>>
    %dma_wait3A_76 = arith.constant 0 : i32
    %dma_wait3A_77 = arith.constant 0 : i32
    %dma_wait3A_78 = tpu.memref_slice %arg2[%dma_wait3A_76, %dma_wait3A_77] : memref<20488x128xf32, #tpu.memory_space<hbm>> -> memref<20488x128xf32, #tpu.memory_space<hbm>>
    tpu.wait_indirect_dma semaphore(%arg7 : memref<!tpu.dma_semaphore, #tpu.memory_space<semaphore_mem>>) src(%dma_wait3A_78 : memref<20488x128xf32, #tpu.memory_space<hbm>>) dst(%dma_wait3A_73 : memref<128x128xf32, #tpu.memory_space<vmem>>)
    %add3A_79 = arith.constant 128 : i32
    %add3A_80 = arith.addi %mul3A_2, %add3A_79 : i32
    %dma_start3A_81 = arith.constant 1 : i32
    %dma_start3A_82 = arith.constant 0 : i32
    %dma_start3A_83 = arith.constant 0 : i32
    %dma_start3A_84 = tpu.memref_slice %arg6[%dma_start3A_81, %dma_start3A_82, %dma_start3A_83] : memref<2x128x128xf32, #tpu.memory_space<vmem>> -> memref<1x128x128xf32, #tpu.memory_space<vmem>>
    %dma_start3A_85 = tpu.memref_squeeze %dma_start3A_84 : memref<1x128x128xf32, #tpu.memory_space<vmem>> -> memref<128x128xf32, #tpu.memory_space<vmem>>
    %dma_start3A_86 = arith.constant 0 : i32
    %dma_start3A_87 = tpu.memref_slice %arg4[%add3A_80, %dma_start3A_86] : memref<90112x128xf32, #tpu.memory_space<hbm>> -> memref<128x128xf32, #tpu.memory_space<hbm>>
    %dma_start3A_88 = arith.constant 0 : i32
    %dma_start3A_89 = tpu.memref_slice %arg4[%add3A_80, %dma_start3A_88] : memref<90112x128xf32, #tpu.memory_space<hbm>> -> memref<128x128xf32, #tpu.memory_space<hbm>>
    %dma_start3A_90 = arith.constant 0 : i32
    %dma_start3A_91 = arith.constant 0 : i32
    %dma_start3A_92 = tpu.memref_slice %arg6[%dma_start3A_81, %dma_start3A_90, %dma_start3A_91] : memref<2x128x128xf32, #tpu.memory_space<vmem>> -> memref<1x128x128xf32, #tpu.memory_space<vmem>>
    %dma_start3A_93 = tpu.memref_squeeze %dma_start3A_92 : memref<1x128x128xf32, #tpu.memory_space<vmem>> -> memref<128x128xf32, #tpu.memory_space<vmem>>
    tpu.enqueue_dma source(%dma_start3A_93 : memref<128x128xf32, #tpu.memory_space<vmem>>) target(%dma_start3A_89 : memref<128x128xf32, #tpu.memory_space<hbm>>) target_semaphore(%arg8 : memref<!tpu.dma_semaphore, #tpu.memory_space<semaphore_mem>>)
    %dma_wait3A_94 = arith.constant 1 : i32
    %dma_wait3A_95 = arith.constant 0 : i32
    %dma_wait3A_96 = arith.constant 0 : i32
    %dma_wait3A_97 = tpu.memref_slice %arg6[%dma_wait3A_94, %dma_wait3A_95, %dma_wait3A_96] : memref<2x128x128xf32, #tpu.memory_space<vmem>> -> memref<1x128x128xf32, #tpu.memory_space<vmem>>
    %dma_wait3A_98 = tpu.memref_squeeze %dma_wait3A_97 : memref<1x128x128xf32, #tpu.memory_space<vmem>> -> memref<128x128xf32, #tpu.memory_space<vmem>>
    %dma_wait3A_99 = arith.constant 0 : i32
    %dma_wait3A_100 = tpu.memref_slice %arg4[%add3A_80, %dma_wait3A_99] : memref<90112x128xf32, #tpu.memory_space<hbm>> -> memref<128x128xf32, #tpu.memory_space<hbm>>
    %dma_wait3A_101 = arith.constant 0 : i32
    %dma_wait3A_102 = tpu.memref_slice %arg4[%add3A_80, %dma_wait3A_101] : memref<90112x128xf32, #tpu.memory_space<hbm>> -> memref<128x128xf32, #tpu.memory_space<hbm>>
    %dma_wait3A_103 = arith.constant 0 : i32
    %dma_wait3A_104 = arith.constant 0 : i32
    %dma_wait3A_105 = tpu.memref_slice %arg6[%dma_wait3A_94, %dma_wait3A_103, %dma_wait3A_104] : memref<2x128x128xf32, #tpu.memory_space<vmem>> -> memref<1x128x128xf32, #tpu.memory_space<vmem>>
    %dma_wait3A_106 = tpu.memref_squeeze %dma_wait3A_105 : memref<1x128x128xf32, #tpu.memory_space<vmem>> -> memref<128x128xf32, #tpu.memory_space<vmem>>
    tpu.wait_dma2 semaphore(%arg8 : memref<!tpu.dma_semaphore, #tpu.memory_space<semaphore_mem>>) src(%dma_wait3A_106 : memref<128x128xf32, #tpu.memory_space<vmem>>) dst(%dma_wait3A_102 : memref<128x128xf32, #tpu.memory_space<hbm>>)
    %dma_start3A_107 = arith.constant 1 : i32
    %dma_start3A_108 = arith.constant 0 : i32
    %dma_start3A_109 = arith.constant 0 : i32
    %dma_start3A_110 = tpu.memref_slice %arg6[%dma_start3A_107, %dma_start3A_108, %dma_start3A_109] : memref<2x128x128xf32, #tpu.memory_space<vmem>> -> memref<1x128x128xf32, #tpu.memory_space<vmem>>
    %dma_start3A_111 = tpu.memref_squeeze %dma_start3A_110 : memref<1x128x128xf32, #tpu.memory_space<vmem>> -> memref<128x128xf32, #tpu.memory_space<vmem>>
    %dma_start3A_112 = arith.constant 384 : i32
    %dma_start3A_113 = tpu.memref_slice %arg5[%dma_start3A_112] : memref<2816xi32, #tpu.memory_space<vmem>> -> memref<128xi32, #tpu.memory_space<vmem>>
    %dma_start3A_114 = arith.constant 0 : i32
    %dma_start3A_115 = arith.constant 0 : i32
    %dma_start3A_116 = tpu.memref_slice %arg2[%dma_start3A_114, %dma_start3A_115] : memref<20488x128xf32, #tpu.memory_space<hbm>> -> memref<20488x128xf32, #tpu.memory_space<hbm>>
    tpu.enqueue_indirect_dma source(%dma_start3A_116 : memref<20488x128xf32, #tpu.memory_space<hbm>>) target(%dma_start3A_111 : memref<128x128xf32, #tpu.memory_space<vmem>>) offsets(%dma_start3A_113 : memref<128xi32, #tpu.memory_space<vmem>>) semaphore(%arg7 : memref<!tpu.dma_semaphore, #tpu.memory_space<semaphore_mem>>)
    %dma_wait3A_117 = arith.constant 0 : i32
    %dma_wait3A_118 = arith.constant 0 : i32
    %dma_wait3A_119 = arith.constant 0 : i32
    %dma_wait3A_120 = tpu.memref_slice %arg6[%dma_wait3A_117, %dma_wait3A_118, %dma_wait3A_119] : memref<2x128x128xf32, #tpu.memory_space<vmem>> -> memref<1x128x128xf32, #tpu.memory_space<vmem>>
    %dma_wait3A_121 = tpu.memref_squeeze %dma_wait3A_120 : memref<1x128x128xf32, #tpu.memory_space<vmem>> -> memref<128x128xf32, #tpu.memory_space<vmem>>
    %dma_wait3A_122 = arith.constant 256 : i32
    %dma_wait3A_123 = tpu.memref_slice %arg5[%dma_wait3A_122] : memref<2816xi32, #tpu.memory_space<vmem>> -> memref<128xi32, #tpu.memory_space<vmem>>
    %dma_wait3A_124 = arith.constant 0 : i32
    %dma_wait3A_125 = arith.constant 0 : i32
    %dma_wait3A_126 = tpu.memref_slice %arg2[%dma_wait3A_124, %dma_wait3A_125] : memref<20488x128xf32, #tpu.memory_space<hbm>> -> memref<20488x128xf32, #tpu.memory_space<hbm>>
    tpu.wait_indirect_dma semaphore(%arg7 : memref<!tpu.dma_semaphore, #tpu.memory_space<semaphore_mem>>) src(%dma_wait3A_126 : memref<20488x128xf32, #tpu.memory_space<hbm>>) dst(%dma_wait3A_121 : memref<128x128xf32, #tpu.memory_space<vmem>>)
    %add3A_127 = arith.constant 256 : i32
    %add3A_128 = arith.addi %mul3A_2, %add3A_127 : i32
    %dma_start3A_129 = arith.constant 0 : i32
    %dma_start3A_130 = arith.constant 0 : i32
    %dma_start3A_131 = arith.constant 0 : i32
    %dma_start3A_132 = tpu.memref_slice %arg6[%dma_start3A_129, %dma_start3A_130, %dma_start3A_131] : memref<2x128x128xf32, #tpu.memory_space<vmem>> -> memref<1x128x128xf32, #tpu.memory_space<vmem>>
    %dma_start3A_133 = tpu.memref_squeeze %dma_start3A_132 : memref<1x128x128xf32, #tpu.memory_space<vmem>> -> memref<128x128xf32, #tpu.memory_space<vmem>>
    %dma_start3A_134 = arith.constant 0 : i32
    %dma_start3A_135 = tpu.memref_slice %arg4[%add3A_128, %dma_start3A_134] : memref<90112x128xf32, #tpu.memory_space<hbm>> -> memref<128x128xf32, #tpu.memory_space<hbm>>
    %dma_start3A_136 = arith.constant 0 : i32
    %dma_start3A_137 = tpu.memref_slice %arg4[%add3A_128, %dma_start3A_136] : memref<90112x128xf32, #tpu.memory_space<hbm>> -> memref<128x128xf32, #tpu.memory_space<hbm>>
    %dma_start3A_138 = arith.constant 0 : i32
    %dma_start3A_139 = arith.constant 0 : i32
    %dma_start3A_140 = tpu.memref_slice %arg6[%dma_start3A_129, %dma_start3A_138, %dma_start3A_139] : memref<2x128x128xf32, #tpu.memory_space<vmem>> -> memref<1x128x128xf32, #tpu.memory_space<vmem>>
    %dma_start3A_141 = tpu.memref_squeeze %dma_start3A_140 : memref<1x128x128xf32, #tpu.memory_space<vmem>> -> memref<128x128xf32, #tpu.memory_space<vmem>>
    tpu.enqueue_dma source(%dma_start3A_141 : memref<128x128xf32, #tpu.memory_space<vmem>>) target(%dma_start3A_137 : memref<128x128xf32, #tpu.memory_space<hbm>>) target_semaphore(%arg8 : memref<!tpu.dma_semaphore, #tpu.memory_space<semaphore_mem>>)
    %dma_wait3A_142 = arith.constant 0 : i32
    %dma_wait3A_143 = arith.constant 0 : i32
    %dma_wait3A_144 = arith.constant 0 : i32
    %dma_wait3A_145 = tpu.memref_slice %arg6[%dma_wait3A_142, %dma_wait3A_143, %dma_wait3A_144] : memref<2x128x128xf32, #tpu.memory_space<vmem>> -> memref<1x128x128xf32, #tpu.memory_space<vmem>>
    %dma_wait3A_146 = tpu.memref_squeeze %dma_wait3A_145 : memref<1x128x128xf32, #tpu.memory_space<vmem>> -> memref<128x128xf32, #tpu.memory_space<vmem>>
    %dma_wait3A_147 = arith.constant 0 : i32
    %dma_wait3A_148 = tpu.memref_slice %arg4[%add3A_128, %dma_wait3A_147] : memref<90112x128xf32, #tpu.memory_space<hbm>> -> memref<128x128xf32, #tpu.memory_space<hbm>>
    %dma_wait3A_149 = arith.constant 0 : i32
    %dma_wait3A_150 = tpu.memref_slice %arg4[%add3A_128, %dma_wait3A_149] : memref<90112x128xf32, #tpu.memory_space<hbm>> -> memref<128x128xf32, #tpu.memory_space<hbm>>
    %dma_wait3A_151 = arith.constant 0 : i32
    %dma_wait3A_152 = arith.constant 0 : i32
    %dma_wait3A_153 = tpu.memref_slice %arg6[%dma_wait3A_142, %dma_wait3A_151, %dma_wait3A_152] : memref<2x128x128xf32, #tpu.memory_space<vmem>> -> memref<1x128x128xf32, #tpu.memory_space<vmem>>
    %dma_wait3A_154 = tpu.memref_squeeze %dma_wait3A_153 : memref<1x128x128xf32, #tpu.memory_space<vmem>> -> memref<128x128xf32, #tpu.memory_space<vmem>>
    tpu.wait_dma2 semaphore(%arg8 : memref<!tpu.dma_semaphore, #tpu.memory_space<semaphore_mem>>) src(%dma_wait3A_154 : memref<128x128xf32, #tpu.memory_space<vmem>>) dst(%dma_wait3A_150 : memref<128x128xf32, #tpu.memory_space<hbm>>)
    %dma_start3A_155 = arith.constant 0 : i32
    %dma_start3A_156 = arith.constant 0 : i32
    %dma_start3A_157 = arith.constant 0 : i32
    %dma_start3A_158 = tpu.memref_slice %arg6[%dma_start3A_155, %dma_start3A_156, %dma_start3A_157] : memref<2x128x128xf32, #tpu.memory_space<vmem>> -> memref<1x128x128xf32, #tpu.memory_space<vmem>>
    %dma_start3A_159 = tpu.memref_squeeze %dma_start3A_158 : memref<1x128x128xf32, #tpu.memory_space<vmem>> -> memref<128x128xf32, #tpu.memory_space<vmem>>
    %dma_start3A_160 = arith.constant 512 : i32
    %dma_start3A_161 = tpu.memref_slice %arg5[%dma_start3A_160] : memref<2816xi32, #tpu.memory_space<vmem>> -> memref<128xi32, #tpu.memory_space<vmem>>
    %dma_start3A_162 = arith.constant 0 : i32
    %dma_start3A_163 = arith.constant 0 : i32
    %dma_start3A_164 = tpu.memref_slice %arg2[%dma_start3A_162, %dma_start3A_163] : memref<20488x128xf32, #tpu.memory_space<hbm>> -> memref<20488x128xf32, #tpu.memory_space<hbm>>
    tpu.enqueue_indirect_dma source(%dma_start3A_164 : memref<20488x128xf32, #tpu.memory_space<hbm>>) target(%dma_start3A_159 : memref<128x128xf32, #tpu.memory_space<vmem>>) offsets(%dma_start3A_161 : memref<128xi32, #tpu.memory_space<vmem>>) semaphore(%arg7 : memref<!tpu.dma_semaphore, #tpu.memory_space<semaphore_mem>>)
    %dma_wait3A_165 = arith.constant 1 : i32
    %dma_wait3A_166 = arith.constant 0 : i32
    %dma_wait3A_167 = arith.constant 0 : i32
    %dma_wait3A_168 = tpu.memref_slice %arg6[%dma_wait3A_165, %dma_wait3A_166, %dma_wait3A_167] : memref<2x128x128xf32, #tpu.memory_space<vmem>> -> memref<1x128x128xf32, #tpu.memory_space<vmem>>
    %dma_wait3A_169 = tpu.memref_squeeze %dma_wait3A_168 : memref<1x128x128xf32, #tpu.memory_space<vmem>> -> memref<128x128xf32, #tpu.memory_space<vmem>>
    %dma_wait3A_170 = arith.constant 384 : i32
    %dma_wait3A_171 = tpu.memref_slice %arg5[%dma_wait3A_170] : memref<2816xi32, #tpu.memory_space<vmem>> -> memref<128xi32, #tpu.memory_space<vmem>>
    %dma_wait3A_172 = arith.constant 0 : i32
    %dma_wait3A_173 = arith.constant 0 : i32
    %dma_wait3A_174 = tpu.memref_slice %arg2[%dma_wait3A_172, %dma_wait3A_173] : memref<20488x128xf32, #tpu.memory_space<hbm>> -> memref<20488x128xf32, #tpu.memory_space<hbm>>
    tpu.wait_indirect_dma semaphore(%arg7 : memref<!tpu.dma_semaphore, #tpu.memory_space<semaphore_mem>>) src(%dma_wait3A_174 : memref<20488x128xf32, #tpu.memory_space<hbm>>) dst(%dma_wait3A_169 : memref<128x128xf32, #tpu.memory_space<vmem>>)
    %add3A_175 = arith.constant 384 : i32
    %add3A_176 = arith.addi %mul3A_2, %add3A_175 : i32
    %dma_start3A_177 = arith.constant 1 : i32
    %dma_start3A_178 = arith.constant 0 : i32
    %dma_start3A_179 = arith.constant 0 : i32
    %dma_start3A_180 = tpu.memref_slice %arg6[%dma_start3A_177, %dma_start3A_178, %dma_start3A_179] : memref<2x128x128xf32, #tpu.memory_space<vmem>> -> memref<1x128x128xf32, #tpu.memory_space<vmem>>
    %dma_start3A_181 = tpu.memref_squeeze %dma_start3A_180 : memref<1x128x128xf32, #tpu.memory_space<vmem>> -> memref<128x128xf32, #tpu.memory_space<vmem>>
    %dma_start3A_182 = arith.constant 0 : i32
    %dma_start3A_183 = tpu.memref_slice %arg4[%add3A_176, %dma_start3A_182] : memref<90112x128xf32, #tpu.memory_space<hbm>> -> memref<128x128xf32, #tpu.memory_space<hbm>>
    %dma_start3A_184 = arith.constant 0 : i32
    %dma_start3A_185 = tpu.memref_slice %arg4[%add3A_176, %dma_start3A_184] : memref<90112x128xf32, #tpu.memory_space<hbm>> -> memref<128x128xf32, #tpu.memory_space<hbm>>
    %dma_start3A_186 = arith.constant 0 : i32
    %dma_start3A_187 = arith.constant 0 : i32
    %dma_start3A_188 = tpu.memref_slice %arg6[%dma_start3A_177, %dma_start3A_186, %dma_start3A_187] : memref<2x128x128xf32, #tpu.memory_space<vmem>> -> memref<1x128x128xf32, #tpu.memory_space<vmem>>
    %dma_start3A_189 = tpu.memref_squeeze %dma_start3A_188 : memref<1x128x128xf32, #tpu.memory_space<vmem>> -> memref<128x128xf32, #tpu.memory_space<vmem>>
    tpu.enqueue_dma source(%dma_start3A_189 : memref<128x128xf32, #tpu.memory_space<vmem>>) target(%dma_start3A_185 : memref<128x128xf32, #tpu.memory_space<hbm>>) target_semaphore(%arg8 : memref<!tpu.dma_semaphore, #tpu.memory_space<semaphore_mem>>)
    %dma_wait3A_190 = arith.constant 1 : i32
    %dma_wait3A_191 = arith.constant 0 : i32
    %dma_wait3A_192 = arith.constant 0 : i32
    %dma_wait3A_193 = tpu.memref_slice %arg6[%dma_wait3A_190, %dma_wait3A_191, %dma_wait3A_192] : memref<2x128x128xf32, #tpu.memory_space<vmem>> -> memref<1x128x128xf32, #tpu.memory_space<vmem>>
    %dma_wait3A_194 = tpu.memref_squeeze %dma_wait3A_193 : memref<1x128x128xf32, #tpu.memory_space<vmem>> -> memref<128x128xf32, #tpu.memory_space<vmem>>
    %dma_wait3A_195 = arith.constant 0 : i32
    %dma_wait3A_196 = tpu.memref_slice %arg4[%add3A_176, %dma_wait3A_195] : memref<90112x128xf32, #tpu.memory_space<hbm>> -> memref<128x128xf32, #tpu.memory_space<hbm>>
    %dma_wait3A_197 = arith.constant 0 : i32
    %dma_wait3A_198 = tpu.memref_slice %arg4[%add3A_176, %dma_wait3A_197] : memref<90112x128xf32, #tpu.memory_space<hbm>> -> memref<128x128xf32, #tpu.memory_space<hbm>>
    %dma_wait3A_199 = arith.constant 0 : i32
    %dma_wait3A_200 = arith.constant 0 : i32
    %dma_wait3A_201 = tpu.memref_slice %arg6[%dma_wait3A_190, %dma_wait3A_199, %dma_wait3A_200] : memref<2x128x128xf32, #tpu.memory_space<vmem>> -> memref<1x128x128xf32, #tpu.memory_space<vmem>>
    %dma_wait3A_202 = tpu.memref_squeeze %dma_wait3A_201 : memref<1x128x128xf32, #tpu.memory_space<vmem>> -> memref<128x128xf32, #tpu.memory_space<vmem>>
    tpu.wait_dma2 semaphore(%arg8 : memref<!tpu.dma_semaphore, #tpu.memory_space<semaphore_mem>>) src(%dma_wait3A_202 : memref<128x128xf32, #tpu.memory_space<vmem>>) dst(%dma_wait3A_198 : memref<128x128xf32, #tpu.memory_space<hbm>>)
    %dma_start3A_203 = arith.constant 1 : i32
    %dma_start3A_204 = arith.constant 0 : i32
    %dma_start3A_205 = arith.constant 0 : i32
    %dma_start3A_206 = tpu.memref_slice %arg6[%dma_start3A_203, %dma_start3A_204, %dma_start3A_205] : memref<2x128x128xf32, #tpu.memory_space<vmem>> -> memref<1x128x128xf32, #tpu.memory_space<vmem>>
    %dma_start3A_207 = tpu.memref_squeeze %dma_start3A_206 : memref<1x128x128xf32, #tpu.memory_space<vmem>> -> memref<128x128xf32, #tpu.memory_space<vmem>>
    %dma_start3A_208 = arith.constant 640 : i32
    %dma_start3A_209 = tpu.memref_slice %arg5[%dma_start3A_208] : memref<2816xi32, #tpu.memory_space<vmem>> -> memref<128xi32, #tpu.memory_space<vmem>>
    %dma_start3A_210 = arith.constant 0 : i32
    %dma_start3A_211 = arith.constant 0 : i32
    %dma_start3A_212 = tpu.memref_slice %arg2[%dma_start3A_210, %dma_start3A_211] : memref<20488x128xf32, #tpu.memory_space<hbm>> -> memref<20488x128xf32, #tpu.memory_space<hbm>>
    tpu.enqueue_indirect_dma source(%dma_start3A_212 : memref<20488x128xf32, #tpu.memory_space<hbm>>) target(%dma_start3A_207 : memref<128x128xf32, #tpu.memory_space<vmem>>) offsets(%dma_start3A_209 : memref<128xi32, #tpu.memory_space<vmem>>) semaphore(%arg7 : memref<!tpu.dma_semaphore, #tpu.memory_space<semaphore_mem>>)
    %dma_wait3A_213 = arith.constant 0 : i32
    %dma_wait3A_214 = arith.constant 0 : i32
    %dma_wait3A_215 = arith.constant 0 : i32
    %dma_wait3A_216 = tpu.memref_slice %arg6[%dma_wait3A_213, %dma_wait3A_214, %dma_wait3A_215] : memref<2x128x128xf32, #tpu.memory_space<vmem>> -> memref<1x128x128xf32, #tpu.memory_space<vmem>>
    %dma_wait3A_217 = tpu.memref_squeeze %dma_wait3A_216 : memref<1x128x128xf32, #tpu.memory_space<vmem>> -> memref<128x128xf32, #tpu.memory_space<vmem>>
    %dma_wait3A_218 = arith.constant 512 : i32
    %dma_wait3A_219 = tpu.memref_slice %arg5[%dma_wait3A_218] : memref<2816xi32, #tpu.memory_space<vmem>> -> memref<128xi32, #tpu.memory_space<vmem>>
    %dma_wait3A_220 = arith.constant 0 : i32
    %dma_wait3A_221 = arith.constant 0 : i32
    %dma_wait3A_222 = tpu.memref_slice %arg2[%dma_wait3A_220, %dma_wait3A_221] : memref<20488x128xf32, #tpu.memory_space<hbm>> -> memref<20488x128xf32, #tpu.memory_space<hbm>>
    tpu.wait_indirect_dma semaphore(%arg7 : memref<!tpu.dma_semaphore, #tpu.memory_space<semaphore_mem>>) src(%dma_wait3A_222 : memref<20488x128xf32, #tpu.memory_space<hbm>>) dst(%dma_wait3A_217 : memref<128x128xf32, #tpu.memory_space<vmem>>)
    %add3A_223 = arith.constant 512 : i32
    %add3A_224 = arith.addi %mul3A_2, %add3A_223 : i32
    %dma_start3A_225 = arith.constant 0 : i32
    %dma_start3A_226 = arith.constant 0 : i32
    %dma_start3A_227 = arith.constant 0 : i32
    %dma_start3A_228 = tpu.memref_slice %arg6[%dma_start3A_225, %dma_start3A_226, %dma_start3A_227] : memref<2x128x128xf32, #tpu.memory_space<vmem>> -> memref<1x128x128xf32, #tpu.memory_space<vmem>>
    %dma_start3A_229 = tpu.memref_squeeze %dma_start3A_228 : memref<1x128x128xf32, #tpu.memory_space<vmem>> -> memref<128x128xf32, #tpu.memory_space<vmem>>
    %dma_start3A_230 = arith.constant 0 : i32
    %dma_start3A_231 = tpu.memref_slice %arg4[%add3A_224, %dma_start3A_230] : memref<90112x128xf32, #tpu.memory_space<hbm>> -> memref<128x128xf32, #tpu.memory_space<hbm>>
    %dma_start3A_232 = arith.constant 0 : i32
    %dma_start3A_233 = tpu.memref_slice %arg4[%add3A_224, %dma_start3A_232] : memref<90112x128xf32, #tpu.memory_space<hbm>> -> memref<128x128xf32, #tpu.memory_space<hbm>>
    %dma_start3A_234 = arith.constant 0 : i32
    %dma_start3A_235 = arith.constant 0 : i32
    %dma_start3A_236 = tpu.memref_slice %arg6[%dma_start3A_225, %dma_start3A_234, %dma_start3A_235] : memref<2x128x128xf32, #tpu.memory_space<vmem>> -> memref<1x128x128xf32, #tpu.memory_space<vmem>>
    %dma_start3A_237 = tpu.memref_squeeze %dma_start3A_236 : memref<1x128x128xf32, #tpu.memory_space<vmem>> -> memref<128x128xf32, #tpu.memory_space<vmem>>
    tpu.enqueue_dma source(%dma_start3A_237 : memref<128x128xf32, #tpu.memory_space<vmem>>) target(%dma_start3A_233 : memref<128x128xf32, #tpu.memory_space<hbm>>) target_semaphore(%arg8 : memref<!tpu.dma_semaphore, #tpu.memory_space<semaphore_mem>>)
    %dma_wait3A_238 = arith.constant 0 : i32
    %dma_wait3A_239 = arith.constant 0 : i32
    %dma_wait3A_240 = arith.constant 0 : i32
    %dma_wait3A_241 = tpu.memref_slice %arg6[%dma_wait3A_238, %dma_wait3A_239, %dma_wait3A_240] : memref<2x128x128xf32, #tpu.memory_space<vmem>> -> memref<1x128x128xf32, #tpu.memory_space<vmem>>
    %dma_wait3A_242 = tpu.memref_squeeze %dma_wait3A_241 : memref<1x128x128xf32, #tpu.memory_space<vmem>> -> memref<128x128xf32, #tpu.memory_space<vmem>>
    %dma_wait3A_243 = arith.constant 0 : i32
    %dma_wait3A_244 = tpu.memref_slice %arg4[%add3A_224, %dma_wait3A_243] : memref<90112x128xf32, #tpu.memory_space<hbm>> -> memref<128x128xf32, #tpu.memory_space<hbm>>
    %dma_wait3A_245 = arith.constant 0 : i32
    %dma_wait3A_246 = tpu.memref_slice %arg4[%add3A_224, %dma_wait3A_245] : memref<90112x128xf32, #tpu.memory_space<hbm>> -> memref<128x128xf32, #tpu.memory_space<hbm>>
    %dma_wait3A_247 = arith.constant 0 : i32
    %dma_wait3A_248 = arith.constant 0 : i32
    %dma_wait3A_249 = tpu.memref_slice %arg6[%dma_wait3A_238, %dma_wait3A_247, %dma_wait3A_248] : memref<2x128x128xf32, #tpu.memory_space<vmem>> -> memref<1x128x128xf32, #tpu.memory_space<vmem>>
    %dma_wait3A_250 = tpu.memref_squeeze %dma_wait3A_249 : memref<1x128x128xf32, #tpu.memory_space<vmem>> -> memref<128x128xf32, #tpu.memory_space<vmem>>
    tpu.wait_dma2 semaphore(%arg8 : memref<!tpu.dma_semaphore, #tpu.memory_space<semaphore_mem>>) src(%dma_wait3A_250 : memref<128x128xf32, #tpu.memory_space<vmem>>) dst(%dma_wait3A_246 : memref<128x128xf32, #tpu.memory_space<hbm>>)
    %dma_start3A_251 = arith.constant 0 : i32
    %dma_start3A_252 = arith.constant 0 : i32
    %dma_start3A_253 = arith.constant 0 : i32
    %dma_start3A_254 = tpu.memref_slice %arg6[%dma_start3A_251, %dma_start3A_252, %dma_start3A_253] : memref<2x128x128xf32, #tpu.memory_space<vmem>> -> memref<1x128x128xf32, #tpu.memory_space<vmem>>
    %dma_start3A_255 = tpu.memref_squeeze %dma_start3A_254 : memref<1x128x128xf32, #tpu.memory_space<vmem>> -> memref<128x128xf32, #tpu.memory_space<vmem>>
    %dma_start3A_256 = arith.constant 768 : i32
    %dma_start3A_257 = tpu.memref_slice %arg5[%dma_start3A_256] : memref<2816xi32, #tpu.memory_space<vmem>> -> memref<128xi32, #tpu.memory_space<vmem>>
    %dma_start3A_258 = arith.constant 0 : i32
    %dma_start3A_259 = arith.constant 0 : i32
    %dma_start3A_260 = tpu.memref_slice %arg2[%dma_start3A_258, %dma_start3A_259] : memref<20488x128xf32, #tpu.memory_space<hbm>> -> memref<20488x128xf32, #tpu.memory_space<hbm>>
    tpu.enqueue_indirect_dma source(%dma_start3A_260 : memref<20488x128xf32, #tpu.memory_space<hbm>>) target(%dma_start3A_255 : memref<128x128xf32, #tpu.memory_space<vmem>>) offsets(%dma_start3A_257 : memref<128xi32, #tpu.memory_space<vmem>>) semaphore(%arg7 : memref<!tpu.dma_semaphore, #tpu.memory_space<semaphore_mem>>)
    %dma_wait3A_261 = arith.constant 1 : i32
    %dma_wait3A_262 = arith.constant 0 : i32
    %dma_wait3A_263 = arith.constant 0 : i32
    %dma_wait3A_264 = tpu.memref_slice %arg6[%dma_wait3A_261, %dma_wait3A_262, %dma_wait3A_263] : memref<2x128x128xf32, #tpu.memory_space<vmem>> -> memref<1x128x128xf32, #tpu.memory_space<vmem>>
    %dma_wait3A_265 = tpu.memref_squeeze %dma_wait3A_264 : memref<1x128x128xf32, #tpu.memory_space<vmem>> -> memref<128x128xf32, #tpu.memory_space<vmem>>
    %dma_wait3A_266 = arith.constant 640 : i32
    %dma_wait3A_267 = tpu.memref_slice %arg5[%dma_wait3A_266] : memref<2816xi32, #tpu.memory_space<vmem>> -> memref<128xi32, #tpu.memory_space<vmem>>
    %dma_wait3A_268 = arith.constant 0 : i32
    %dma_wait3A_269 = arith.constant 0 : i32
    %dma_wait3A_270 = tpu.memref_slice %arg2[%dma_wait3A_268, %dma_wait3A_269] : memref<20488x128xf32, #tpu.memory_space<hbm>> -> memref<20488x128xf32, #tpu.memory_space<hbm>>
    tpu.wait_indirect_dma semaphore(%arg7 : memref<!tpu.dma_semaphore, #tpu.memory_space<semaphore_mem>>) src(%dma_wait3A_270 : memref<20488x128xf32, #tpu.memory_space<hbm>>) dst(%dma_wait3A_265 : memref<128x128xf32, #tpu.memory_space<vmem>>)
    %add3A_271 = arith.constant 640 : i32
    %add3A_272 = arith.addi %mul3A_2, %add3A_271 : i32
    %dma_start3A_273 = arith.constant 1 : i32
    %dma_start3A_274 = arith.constant 0 : i32
    %dma_start3A_275 = arith.constant 0 : i32
    %dma_start3A_276 = tpu.memref_slice %arg6[%dma_start3A_273, %dma_start3A_274, %dma_start3A_275] : memref<2x128x128xf32, #tpu.memory_space<vmem>> -> memref<1x128x128xf32, #tpu.memory_space<vmem>>
    %dma_start3A_277 = tpu.memref_squeeze %dma_start3A_276 : memref<1x128x128xf32, #tpu.memory_space<vmem>> -> memref<128x128xf32, #tpu.memory_space<vmem>>
    %dma_start3A_278 = arith.constant 0 : i32
    %dma_start3A_279 = tpu.memref_slice %arg4[%add3A_272, %dma_start3A_278] : memref<90112x128xf32, #tpu.memory_space<hbm>> -> memref<128x128xf32, #tpu.memory_space<hbm>>
    %dma_start3A_280 = arith.constant 0 : i32
    %dma_start3A_281 = tpu.memref_slice %arg4[%add3A_272, %dma_start3A_280] : memref<90112x128xf32, #tpu.memory_space<hbm>> -> memref<128x128xf32, #tpu.memory_space<hbm>>
    %dma_start3A_282 = arith.constant 0 : i32
    %dma_start3A_283 = arith.constant 0 : i32
    %dma_start3A_284 = tpu.memref_slice %arg6[%dma_start3A_273, %dma_start3A_282, %dma_start3A_283] : memref<2x128x128xf32, #tpu.memory_space<vmem>> -> memref<1x128x128xf32, #tpu.memory_space<vmem>>
    %dma_start3A_285 = tpu.memref_squeeze %dma_start3A_284 : memref<1x128x128xf32, #tpu.memory_space<vmem>> -> memref<128x128xf32, #tpu.memory_space<vmem>>
    tpu.enqueue_dma source(%dma_start3A_285 : memref<128x128xf32, #tpu.memory_space<vmem>>) target(%dma_start3A_281 : memref<128x128xf32, #tpu.memory_space<hbm>>) target_semaphore(%arg8 : memref<!tpu.dma_semaphore, #tpu.memory_space<semaphore_mem>>)
    %dma_wait3A_286 = arith.constant 1 : i32
    %dma_wait3A_287 = arith.constant 0 : i32
    %dma_wait3A_288 = arith.constant 0 : i32
    %dma_wait3A_289 = tpu.memref_slice %arg6[%dma_wait3A_286, %dma_wait3A_287, %dma_wait3A_288] : memref<2x128x128xf32, #tpu.memory_space<vmem>> -> memref<1x128x128xf32, #tpu.memory_space<vmem>>
    %dma_wait3A_290 = tpu.memref_squeeze %dma_wait3A_289 : memref<1x128x128xf32, #tpu.memory_space<vmem>> -> memref<128x128xf32, #tpu.memory_space<vmem>>
    %dma_wait3A_291 = arith.constant 0 : i32
    %dma_wait3A_292 = tpu.memref_slice %arg4[%add3A_272, %dma_wait3A_291] : memref<90112x128xf32, #tpu.memory_space<hbm>> -> memref<128x128xf32, #tpu.memory_space<hbm>>
    %dma_wait3A_293 = arith.constant 0 : i32
    %dma_wait3A_294 = tpu.memref_slice %arg4[%add3A_272, %dma_wait3A_293] : memref<90112x128xf32, #tpu.memory_space<hbm>> -> memref<128x128xf32, #tpu.memory_space<hbm>>
    %dma_wait3A_295 = arith.constant 0 : i32
    %dma_wait3A_296 = arith.constant 0 : i32
    %dma_wait3A_297 = tpu.memref_slice %arg6[%dma_wait3A_286, %dma_wait3A_295, %dma_wait3A_296] : memref<2x128x128xf32, #tpu.memory_space<vmem>> -> memref<1x128x128xf32, #tpu.memory_space<vmem>>
    %dma_wait3A_298 = tpu.memref_squeeze %dma_wait3A_297 : memref<1x128x128xf32, #tpu.memory_space<vmem>> -> memref<128x128xf32, #tpu.memory_space<vmem>>
    tpu.wait_dma2 semaphore(%arg8 : memref<!tpu.dma_semaphore, #tpu.memory_space<semaphore_mem>>) src(%dma_wait3A_298 : memref<128x128xf32, #tpu.memory_space<vmem>>) dst(%dma_wait3A_294 : memref<128x128xf32, #tpu.memory_space<hbm>>)
    %dma_start3A_299 = arith.constant 1 : i32
    %dma_start3A_300 = arith.constant 0 : i32
    %dma_start3A_301 = arith.constant 0 : i32
    %dma_start3A_302 = tpu.memref_slice %arg6[%dma_start3A_299, %dma_start3A_300, %dma_start3A_301] : memref<2x128x128xf32, #tpu.memory_space<vmem>> -> memref<1x128x128xf32, #tpu.memory_space<vmem>>
    %dma_start3A_303 = tpu.memref_squeeze %dma_start3A_302 : memref<1x128x128xf32, #tpu.memory_space<vmem>> -> memref<128x128xf32, #tpu.memory_space<vmem>>
    %dma_start3A_304 = arith.constant 896 : i32
    %dma_start3A_305 = tpu.memref_slice %arg5[%dma_start3A_304] : memref<2816xi32, #tpu.memory_space<vmem>> -> memref<128xi32, #tpu.memory_space<vmem>>
    %dma_start3A_306 = arith.constant 0 : i32
    %dma_start3A_307 = arith.constant 0 : i32
    %dma_start3A_308 = tpu.memref_slice %arg2[%dma_start3A_306, %dma_start3A_307] : memref<20488x128xf32, #tpu.memory_space<hbm>> -> memref<20488x128xf32, #tpu.memory_space<hbm>>
    tpu.enqueue_indirect_dma source(%dma_start3A_308 : memref<20488x128xf32, #tpu.memory_space<hbm>>) target(%dma_start3A_303 : memref<128x128xf32, #tpu.memory_space<vmem>>) offsets(%dma_start3A_305 : memref<128xi32, #tpu.memory_space<vmem>>) semaphore(%arg7 : memref<!tpu.dma_semaphore, #tpu.memory_space<semaphore_mem>>)
    %dma_wait3A_309 = arith.constant 0 : i32
    %dma_wait3A_310 = arith.constant 0 : i32
    %dma_wait3A_311 = arith.constant 0 : i32
    %dma_wait3A_312 = tpu.memref_slice %arg6[%dma_wait3A_309, %dma_wait3A_310, %dma_wait3A_311] : memref<2x128x128xf32, #tpu.memory_space<vmem>> -> memref<1x128x128xf32, #tpu.memory_space<vmem>>
    %dma_wait3A_313 = tpu.memref_squeeze %dma_wait3A_312 : memref<1x128x128xf32, #tpu.memory_space<vmem>> -> memref<128x128xf32, #tpu.memory_space<vmem>>
    %dma_wait3A_314 = arith.constant 768 : i32
    %dma_wait3A_315 = tpu.memref_slice %arg5[%dma_wait3A_314] : memref<2816xi32, #tpu.memory_space<vmem>> -> memref<128xi32, #tpu.memory_space<vmem>>
    %dma_wait3A_316 = arith.constant 0 : i32
    %dma_wait3A_317 = arith.constant 0 : i32
    %dma_wait3A_318 = tpu.memref_slice %arg2[%dma_wait3A_316, %dma_wait3A_317] : memref<20488x128xf32, #tpu.memory_space<hbm>> -> memref<20488x128xf32, #tpu.memory_space<hbm>>
    tpu.wait_indirect_dma semaphore(%arg7 : memref<!tpu.dma_semaphore, #tpu.memory_space<semaphore_mem>>) src(%dma_wait3A_318 : memref<20488x128xf32, #tpu.memory_space<hbm>>) dst(%dma_wait3A_313 : memref<128x128xf32, #tpu.memory_space<vmem>>)
    %add3A_319 = arith.constant 768 : i32
    %add3A_320 = arith.addi %mul3A_2, %add3A_319 : i32
    %dma_start3A_321 = arith.constant 0 : i32
    %dma_start3A_322 = arith.constant 0 : i32
    %dma_start3A_323 = arith.constant 0 : i32
    %dma_start3A_324 = tpu.memref_slice %arg6[%dma_start3A_321, %dma_start3A_322, %dma_start3A_323] : memref<2x128x128xf32, #tpu.memory_space<vmem>> -> memref<1x128x128xf32, #tpu.memory_space<vmem>>
    %dma_start3A_325 = tpu.memref_squeeze %dma_start3A_324 : memref<1x128x128xf32, #tpu.memory_space<vmem>> -> memref<128x128xf32, #tpu.memory_space<vmem>>
    %dma_start3A_326 = arith.constant 0 : i32
    %dma_start3A_327 = tpu.memref_slice %arg4[%add3A_320, %dma_start3A_326] : memref<90112x128xf32, #tpu.memory_space<hbm>> -> memref<128x128xf32, #tpu.memory_space<hbm>>
    %dma_start3A_328 = arith.constant 0 : i32
    %dma_start3A_329 = tpu.memref_slice %arg4[%add3A_320, %dma_start3A_328] : memref<90112x128xf32, #tpu.memory_space<hbm>> -> memref<128x128xf32, #tpu.memory_space<hbm>>
    %dma_start3A_330 = arith.constant 0 : i32
    %dma_start3A_331 = arith.constant 0 : i32
    %dma_start3A_332 = tpu.memref_slice %arg6[%dma_start3A_321, %dma_start3A_330, %dma_start3A_331] : memref<2x128x128xf32, #tpu.memory_space<vmem>> -> memref<1x128x128xf32, #tpu.memory_space<vmem>>
    %dma_start3A_333 = tpu.memref_squeeze %dma_start3A_332 : memref<1x128x128xf32, #tpu.memory_space<vmem>> -> memref<128x128xf32, #tpu.memory_space<vmem>>
    tpu.enqueue_dma source(%dma_start3A_333 : memref<128x128xf32, #tpu.memory_space<vmem>>) target(%dma_start3A_329 : memref<128x128xf32, #tpu.memory_space<hbm>>) target_semaphore(%arg8 : memref<!tpu.dma_semaphore, #tpu.memory_space<semaphore_mem>>)
    %dma_wait3A_334 = arith.constant 0 : i32
    %dma_wait3A_335 = arith.constant 0 : i32
    %dma_wait3A_336 = arith.constant 0 : i32
    %dma_wait3A_337 = tpu.memref_slice %arg6[%dma_wait3A_334, %dma_wait3A_335, %dma_wait3A_336] : memref<2x128x128xf32, #tpu.memory_space<vmem>> -> memref<1x128x128xf32, #tpu.memory_space<vmem>>
    %dma_wait3A_338 = tpu.memref_squeeze %dma_wait3A_337 : memref<1x128x128xf32, #tpu.memory_space<vmem>> -> memref<128x128xf32, #tpu.memory_space<vmem>>
    %dma_wait3A_339 = arith.constant 0 : i32
    %dma_wait3A_340 = tpu.memref_slice %arg4[%add3A_320, %dma_wait3A_339] : memref<90112x128xf32, #tpu.memory_space<hbm>> -> memref<128x128xf32, #tpu.memory_space<hbm>>
    %dma_wait3A_341 = arith.constant 0 : i32
    %dma_wait3A_342 = tpu.memref_slice %arg4[%add3A_320, %dma_wait3A_341] : memref<90112x128xf32, #tpu.memory_space<hbm>> -> memref<128x128xf32, #tpu.memory_space<hbm>>
    %dma_wait3A_343 = arith.constant 0 : i32
    %dma_wait3A_344 = arith.constant 0 : i32
    %dma_wait3A_345 = tpu.memref_slice %arg6[%dma_wait3A_334, %dma_wait3A_343, %dma_wait3A_344] : memref<2x128x128xf32, #tpu.memory_space<vmem>> -> memref<1x128x128xf32, #tpu.memory_space<vmem>>
    %dma_wait3A_346 = tpu.memref_squeeze %dma_wait3A_345 : memref<1x128x128xf32, #tpu.memory_space<vmem>> -> memref<128x128xf32, #tpu.memory_space<vmem>>
    tpu.wait_dma2 semaphore(%arg8 : memref<!tpu.dma_semaphore, #tpu.memory_space<semaphore_mem>>) src(%dma_wait3A_346 : memref<128x128xf32, #tpu.memory_space<vmem>>) dst(%dma_wait3A_342 : memref<128x128xf32, #tpu.memory_space<hbm>>)
    %dma_start3A_347 = arith.constant 0 : i32
    %dma_start3A_348 = arith.constant 0 : i32
    %dma_start3A_349 = arith.constant 0 : i32
    %dma_start3A_350 = tpu.memref_slice %arg6[%dma_start3A_347, %dma_start3A_348, %dma_start3A_349] : memref<2x128x128xf32, #tpu.memory_space<vmem>> -> memref<1x128x128xf32, #tpu.memory_space<vmem>>
    %dma_start3A_351 = tpu.memref_squeeze %dma_start3A_350 : memref<1x128x128xf32, #tpu.memory_space<vmem>> -> memref<128x128xf32, #tpu.memory_space<vmem>>
    %dma_start3A_352 = arith.constant 1024 : i32
    %dma_start3A_353 = tpu.memref_slice %arg5[%dma_start3A_352] : memref<2816xi32, #tpu.memory_space<vmem>> -> memref<128xi32, #tpu.memory_space<vmem>>
    %dma_start3A_354 = arith.constant 0 : i32
    %dma_start3A_355 = arith.constant 0 : i32
    %dma_start3A_356 = tpu.memref_slice %arg2[%dma_start3A_354, %dma_start3A_355] : memref<20488x128xf32, #tpu.memory_space<hbm>> -> memref<20488x128xf32, #tpu.memory_space<hbm>>
    tpu.enqueue_indirect_dma source(%dma_start3A_356 : memref<20488x128xf32, #tpu.memory_space<hbm>>) target(%dma_start3A_351 : memref<128x128xf32, #tpu.memory_space<vmem>>) offsets(%dma_start3A_353 : memref<128xi32, #tpu.memory_space<vmem>>) semaphore(%arg7 : memref<!tpu.dma_semaphore, #tpu.memory_space<semaphore_mem>>)
    %dma_wait3A_357 = arith.constant 1 : i32
    %dma_wait3A_358 = arith.constant 0 : i32
    %dma_wait3A_359 = arith.constant 0 : i32
    %dma_wait3A_360 = tpu.memref_slice %arg6[%dma_wait3A_357, %dma_wait3A_358, %dma_wait3A_359] : memref<2x128x128xf32, #tpu.memory_space<vmem>> -> memref<1x128x128xf32, #tpu.memory_space<vmem>>
    %dma_wait3A_361 = tpu.memref_squeeze %dma_wait3A_360 : memref<1x128x128xf32, #tpu.memory_space<vmem>> -> memref<128x128xf32, #tpu.memory_space<vmem>>
    %dma_wait3A_362 = arith.constant 896 : i32
    %dma_wait3A_363 = tpu.memref_slice %arg5[%dma_wait3A_362] : memref<2816xi32, #tpu.memory_space<vmem>> -> memref<128xi32, #tpu.memory_space<vmem>>
    %dma_wait3A_364 = arith.constant 0 : i32
    %dma_wait3A_365 = arith.constant 0 : i32
    %dma_wait3A_366 = tpu.memref_slice %arg2[%dma_wait3A_364, %dma_wait3A_365] : memref<20488x128xf32, #tpu.memory_space<hbm>> -> memref<20488x128xf32, #tpu.memory_space<hbm>>
    tpu.wait_indirect_dma semaphore(%arg7 : memref<!tpu.dma_semaphore, #tpu.memory_space<semaphore_mem>>) src(%dma_wait3A_366 : memref<20488x128xf32, #tpu.memory_space<hbm>>) dst(%dma_wait3A_361 : memref<128x128xf32, #tpu.memory_space<vmem>>)
    %add3A_367 = arith.constant 896 : i32
    %add3A_368 = arith.addi %mul3A_2, %add3A_367 : i32
    %dma_start3A_369 = arith.constant 1 : i32
    %dma_start3A_370 = arith.constant 0 : i32
    %dma_start3A_371 = arith.constant 0 : i32
    %dma_start3A_372 = tpu.memref_slice %arg6[%dma_start3A_369, %dma_start3A_370, %dma_start3A_371] : memref<2x128x128xf32, #tpu.memory_space<vmem>> -> memref<1x128x128xf32, #tpu.memory_space<vmem>>
    %dma_start3A_373 = tpu.memref_squeeze %dma_start3A_372 : memref<1x128x128xf32, #tpu.memory_space<vmem>> -> memref<128x128xf32, #tpu.memory_space<vmem>>
    %dma_start3A_374 = arith.constant 0 : i32
    %dma_start3A_375 = tpu.memref_slice %arg4[%add3A_368, %dma_start3A_374] : memref<90112x128xf32, #tpu.memory_space<hbm>> -> memref<128x128xf32, #tpu.memory_space<hbm>>
    %dma_start3A_376 = arith.constant 0 : i32
    %dma_start3A_377 = tpu.memref_slice %arg4[%add3A_368, %dma_start3A_376] : memref<90112x128xf32, #tpu.memory_space<hbm>> -> memref<128x128xf32, #tpu.memory_space<hbm>>
    %dma_start3A_378 = arith.constant 0 : i32
    %dma_start3A_379 = arith.constant 0 : i32
    %dma_start3A_380 = tpu.memref_slice %arg6[%dma_start3A_369, %dma_start3A_378, %dma_start3A_379] : memref<2x128x128xf32, #tpu.memory_space<vmem>> -> memref<1x128x128xf32, #tpu.memory_space<vmem>>
    %dma_start3A_381 = tpu.memref_squeeze %dma_start3A_380 : memref<1x128x128xf32, #tpu.memory_space<vmem>> -> memref<128x128xf32, #tpu.memory_space<vmem>>
    tpu.enqueue_dma source(%dma_start3A_381 : memref<128x128xf32, #tpu.memory_space<vmem>>) target(%dma_start3A_377 : memref<128x128xf32, #tpu.memory_space<hbm>>) target_semaphore(%arg8 : memref<!tpu.dma_semaphore, #tpu.memory_space<semaphore_mem>>)
    %dma_wait3A_382 = arith.constant 1 : i32
    %dma_wait3A_383 = arith.constant 0 : i32
    %dma_wait3A_384 = arith.constant 0 : i32
    %dma_wait3A_385 = tpu.memref_slice %arg6[%dma_wait3A_382, %dma_wait3A_383, %dma_wait3A_384] : memref<2x128x128xf32, #tpu.memory_space<vmem>> -> memref<1x128x128xf32, #tpu.memory_space<vmem>>
    %dma_wait3A_386 = tpu.memref_squeeze %dma_wait3A_385 : memref<1x128x128xf32, #tpu.memory_space<vmem>> -> memref<128x128xf32, #tpu.memory_space<vmem>>
    %dma_wait3A_387 = arith.constant 0 : i32
    %dma_wait3A_388 = tpu.memref_slice %arg4[%add3A_368, %dma_wait3A_387] : memref<90112x128xf32, #tpu.memory_space<hbm>> -> memref<128x128xf32, #tpu.memory_space<hbm>>
    %dma_wait3A_389 = arith.constant 0 : i32
    %dma_wait3A_390 = tpu.memref_slice %arg4[%add3A_368, %dma_wait3A_389] : memref<90112x128xf32, #tpu.memory_space<hbm>> -> memref<128x128xf32, #tpu.memory_space<hbm>>
    %dma_wait3A_391 = arith.constant 0 : i32
    %dma_wait3A_392 = arith.constant 0 : i32
    %dma_wait3A_393 = tpu.memref_slice %arg6[%dma_wait3A_382, %dma_wait3A_391, %dma_wait3A_392] : memref<2x128x128xf32, #tpu.memory_space<vmem>> -> memref<1x128x128xf32, #tpu.memory_space<vmem>>
    %dma_wait3A_394 = tpu.memref_squeeze %dma_wait3A_393 : memref<1x128x128xf32, #tpu.memory_space<vmem>> -> memref<128x128xf32, #tpu.memory_space<vmem>>
    tpu.wait_dma2 semaphore(%arg8 : memref<!tpu.dma_semaphore, #tpu.memory_space<semaphore_mem>>) src(%dma_wait3A_394 : memref<128x128xf32, #tpu.memory_space<vmem>>) dst(%dma_wait3A_390 : memref<128x128xf32, #tpu.memory_space<hbm>>)
    %dma_start3A_395 = arith.constant 1 : i32
    %dma_start3A_396 = arith.constant 0 : i32
    %dma_start3A_397 = arith.constant 0 : i32
    %dma_start3A_398 = tpu.memref_slice %arg6[%dma_start3A_395, %dma_start3A_396, %dma_start3A_397] : memref<2x128x128xf32, #tpu.memory_space<vmem>> -> memref<1x128x128xf32, #tpu.memory_space<vmem>>
    %dma_start3A_399 = tpu.memref_squeeze %dma_start3A_398 : memref<1x128x128xf32, #tpu.memory_space<vmem>> -> memref<128x128xf32, #tpu.memory_space<vmem>>
    %dma_start3A_400 = arith.constant 1152 : i32
    %dma_start3A_401 = tpu.memref_slice %arg5[%dma_start3A_400] : memref<2816xi32, #tpu.memory_space<vmem>> -> memref<128xi32, #tpu.memory_space<vmem>>
    %dma_start3A_402 = arith.constant 0 : i32
    %dma_start3A_403 = arith.constant 0 : i32
    %dma_start3A_404 = tpu.memref_slice %arg2[%dma_start3A_402, %dma_start3A_403] : memref<20488x128xf32, #tpu.memory_space<hbm>> -> memref<20488x128xf32, #tpu.memory_space<hbm>>
    tpu.enqueue_indirect_dma source(%dma_start3A_404 : memref<20488x128xf32, #tpu.memory_space<hbm>>) target(%dma_start3A_399 : memref<128x128xf32, #tpu.memory_space<vmem>>) offsets(%dma_start3A_401 : memref<128xi32, #tpu.memory_space<vmem>>) semaphore(%arg7 : memref<!tpu.dma_semaphore, #tpu.memory_space<semaphore_mem>>)
    %dma_wait3A_405 = arith.constant 0 : i32
    %dma_wait3A_406 = arith.constant 0 : i32
    %dma_wait3A_407 = arith.constant 0 : i32
    %dma_wait3A_408 = tpu.memref_slice %arg6[%dma_wait3A_405, %dma_wait3A_406, %dma_wait3A_407] : memref<2x128x128xf32, #tpu.memory_space<vmem>> -> memref<1x128x128xf32, #tpu.memory_space<vmem>>
    %dma_wait3A_409 = tpu.memref_squeeze %dma_wait3A_408 : memref<1x128x128xf32, #tpu.memory_space<vmem>> -> memref<128x128xf32, #tpu.memory_space<vmem>>
    %dma_wait3A_410 = arith.constant 1024 : i32
    %dma_wait3A_411 = tpu.memref_slice %arg5[%dma_wait3A_410] : memref<2816xi32, #tpu.memory_space<vmem>> -> memref<128xi32, #tpu.memory_space<vmem>>
    %dma_wait3A_412 = arith.constant 0 : i32
    %dma_wait3A_413 = arith.constant 0 : i32
    %dma_wait3A_414 = tpu.memref_slice %arg2[%dma_wait3A_412, %dma_wait3A_413] : memref<20488x128xf32, #tpu.memory_space<hbm>> -> memref<20488x128xf32, #tpu.memory_space<hbm>>
    tpu.wait_indirect_dma semaphore(%arg7 : memref<!tpu.dma_semaphore, #tpu.memory_space<semaphore_mem>>) src(%dma_wait3A_414 : memref<20488x128xf32, #tpu.memory_space<hbm>>) dst(%dma_wait3A_409 : memref<128x128xf32, #tpu.memory_space<vmem>>)
    %add3A_415 = arith.constant 1024 : i32
    %add3A_416 = arith.addi %mul3A_2, %add3A_415 : i32
    %dma_start3A_417 = arith.constant 0 : i32
    %dma_start3A_418 = arith.constant 0 : i32
    %dma_start3A_419 = arith.constant 0 : i32
    %dma_start3A_420 = tpu.memref_slice %arg6[%dma_start3A_417, %dma_start3A_418, %dma_start3A_419] : memref<2x128x128xf32, #tpu.memory_space<vmem>> -> memref<1x128x128xf32, #tpu.memory_space<vmem>>
    %dma_start3A_421 = tpu.memref_squeeze %dma_start3A_420 : memref<1x128x128xf32, #tpu.memory_space<vmem>> -> memref<128x128xf32, #tpu.memory_space<vmem>>
    %dma_start3A_422 = arith.constant 0 : i32
    %dma_start3A_423 = tpu.memref_slice %arg4[%add3A_416, %dma_start3A_422] : memref<90112x128xf32, #tpu.memory_space<hbm>> -> memref<128x128xf32, #tpu.memory_space<hbm>>
    %dma_start3A_424 = arith.constant 0 : i32
    %dma_start3A_425 = tpu.memref_slice %arg4[%add3A_416, %dma_start3A_424] : memref<90112x128xf32, #tpu.memory_space<hbm>> -> memref<128x128xf32, #tpu.memory_space<hbm>>
    %dma_start3A_426 = arith.constant 0 : i32
    %dma_start3A_427 = arith.constant 0 : i32
    %dma_start3A_428 = tpu.memref_slice %arg6[%dma_start3A_417, %dma_start3A_426, %dma_start3A_427] : memref<2x128x128xf32, #tpu.memory_space<vmem>> -> memref<1x128x128xf32, #tpu.memory_space<vmem>>
    %dma_start3A_429 = tpu.memref_squeeze %dma_start3A_428 : memref<1x128x128xf32, #tpu.memory_space<vmem>> -> memref<128x128xf32, #tpu.memory_space<vmem>>
    tpu.enqueue_dma source(%dma_start3A_429 : memref<128x128xf32, #tpu.memory_space<vmem>>) target(%dma_start3A_425 : memref<128x128xf32, #tpu.memory_space<hbm>>) target_semaphore(%arg8 : memref<!tpu.dma_semaphore, #tpu.memory_space<semaphore_mem>>)
    %dma_wait3A_430 = arith.constant 0 : i32
    %dma_wait3A_431 = arith.constant 0 : i32
    %dma_wait3A_432 = arith.constant 0 : i32
    %dma_wait3A_433 = tpu.memref_slice %arg6[%dma_wait3A_430, %dma_wait3A_431, %dma_wait3A_432] : memref<2x128x128xf32, #tpu.memory_space<vmem>> -> memref<1x128x128xf32, #tpu.memory_space<vmem>>
    %dma_wait3A_434 = tpu.memref_squeeze %dma_wait3A_433 : memref<1x128x128xf32, #tpu.memory_space<vmem>> -> memref<128x128xf32, #tpu.memory_space<vmem>>
    %dma_wait3A_435 = arith.constant 0 : i32
    %dma_wait3A_436 = tpu.memref_slice %arg4[%add3A_416, %dma_wait3A_435] : memref<90112x128xf32, #tpu.memory_space<hbm>> -> memref<128x128xf32, #tpu.memory_space<hbm>>
    %dma_wait3A_437 = arith.constant 0 : i32
    %dma_wait3A_438 = tpu.memref_slice %arg4[%add3A_416, %dma_wait3A_437] : memref<90112x128xf32, #tpu.memory_space<hbm>> -> memref<128x128xf32, #tpu.memory_space<hbm>>
    %dma_wait3A_439 = arith.constant 0 : i32
    %dma_wait3A_440 = arith.constant 0 : i32
    %dma_wait3A_441 = tpu.memref_slice %arg6[%dma_wait3A_430, %dma_wait3A_439, %dma_wait3A_440] : memref<2x128x128xf32, #tpu.memory_space<vmem>> -> memref<1x128x128xf32, #tpu.memory_space<vmem>>
    %dma_wait3A_442 = tpu.memref_squeeze %dma_wait3A_441 : memref<1x128x128xf32, #tpu.memory_space<vmem>> -> memref<128x128xf32, #tpu.memory_space<vmem>>
    tpu.wait_dma2 semaphore(%arg8 : memref<!tpu.dma_semaphore, #tpu.memory_space<semaphore_mem>>) src(%dma_wait3A_442 : memref<128x128xf32, #tpu.memory_space<vmem>>) dst(%dma_wait3A_438 : memref<128x128xf32, #tpu.memory_space<hbm>>)
    %dma_start3A_443 = arith.constant 0 : i32
    %dma_start3A_444 = arith.constant 0 : i32
    %dma_start3A_445 = arith.constant 0 : i32
    %dma_start3A_446 = tpu.memref_slice %arg6[%dma_start3A_443, %dma_start3A_444, %dma_start3A_445] : memref<2x128x128xf32, #tpu.memory_space<vmem>> -> memref<1x128x128xf32, #tpu.memory_space<vmem>>
    %dma_start3A_447 = tpu.memref_squeeze %dma_start3A_446 : memref<1x128x128xf32, #tpu.memory_space<vmem>> -> memref<128x128xf32, #tpu.memory_space<vmem>>
    %dma_start3A_448 = arith.constant 1280 : i32
    %dma_start3A_449 = tpu.memref_slice %arg5[%dma_start3A_448] : memref<2816xi32, #tpu.memory_space<vmem>> -> memref<128xi32, #tpu.memory_space<vmem>>
    %dma_start3A_450 = arith.constant 0 : i32
    %dma_start3A_451 = arith.constant 0 : i32
    %dma_start3A_452 = tpu.memref_slice %arg2[%dma_start3A_450, %dma_start3A_451] : memref<20488x128xf32, #tpu.memory_space<hbm>> -> memref<20488x128xf32, #tpu.memory_space<hbm>>
    tpu.enqueue_indirect_dma source(%dma_start3A_452 : memref<20488x128xf32, #tpu.memory_space<hbm>>) target(%dma_start3A_447 : memref<128x128xf32, #tpu.memory_space<vmem>>) offsets(%dma_start3A_449 : memref<128xi32, #tpu.memory_space<vmem>>) semaphore(%arg7 : memref<!tpu.dma_semaphore, #tpu.memory_space<semaphore_mem>>)
    %dma_wait3A_453 = arith.constant 1 : i32
    %dma_wait3A_454 = arith.constant 0 : i32
    %dma_wait3A_455 = arith.constant 0 : i32
    %dma_wait3A_456 = tpu.memref_slice %arg6[%dma_wait3A_453, %dma_wait3A_454, %dma_wait3A_455] : memref<2x128x128xf32, #tpu.memory_space<vmem>> -> memref<1x128x128xf32, #tpu.memory_space<vmem>>
    %dma_wait3A_457 = tpu.memref_squeeze %dma_wait3A_456 : memref<1x128x128xf32, #tpu.memory_space<vmem>> -> memref<128x128xf32, #tpu.memory_space<vmem>>
    %dma_wait3A_458 = arith.constant 1152 : i32
    %dma_wait3A_459 = tpu.memref_slice %arg5[%dma_wait3A_458] : memref<2816xi32, #tpu.memory_space<vmem>> -> memref<128xi32, #tpu.memory_space<vmem>>
    %dma_wait3A_460 = arith.constant 0 : i32
    %dma_wait3A_461 = arith.constant 0 : i32
    %dma_wait3A_462 = tpu.memref_slice %arg2[%dma_wait3A_460, %dma_wait3A_461] : memref<20488x128xf32, #tpu.memory_space<hbm>> -> memref<20488x128xf32, #tpu.memory_space<hbm>>
    tpu.wait_indirect_dma semaphore(%arg7 : memref<!tpu.dma_semaphore, #tpu.memory_space<semaphore_mem>>) src(%dma_wait3A_462 : memref<20488x128xf32, #tpu.memory_space<hbm>>) dst(%dma_wait3A_457 : memref<128x128xf32, #tpu.memory_space<vmem>>)
    %add3A_463 = arith.constant 1152 : i32
    %add3A_464 = arith.addi %mul3A_2, %add3A_463 : i32
    %dma_start3A_465 = arith.constant 1 : i32
    %dma_start3A_466 = arith.constant 0 : i32
    %dma_start3A_467 = arith.constant 0 : i32
    %dma_start3A_468 = tpu.memref_slice %arg6[%dma_start3A_465, %dma_start3A_466, %dma_start3A_467] : memref<2x128x128xf32, #tpu.memory_space<vmem>> -> memref<1x128x128xf32, #tpu.memory_space<vmem>>
    %dma_start3A_469 = tpu.memref_squeeze %dma_start3A_468 : memref<1x128x128xf32, #tpu.memory_space<vmem>> -> memref<128x128xf32, #tpu.memory_space<vmem>>
    %dma_start3A_470 = arith.constant 0 : i32
    %dma_start3A_471 = tpu.memref_slice %arg4[%add3A_464, %dma_start3A_470] : memref<90112x128xf32, #tpu.memory_space<hbm>> -> memref<128x128xf32, #tpu.memory_space<hbm>>
    %dma_start3A_472 = arith.constant 0 : i32
    %dma_start3A_473 = tpu.memref_slice %arg4[%add3A_464, %dma_start3A_472] : memref<90112x128xf32, #tpu.memory_space<hbm>> -> memref<128x128xf32, #tpu.memory_space<hbm>>
    %dma_start3A_474 = arith.constant 0 : i32
    %dma_start3A_475 = arith.constant 0 : i32
    %dma_start3A_476 = tpu.memref_slice %arg6[%dma_start3A_465, %dma_start3A_474, %dma_start3A_475] : memref<2x128x128xf32, #tpu.memory_space<vmem>> -> memref<1x128x128xf32, #tpu.memory_space<vmem>>
    %dma_start3A_477 = tpu.memref_squeeze %dma_start3A_476 : memref<1x128x128xf32, #tpu.memory_space<vmem>> -> memref<128x128xf32, #tpu.memory_space<vmem>>
    tpu.enqueue_dma source(%dma_start3A_477 : memref<128x128xf32, #tpu.memory_space<vmem>>) target(%dma_start3A_473 : memref<128x128xf32, #tpu.memory_space<hbm>>) target_semaphore(%arg8 : memref<!tpu.dma_semaphore, #tpu.memory_space<semaphore_mem>>)
    %dma_wait3A_478 = arith.constant 1 : i32
    %dma_wait3A_479 = arith.constant 0 : i32
    %dma_wait3A_480 = arith.constant 0 : i32
    %dma_wait3A_481 = tpu.memref_slice %arg6[%dma_wait3A_478, %dma_wait3A_479, %dma_wait3A_480] : memref<2x128x128xf32, #tpu.memory_space<vmem>> -> memref<1x128x128xf32, #tpu.memory_space<vmem>>
    %dma_wait3A_482 = tpu.memref_squeeze %dma_wait3A_481 : memref<1x128x128xf32, #tpu.memory_space<vmem>> -> memref<128x128xf32, #tpu.memory_space<vmem>>
    %dma_wait3A_483 = arith.constant 0 : i32
    %dma_wait3A_484 = tpu.memref_slice %arg4[%add3A_464, %dma_wait3A_483] : memref<90112x128xf32, #tpu.memory_space<hbm>> -> memref<128x128xf32, #tpu.memory_space<hbm>>
    %dma_wait3A_485 = arith.constant 0 : i32
    %dma_wait3A_486 = tpu.memref_slice %arg4[%add3A_464, %dma_wait3A_485] : memref<90112x128xf32, #tpu.memory_space<hbm>> -> memref<128x128xf32, #tpu.memory_space<hbm>>
    %dma_wait3A_487 = arith.constant 0 : i32
    %dma_wait3A_488 = arith.constant 0 : i32
    %dma_wait3A_489 = tpu.memref_slice %arg6[%dma_wait3A_478, %dma_wait3A_487, %dma_wait3A_488] : memref<2x128x128xf32, #tpu.memory_space<vmem>> -> memref<1x128x128xf32, #tpu.memory_space<vmem>>
    %dma_wait3A_490 = tpu.memref_squeeze %dma_wait3A_489 : memref<1x128x128xf32, #tpu.memory_space<vmem>> -> memref<128x128xf32, #tpu.memory_space<vmem>>
    tpu.wait_dma2 semaphore(%arg8 : memref<!tpu.dma_semaphore, #tpu.memory_space<semaphore_mem>>) src(%dma_wait3A_490 : memref<128x128xf32, #tpu.memory_space<vmem>>) dst(%dma_wait3A_486 : memref<128x128xf32, #tpu.memory_space<hbm>>)
    %dma_start3A_491 = arith.constant 1 : i32
    %dma_start3A_492 = arith.constant 0 : i32
    %dma_start3A_493 = arith.constant 0 : i32
    %dma_start3A_494 = tpu.memref_slice %arg6[%dma_start3A_491, %dma_start3A_492, %dma_start3A_493] : memref<2x128x128xf32, #tpu.memory_space<vmem>> -> memref<1x128x128xf32, #tpu.memory_space<vmem>>
    %dma_start3A_495 = tpu.memref_squeeze %dma_start3A_494 : memref<1x128x128xf32, #tpu.memory_space<vmem>> -> memref<128x128xf32, #tpu.memory_space<vmem>>
    %dma_start3A_496 = arith.constant 1408 : i32
    %dma_start3A_497 = tpu.memref_slice %arg5[%dma_start3A_496] : memref<2816xi32, #tpu.memory_space<vmem>> -> memref<128xi32, #tpu.memory_space<vmem>>
    %dma_start3A_498 = arith.constant 0 : i32
    %dma_start3A_499 = arith.constant 0 : i32
    %dma_start3A_500 = tpu.memref_slice %arg2[%dma_start3A_498, %dma_start3A_499] : memref<20488x128xf32, #tpu.memory_space<hbm>> -> memref<20488x128xf32, #tpu.memory_space<hbm>>
    tpu.enqueue_indirect_dma source(%dma_start3A_500 : memref<20488x128xf32, #tpu.memory_space<hbm>>) target(%dma_start3A_495 : memref<128x128xf32, #tpu.memory_space<vmem>>) offsets(%dma_start3A_497 : memref<128xi32, #tpu.memory_space<vmem>>) semaphore(%arg7 : memref<!tpu.dma_semaphore, #tpu.memory_space<semaphore_mem>>)
    %dma_wait3A_501 = arith.constant 0 : i32
    %dma_wait3A_502 = arith.constant 0 : i32
    %dma_wait3A_503 = arith.constant 0 : i32
    %dma_wait3A_504 = tpu.memref_slice %arg6[%dma_wait3A_501, %dma_wait3A_502, %dma_wait3A_503] : memref<2x128x128xf32, #tpu.memory_space<vmem>> -> memref<1x128x128xf32, #tpu.memory_space<vmem>>
    %dma_wait3A_505 = tpu.memref_squeeze %dma_wait3A_504 : memref<1x128x128xf32, #tpu.memory_space<vmem>> -> memref<128x128xf32, #tpu.memory_space<vmem>>
    %dma_wait3A_506 = arith.constant 1280 : i32
    %dma_wait3A_507 = tpu.memref_slice %arg5[%dma_wait3A_506] : memref<2816xi32, #tpu.memory_space<vmem>> -> memref<128xi32, #tpu.memory_space<vmem>>
    %dma_wait3A_508 = arith.constant 0 : i32
    %dma_wait3A_509 = arith.constant 0 : i32
    %dma_wait3A_510 = tpu.memref_slice %arg2[%dma_wait3A_508, %dma_wait3A_509] : memref<20488x128xf32, #tpu.memory_space<hbm>> -> memref<20488x128xf32, #tpu.memory_space<hbm>>
    tpu.wait_indirect_dma semaphore(%arg7 : memref<!tpu.dma_semaphore, #tpu.memory_space<semaphore_mem>>) src(%dma_wait3A_510 : memref<20488x128xf32, #tpu.memory_space<hbm>>) dst(%dma_wait3A_505 : memref<128x128xf32, #tpu.memory_space<vmem>>)
    %add3A_511 = arith.constant 1280 : i32
    %add3A_512 = arith.addi %mul3A_2, %add3A_511 : i32
    %dma_start3A_513 = arith.constant 0 : i32
    %dma_start3A_514 = arith.constant 0 : i32
    %dma_start3A_515 = arith.constant 0 : i32
    %dma_start3A_516 = tpu.memref_slice %arg6[%dma_start3A_513, %dma_start3A_514, %dma_start3A_515] : memref<2x128x128xf32, #tpu.memory_space<vmem>> -> memref<1x128x128xf32, #tpu.memory_space<vmem>>
    %dma_start3A_517 = tpu.memref_squeeze %dma_start3A_516 : memref<1x128x128xf32, #tpu.memory_space<vmem>> -> memref<128x128xf32, #tpu.memory_space<vmem>>
    %dma_start3A_518 = arith.constant 0 : i32
    %dma_start3A_519 = tpu.memref_slice %arg4[%add3A_512, %dma_start3A_518] : memref<90112x128xf32, #tpu.memory_space<hbm>> -> memref<128x128xf32, #tpu.memory_space<hbm>>
    %dma_start3A_520 = arith.constant 0 : i32
    %dma_start3A_521 = tpu.memref_slice %arg4[%add3A_512, %dma_start3A_520] : memref<90112x128xf32, #tpu.memory_space<hbm>> -> memref<128x128xf32, #tpu.memory_space<hbm>>
    %dma_start3A_522 = arith.constant 0 : i32
    %dma_start3A_523 = arith.constant 0 : i32
    %dma_start3A_524 = tpu.memref_slice %arg6[%dma_start3A_513, %dma_start3A_522, %dma_start3A_523] : memref<2x128x128xf32, #tpu.memory_space<vmem>> -> memref<1x128x128xf32, #tpu.memory_space<vmem>>
    %dma_start3A_525 = tpu.memref_squeeze %dma_start3A_524 : memref<1x128x128xf32, #tpu.memory_space<vmem>> -> memref<128x128xf32, #tpu.memory_space<vmem>>
    tpu.enqueue_dma source(%dma_start3A_525 : memref<128x128xf32, #tpu.memory_space<vmem>>) target(%dma_start3A_521 : memref<128x128xf32, #tpu.memory_space<hbm>>) target_semaphore(%arg8 : memref<!tpu.dma_semaphore, #tpu.memory_space<semaphore_mem>>)
    %dma_wait3A_526 = arith.constant 0 : i32
    %dma_wait3A_527 = arith.constant 0 : i32
    %dma_wait3A_528 = arith.constant 0 : i32
    %dma_wait3A_529 = tpu.memref_slice %arg6[%dma_wait3A_526, %dma_wait3A_527, %dma_wait3A_528] : memref<2x128x128xf32, #tpu.memory_space<vmem>> -> memref<1x128x128xf32, #tpu.memory_space<vmem>>
    %dma_wait3A_530 = tpu.memref_squeeze %dma_wait3A_529 : memref<1x128x128xf32, #tpu.memory_space<vmem>> -> memref<128x128xf32, #tpu.memory_space<vmem>>
    %dma_wait3A_531 = arith.constant 0 : i32
    %dma_wait3A_532 = tpu.memref_slice %arg4[%add3A_512, %dma_wait3A_531] : memref<90112x128xf32, #tpu.memory_space<hbm>> -> memref<128x128xf32, #tpu.memory_space<hbm>>
    %dma_wait3A_533 = arith.constant 0 : i32
    %dma_wait3A_534 = tpu.memref_slice %arg4[%add3A_512, %dma_wait3A_533] : memref<90112x128xf32, #tpu.memory_space<hbm>> -> memref<128x128xf32, #tpu.memory_space<hbm>>
    %dma_wait3A_535 = arith.constant 0 : i32
    %dma_wait3A_536 = arith.constant 0 : i32
    %dma_wait3A_537 = tpu.memref_slice %arg6[%dma_wait3A_526, %dma_wait3A_535, %dma_wait3A_536] : memref<2x128x128xf32, #tpu.memory_space<vmem>> -> memref<1x128x128xf32, #tpu.memory_space<vmem>>
    %dma_wait3A_538 = tpu.memref_squeeze %dma_wait3A_537 : memref<1x128x128xf32, #tpu.memory_space<vmem>> -> memref<128x128xf32, #tpu.memory_space<vmem>>
    tpu.wait_dma2 semaphore(%arg8 : memref<!tpu.dma_semaphore, #tpu.memory_space<semaphore_mem>>) src(%dma_wait3A_538 : memref<128x128xf32, #tpu.memory_space<vmem>>) dst(%dma_wait3A_534 : memref<128x128xf32, #tpu.memory_space<hbm>>)
    %dma_start3A_539 = arith.constant 0 : i32
    %dma_start3A_540 = arith.constant 0 : i32
    %dma_start3A_541 = arith.constant 0 : i32
    %dma_start3A_542 = tpu.memref_slice %arg6[%dma_start3A_539, %dma_start3A_540, %dma_start3A_541] : memref<2x128x128xf32, #tpu.memory_space<vmem>> -> memref<1x128x128xf32, #tpu.memory_space<vmem>>
    %dma_start3A_543 = tpu.memref_squeeze %dma_start3A_542 : memref<1x128x128xf32, #tpu.memory_space<vmem>> -> memref<128x128xf32, #tpu.memory_space<vmem>>
    %dma_start3A_544 = arith.constant 1536 : i32
    %dma_start3A_545 = tpu.memref_slice %arg5[%dma_start3A_544] : memref<2816xi32, #tpu.memory_space<vmem>> -> memref<128xi32, #tpu.memory_space<vmem>>
    %dma_start3A_546 = arith.constant 0 : i32
    %dma_start3A_547 = arith.constant 0 : i32
    %dma_start3A_548 = tpu.memref_slice %arg2[%dma_start3A_546, %dma_start3A_547] : memref<20488x128xf32, #tpu.memory_space<hbm>> -> memref<20488x128xf32, #tpu.memory_space<hbm>>
    tpu.enqueue_indirect_dma source(%dma_start3A_548 : memref<20488x128xf32, #tpu.memory_space<hbm>>) target(%dma_start3A_543 : memref<128x128xf32, #tpu.memory_space<vmem>>) offsets(%dma_start3A_545 : memref<128xi32, #tpu.memory_space<vmem>>) semaphore(%arg7 : memref<!tpu.dma_semaphore, #tpu.memory_space<semaphore_mem>>)
    %dma_wait3A_549 = arith.constant 1 : i32
    %dma_wait3A_550 = arith.constant 0 : i32
    %dma_wait3A_551 = arith.constant 0 : i32
    %dma_wait3A_552 = tpu.memref_slice %arg6[%dma_wait3A_549, %dma_wait3A_550, %dma_wait3A_551] : memref<2x128x128xf32, #tpu.memory_space<vmem>> -> memref<1x128x128xf32, #tpu.memory_space<vmem>>
    %dma_wait3A_553 = tpu.memref_squeeze %dma_wait3A_552 : memref<1x128x128xf32, #tpu.memory_space<vmem>> -> memref<128x128xf32, #tpu.memory_space<vmem>>
    %dma_wait3A_554 = arith.constant 1408 : i32
    %dma_wait3A_555 = tpu.memref_slice %arg5[%dma_wait3A_554] : memref<2816xi32, #tpu.memory_space<vmem>> -> memref<128xi32, #tpu.memory_space<vmem>>
    %dma_wait3A_556 = arith.constant 0 : i32
    %dma_wait3A_557 = arith.constant 0 : i32
    %dma_wait3A_558 = tpu.memref_slice %arg2[%dma_wait3A_556, %dma_wait3A_557] : memref<20488x128xf32, #tpu.memory_space<hbm>> -> memref<20488x128xf32, #tpu.memory_space<hbm>>
    tpu.wait_indirect_dma semaphore(%arg7 : memref<!tpu.dma_semaphore, #tpu.memory_space<semaphore_mem>>) src(%dma_wait3A_558 : memref<20488x128xf32, #tpu.memory_space<hbm>>) dst(%dma_wait3A_553 : memref<128x128xf32, #tpu.memory_space<vmem>>)
    %add3A_559 = arith.constant 1408 : i32
    %add3A_560 = arith.addi %mul3A_2, %add3A_559 : i32
    %dma_start3A_561 = arith.constant 1 : i32
    %dma_start3A_562 = arith.constant 0 : i32
    %dma_start3A_563 = arith.constant 0 : i32
    %dma_start3A_564 = tpu.memref_slice %arg6[%dma_start3A_561, %dma_start3A_562, %dma_start3A_563] : memref<2x128x128xf32, #tpu.memory_space<vmem>> -> memref<1x128x128xf32, #tpu.memory_space<vmem>>
    %dma_start3A_565 = tpu.memref_squeeze %dma_start3A_564 : memref<1x128x128xf32, #tpu.memory_space<vmem>> -> memref<128x128xf32, #tpu.memory_space<vmem>>
    %dma_start3A_566 = arith.constant 0 : i32
    %dma_start3A_567 = tpu.memref_slice %arg4[%add3A_560, %dma_start3A_566] : memref<90112x128xf32, #tpu.memory_space<hbm>> -> memref<128x128xf32, #tpu.memory_space<hbm>>
    %dma_start3A_568 = arith.constant 0 : i32
    %dma_start3A_569 = tpu.memref_slice %arg4[%add3A_560, %dma_start3A_568] : memref<90112x128xf32, #tpu.memory_space<hbm>> -> memref<128x128xf32, #tpu.memory_space<hbm>>
    %dma_start3A_570 = arith.constant 0 : i32
    %dma_start3A_571 = arith.constant 0 : i32
    %dma_start3A_572 = tpu.memref_slice %arg6[%dma_start3A_561, %dma_start3A_570, %dma_start3A_571] : memref<2x128x128xf32, #tpu.memory_space<vmem>> -> memref<1x128x128xf32, #tpu.memory_space<vmem>>
    %dma_start3A_573 = tpu.memref_squeeze %dma_start3A_572 : memref<1x128x128xf32, #tpu.memory_space<vmem>> -> memref<128x128xf32, #tpu.memory_space<vmem>>
    tpu.enqueue_dma source(%dma_start3A_573 : memref<128x128xf32, #tpu.memory_space<vmem>>) target(%dma_start3A_569 : memref<128x128xf32, #tpu.memory_space<hbm>>) target_semaphore(%arg8 : memref<!tpu.dma_semaphore, #tpu.memory_space<semaphore_mem>>)
    %dma_wait3A_574 = arith.constant 1 : i32
    %dma_wait3A_575 = arith.constant 0 : i32
    %dma_wait3A_576 = arith.constant 0 : i32
    %dma_wait3A_577 = tpu.memref_slice %arg6[%dma_wait3A_574, %dma_wait3A_575, %dma_wait3A_576] : memref<2x128x128xf32, #tpu.memory_space<vmem>> -> memref<1x128x128xf32, #tpu.memory_space<vmem>>
    %dma_wait3A_578 = tpu.memref_squeeze %dma_wait3A_577 : memref<1x128x128xf32, #tpu.memory_space<vmem>> -> memref<128x128xf32, #tpu.memory_space<vmem>>
    %dma_wait3A_579 = arith.constant 0 : i32
    %dma_wait3A_580 = tpu.memref_slice %arg4[%add3A_560, %dma_wait3A_579] : memref<90112x128xf32, #tpu.memory_space<hbm>> -> memref<128x128xf32, #tpu.memory_space<hbm>>
    %dma_wait3A_581 = arith.constant 0 : i32
    %dma_wait3A_582 = tpu.memref_slice %arg4[%add3A_560, %dma_wait3A_581] : memref<90112x128xf32, #tpu.memory_space<hbm>> -> memref<128x128xf32, #tpu.memory_space<hbm>>
    %dma_wait3A_583 = arith.constant 0 : i32
    %dma_wait3A_584 = arith.constant 0 : i32
    %dma_wait3A_585 = tpu.memref_slice %arg6[%dma_wait3A_574, %dma_wait3A_583, %dma_wait3A_584] : memref<2x128x128xf32, #tpu.memory_space<vmem>> -> memref<1x128x128xf32, #tpu.memory_space<vmem>>
    %dma_wait3A_586 = tpu.memref_squeeze %dma_wait3A_585 : memref<1x128x128xf32, #tpu.memory_space<vmem>> -> memref<128x128xf32, #tpu.memory_space<vmem>>
    tpu.wait_dma2 semaphore(%arg8 : memref<!tpu.dma_semaphore, #tpu.memory_space<semaphore_mem>>) src(%dma_wait3A_586 : memref<128x128xf32, #tpu.memory_space<vmem>>) dst(%dma_wait3A_582 : memref<128x128xf32, #tpu.memory_space<hbm>>)
    %dma_start3A_587 = arith.constant 1 : i32
    %dma_start3A_588 = arith.constant 0 : i32
    %dma_start3A_589 = arith.constant 0 : i32
    %dma_start3A_590 = tpu.memref_slice %arg6[%dma_start3A_587, %dma_start3A_588, %dma_start3A_589] : memref<2x128x128xf32, #tpu.memory_space<vmem>> -> memref<1x128x128xf32, #tpu.memory_space<vmem>>
    %dma_start3A_591 = tpu.memref_squeeze %dma_start3A_590 : memref<1x128x128xf32, #tpu.memory_space<vmem>> -> memref<128x128xf32, #tpu.memory_space<vmem>>
    %dma_start3A_592 = arith.constant 1664 : i32
    %dma_start3A_593 = tpu.memref_slice %arg5[%dma_start3A_592] : memref<2816xi32, #tpu.memory_space<vmem>> -> memref<128xi32, #tpu.memory_space<vmem>>
    %dma_start3A_594 = arith.constant 0 : i32
    %dma_start3A_595 = arith.constant 0 : i32
    %dma_start3A_596 = tpu.memref_slice %arg2[%dma_start3A_594, %dma_start3A_595] : memref<20488x128xf32, #tpu.memory_space<hbm>> -> memref<20488x128xf32, #tpu.memory_space<hbm>>
    tpu.enqueue_indirect_dma source(%dma_start3A_596 : memref<20488x128xf32, #tpu.memory_space<hbm>>) target(%dma_start3A_591 : memref<128x128xf32, #tpu.memory_space<vmem>>) offsets(%dma_start3A_593 : memref<128xi32, #tpu.memory_space<vmem>>) semaphore(%arg7 : memref<!tpu.dma_semaphore, #tpu.memory_space<semaphore_mem>>)
    %dma_wait3A_597 = arith.constant 0 : i32
    %dma_wait3A_598 = arith.constant 0 : i32
    %dma_wait3A_599 = arith.constant 0 : i32
    %dma_wait3A_600 = tpu.memref_slice %arg6[%dma_wait3A_597, %dma_wait3A_598, %dma_wait3A_599] : memref<2x128x128xf32, #tpu.memory_space<vmem>> -> memref<1x128x128xf32, #tpu.memory_space<vmem>>
    %dma_wait3A_601 = tpu.memref_squeeze %dma_wait3A_600 : memref<1x128x128xf32, #tpu.memory_space<vmem>> -> memref<128x128xf32, #tpu.memory_space<vmem>>
    %dma_wait3A_602 = arith.constant 1536 : i32
    %dma_wait3A_603 = tpu.memref_slice %arg5[%dma_wait3A_602] : memref<2816xi32, #tpu.memory_space<vmem>> -> memref<128xi32, #tpu.memory_space<vmem>>
    %dma_wait3A_604 = arith.constant 0 : i32
    %dma_wait3A_605 = arith.constant 0 : i32
    %dma_wait3A_606 = tpu.memref_slice %arg2[%dma_wait3A_604, %dma_wait3A_605] : memref<20488x128xf32, #tpu.memory_space<hbm>> -> memref<20488x128xf32, #tpu.memory_space<hbm>>
    tpu.wait_indirect_dma semaphore(%arg7 : memref<!tpu.dma_semaphore, #tpu.memory_space<semaphore_mem>>) src(%dma_wait3A_606 : memref<20488x128xf32, #tpu.memory_space<hbm>>) dst(%dma_wait3A_601 : memref<128x128xf32, #tpu.memory_space<vmem>>)
    %add3A_607 = arith.constant 1536 : i32
    %add3A_608 = arith.addi %mul3A_2, %add3A_607 : i32
    %dma_start3A_609 = arith.constant 0 : i32
    %dma_start3A_610 = arith.constant 0 : i32
    %dma_start3A_611 = arith.constant 0 : i32
    %dma_start3A_612 = tpu.memref_slice %arg6[%dma_start3A_609, %dma_start3A_610, %dma_start3A_611] : memref<2x128x128xf32, #tpu.memory_space<vmem>> -> memref<1x128x128xf32, #tpu.memory_space<vmem>>
    %dma_start3A_613 = tpu.memref_squeeze %dma_start3A_612 : memref<1x128x128xf32, #tpu.memory_space<vmem>> -> memref<128x128xf32, #tpu.memory_space<vmem>>
    %dma_start3A_614 = arith.constant 0 : i32
    %dma_start3A_615 = tpu.memref_slice %arg4[%add3A_608, %dma_start3A_614] : memref<90112x128xf32, #tpu.memory_space<hbm>> -> memref<128x128xf32, #tpu.memory_space<hbm>>
    %dma_start3A_616 = arith.constant 0 : i32
    %dma_start3A_617 = tpu.memref_slice %arg4[%add3A_608, %dma_start3A_616] : memref<90112x128xf32, #tpu.memory_space<hbm>> -> memref<128x128xf32, #tpu.memory_space<hbm>>
    %dma_start3A_618 = arith.constant 0 : i32
    %dma_start3A_619 = arith.constant 0 : i32
    %dma_start3A_620 = tpu.memref_slice %arg6[%dma_start3A_609, %dma_start3A_618, %dma_start3A_619] : memref<2x128x128xf32, #tpu.memory_space<vmem>> -> memref<1x128x128xf32, #tpu.memory_space<vmem>>
    %dma_start3A_621 = tpu.memref_squeeze %dma_start3A_620 : memref<1x128x128xf32, #tpu.memory_space<vmem>> -> memref<128x128xf32, #tpu.memory_space<vmem>>
    tpu.enqueue_dma source(%dma_start3A_621 : memref<128x128xf32, #tpu.memory_space<vmem>>) target(%dma_start3A_617 : memref<128x128xf32, #tpu.memory_space<hbm>>) target_semaphore(%arg8 : memref<!tpu.dma_semaphore, #tpu.memory_space<semaphore_mem>>)
    %dma_wait3A_622 = arith.constant 0 : i32
    %dma_wait3A_623 = arith.constant 0 : i32
    %dma_wait3A_624 = arith.constant 0 : i32
    %dma_wait3A_625 = tpu.memref_slice %arg6[%dma_wait3A_622, %dma_wait3A_623, %dma_wait3A_624] : memref<2x128x128xf32, #tpu.memory_space<vmem>> -> memref<1x128x128xf32, #tpu.memory_space<vmem>>
    %dma_wait3A_626 = tpu.memref_squeeze %dma_wait3A_625 : memref<1x128x128xf32, #tpu.memory_space<vmem>> -> memref<128x128xf32, #tpu.memory_space<vmem>>
    %dma_wait3A_627 = arith.constant 0 : i32
    %dma_wait3A_628 = tpu.memref_slice %arg4[%add3A_608, %dma_wait3A_627] : memref<90112x128xf32, #tpu.memory_space<hbm>> -> memref<128x128xf32, #tpu.memory_space<hbm>>
    %dma_wait3A_629 = arith.constant 0 : i32
    %dma_wait3A_630 = tpu.memref_slice %arg4[%add3A_608, %dma_wait3A_629] : memref<90112x128xf32, #tpu.memory_space<hbm>> -> memref<128x128xf32, #tpu.memory_space<hbm>>
    %dma_wait3A_631 = arith.constant 0 : i32
    %dma_wait3A_632 = arith.constant 0 : i32
    %dma_wait3A_633 = tpu.memref_slice %arg6[%dma_wait3A_622, %dma_wait3A_631, %dma_wait3A_632] : memref<2x128x128xf32, #tpu.memory_space<vmem>> -> memref<1x128x128xf32, #tpu.memory_space<vmem>>
    %dma_wait3A_634 = tpu.memref_squeeze %dma_wait3A_633 : memref<1x128x128xf32, #tpu.memory_space<vmem>> -> memref<128x128xf32, #tpu.memory_space<vmem>>
    tpu.wait_dma2 semaphore(%arg8 : memref<!tpu.dma_semaphore, #tpu.memory_space<semaphore_mem>>) src(%dma_wait3A_634 : memref<128x128xf32, #tpu.memory_space<vmem>>) dst(%dma_wait3A_630 : memref<128x128xf32, #tpu.memory_space<hbm>>)
    %dma_start3A_635 = arith.constant 0 : i32
    %dma_start3A_636 = arith.constant 0 : i32
    %dma_start3A_637 = arith.constant 0 : i32
    %dma_start3A_638 = tpu.memref_slice %arg6[%dma_start3A_635, %dma_start3A_636, %dma_start3A_637] : memref<2x128x128xf32, #tpu.memory_space<vmem>> -> memref<1x128x128xf32, #tpu.memory_space<vmem>>
    %dma_start3A_639 = tpu.memref_squeeze %dma_start3A_638 : memref<1x128x128xf32, #tpu.memory_space<vmem>> -> memref<128x128xf32, #tpu.memory_space<vmem>>
    %dma_start3A_640 = arith.constant 1792 : i32
    %dma_start3A_641 = tpu.memref_slice %arg5[%dma_start3A_640] : memref<2816xi32, #tpu.memory_space<vmem>> -> memref<128xi32, #tpu.memory_space<vmem>>
    %dma_start3A_642 = arith.constant 0 : i32
    %dma_start3A_643 = arith.constant 0 : i32
    %dma_start3A_644 = tpu.memref_slice %arg2[%dma_start3A_642, %dma_start3A_643] : memref<20488x128xf32, #tpu.memory_space<hbm>> -> memref<20488x128xf32, #tpu.memory_space<hbm>>
    tpu.enqueue_indirect_dma source(%dma_start3A_644 : memref<20488x128xf32, #tpu.memory_space<hbm>>) target(%dma_start3A_639 : memref<128x128xf32, #tpu.memory_space<vmem>>) offsets(%dma_start3A_641 : memref<128xi32, #tpu.memory_space<vmem>>) semaphore(%arg7 : memref<!tpu.dma_semaphore, #tpu.memory_space<semaphore_mem>>)
    %dma_wait3A_645 = arith.constant 1 : i32
    %dma_wait3A_646 = arith.constant 0 : i32
    %dma_wait3A_647 = arith.constant 0 : i32
    %dma_wait3A_648 = tpu.memref_slice %arg6[%dma_wait3A_645, %dma_wait3A_646, %dma_wait3A_647] : memref<2x128x128xf32, #tpu.memory_space<vmem>> -> memref<1x128x128xf32, #tpu.memory_space<vmem>>
    %dma_wait3A_649 = tpu.memref_squeeze %dma_wait3A_648 : memref<1x128x128xf32, #tpu.memory_space<vmem>> -> memref<128x128xf32, #tpu.memory_space<vmem>>
    %dma_wait3A_650 = arith.constant 1664 : i32
    %dma_wait3A_651 = tpu.memref_slice %arg5[%dma_wait3A_650] : memref<2816xi32, #tpu.memory_space<vmem>> -> memref<128xi32, #tpu.memory_space<vmem>>
    %dma_wait3A_652 = arith.constant 0 : i32
    %dma_wait3A_653 = arith.constant 0 : i32
    %dma_wait3A_654 = tpu.memref_slice %arg2[%dma_wait3A_652, %dma_wait3A_653] : memref<20488x128xf32, #tpu.memory_space<hbm>> -> memref<20488x128xf32, #tpu.memory_space<hbm>>
    tpu.wait_indirect_dma semaphore(%arg7 : memref<!tpu.dma_semaphore, #tpu.memory_space<semaphore_mem>>) src(%dma_wait3A_654 : memref<20488x128xf32, #tpu.memory_space<hbm>>) dst(%dma_wait3A_649 : memref<128x128xf32, #tpu.memory_space<vmem>>)
    %add3A_655 = arith.constant 1664 : i32
    %add3A_656 = arith.addi %mul3A_2, %add3A_655 : i32
    %dma_start3A_657 = arith.constant 1 : i32
    %dma_start3A_658 = arith.constant 0 : i32
    %dma_start3A_659 = arith.constant 0 : i32
    %dma_start3A_660 = tpu.memref_slice %arg6[%dma_start3A_657, %dma_start3A_658, %dma_start3A_659] : memref<2x128x128xf32, #tpu.memory_space<vmem>> -> memref<1x128x128xf32, #tpu.memory_space<vmem>>
    %dma_start3A_661 = tpu.memref_squeeze %dma_start3A_660 : memref<1x128x128xf32, #tpu.memory_space<vmem>> -> memref<128x128xf32, #tpu.memory_space<vmem>>
    %dma_start3A_662 = arith.constant 0 : i32
    %dma_start3A_663 = tpu.memref_slice %arg4[%add3A_656, %dma_start3A_662] : memref<90112x128xf32, #tpu.memory_space<hbm>> -> memref<128x128xf32, #tpu.memory_space<hbm>>
    %dma_start3A_664 = arith.constant 0 : i32
    %dma_start3A_665 = tpu.memref_slice %arg4[%add3A_656, %dma_start3A_664] : memref<90112x128xf32, #tpu.memory_space<hbm>> -> memref<128x128xf32, #tpu.memory_space<hbm>>
    %dma_start3A_666 = arith.constant 0 : i32
    %dma_start3A_667 = arith.constant 0 : i32
    %dma_start3A_668 = tpu.memref_slice %arg6[%dma_start3A_657, %dma_start3A_666, %dma_start3A_667] : memref<2x128x128xf32, #tpu.memory_space<vmem>> -> memref<1x128x128xf32, #tpu.memory_space<vmem>>
    %dma_start3A_669 = tpu.memref_squeeze %dma_start3A_668 : memref<1x128x128xf32, #tpu.memory_space<vmem>> -> memref<128x128xf32, #tpu.memory_space<vmem>>
    tpu.enqueue_dma source(%dma_start3A_669 : memref<128x128xf32, #tpu.memory_space<vmem>>) target(%dma_start3A_665 : memref<128x128xf32, #tpu.memory_space<hbm>>) target_semaphore(%arg8 : memref<!tpu.dma_semaphore, #tpu.memory_space<semaphore_mem>>)
    %dma_wait3A_670 = arith.constant 1 : i32
    %dma_wait3A_671 = arith.constant 0 : i32
    %dma_wait3A_672 = arith.constant 0 : i32
    %dma_wait3A_673 = tpu.memref_slice %arg6[%dma_wait3A_670, %dma_wait3A_671, %dma_wait3A_672] : memref<2x128x128xf32, #tpu.memory_space<vmem>> -> memref<1x128x128xf32, #tpu.memory_space<vmem>>
    %dma_wait3A_674 = tpu.memref_squeeze %dma_wait3A_673 : memref<1x128x128xf32, #tpu.memory_space<vmem>> -> memref<128x128xf32, #tpu.memory_space<vmem>>
    %dma_wait3A_675 = arith.constant 0 : i32
    %dma_wait3A_676 = tpu.memref_slice %arg4[%add3A_656, %dma_wait3A_675] : memref<90112x128xf32, #tpu.memory_space<hbm>> -> memref<128x128xf32, #tpu.memory_space<hbm>>
    %dma_wait3A_677 = arith.constant 0 : i32
    %dma_wait3A_678 = tpu.memref_slice %arg4[%add3A_656, %dma_wait3A_677] : memref<90112x128xf32, #tpu.memory_space<hbm>> -> memref<128x128xf32, #tpu.memory_space<hbm>>
    %dma_wait3A_679 = arith.constant 0 : i32
    %dma_wait3A_680 = arith.constant 0 : i32
    %dma_wait3A_681 = tpu.memref_slice %arg6[%dma_wait3A_670, %dma_wait3A_679, %dma_wait3A_680] : memref<2x128x128xf32, #tpu.memory_space<vmem>> -> memref<1x128x128xf32, #tpu.memory_space<vmem>>
    %dma_wait3A_682 = tpu.memref_squeeze %dma_wait3A_681 : memref<1x128x128xf32, #tpu.memory_space<vmem>> -> memref<128x128xf32, #tpu.memory_space<vmem>>
    tpu.wait_dma2 semaphore(%arg8 : memref<!tpu.dma_semaphore, #tpu.memory_space<semaphore_mem>>) src(%dma_wait3A_682 : memref<128x128xf32, #tpu.memory_space<vmem>>) dst(%dma_wait3A_678 : memref<128x128xf32, #tpu.memory_space<hbm>>)
    %dma_start3A_683 = arith.constant 1 : i32
    %dma_start3A_684 = arith.constant 0 : i32
    %dma_start3A_685 = arith.constant 0 : i32
    %dma_start3A_686 = tpu.memref_slice %arg6[%dma_start3A_683, %dma_start3A_684, %dma_start3A_685] : memref<2x128x128xf32, #tpu.memory_space<vmem>> -> memref<1x128x128xf32, #tpu.memory_space<vmem>>
    %dma_start3A_687 = tpu.memref_squeeze %dma_start3A_686 : memref<1x128x128xf32, #tpu.memory_space<vmem>> -> memref<128x128xf32, #tpu.memory_space<vmem>>
    %dma_start3A_688 = arith.constant 1920 : i32
    %dma_start3A_689 = tpu.memref_slice %arg5[%dma_start3A_688] : memref<2816xi32, #tpu.memory_space<vmem>> -> memref<128xi32, #tpu.memory_space<vmem>>
    %dma_start3A_690 = arith.constant 0 : i32
    %dma_start3A_691 = arith.constant 0 : i32
    %dma_start3A_692 = tpu.memref_slice %arg2[%dma_start3A_690, %dma_start3A_691] : memref<20488x128xf32, #tpu.memory_space<hbm>> -> memref<20488x128xf32, #tpu.memory_space<hbm>>
    tpu.enqueue_indirect_dma source(%dma_start3A_692 : memref<20488x128xf32, #tpu.memory_space<hbm>>) target(%dma_start3A_687 : memref<128x128xf32, #tpu.memory_space<vmem>>) offsets(%dma_start3A_689 : memref<128xi32, #tpu.memory_space<vmem>>) semaphore(%arg7 : memref<!tpu.dma_semaphore, #tpu.memory_space<semaphore_mem>>)
    %dma_wait3A_693 = arith.constant 0 : i32
    %dma_wait3A_694 = arith.constant 0 : i32
    %dma_wait3A_695 = arith.constant 0 : i32
    %dma_wait3A_696 = tpu.memref_slice %arg6[%dma_wait3A_693, %dma_wait3A_694, %dma_wait3A_695] : memref<2x128x128xf32, #tpu.memory_space<vmem>> -> memref<1x128x128xf32, #tpu.memory_space<vmem>>
    %dma_wait3A_697 = tpu.memref_squeeze %dma_wait3A_696 : memref<1x128x128xf32, #tpu.memory_space<vmem>> -> memref<128x128xf32, #tpu.memory_space<vmem>>
    %dma_wait3A_698 = arith.constant 1792 : i32
    %dma_wait3A_699 = tpu.memref_slice %arg5[%dma_wait3A_698] : memref<2816xi32, #tpu.memory_space<vmem>> -> memref<128xi32, #tpu.memory_space<vmem>>
    %dma_wait3A_700 = arith.constant 0 : i32
    %dma_wait3A_701 = arith.constant 0 : i32
    %dma_wait3A_702 = tpu.memref_slice %arg2[%dma_wait3A_700, %dma_wait3A_701] : memref<20488x128xf32, #tpu.memory_space<hbm>> -> memref<20488x128xf32, #tpu.memory_space<hbm>>
    tpu.wait_indirect_dma semaphore(%arg7 : memref<!tpu.dma_semaphore, #tpu.memory_space<semaphore_mem>>) src(%dma_wait3A_702 : memref<20488x128xf32, #tpu.memory_space<hbm>>) dst(%dma_wait3A_697 : memref<128x128xf32, #tpu.memory_space<vmem>>)
    %add3A_703 = arith.constant 1792 : i32
    %add3A_704 = arith.addi %mul3A_2, %add3A_703 : i32
    %dma_start3A_705 = arith.constant 0 : i32
    %dma_start3A_706 = arith.constant 0 : i32
    %dma_start3A_707 = arith.constant 0 : i32
    %dma_start3A_708 = tpu.memref_slice %arg6[%dma_start3A_705, %dma_start3A_706, %dma_start3A_707] : memref<2x128x128xf32, #tpu.memory_space<vmem>> -> memref<1x128x128xf32, #tpu.memory_space<vmem>>
    %dma_start3A_709 = tpu.memref_squeeze %dma_start3A_708 : memref<1x128x128xf32, #tpu.memory_space<vmem>> -> memref<128x128xf32, #tpu.memory_space<vmem>>
    %dma_start3A_710 = arith.constant 0 : i32
    %dma_start3A_711 = tpu.memref_slice %arg4[%add3A_704, %dma_start3A_710] : memref<90112x128xf32, #tpu.memory_space<hbm>> -> memref<128x128xf32, #tpu.memory_space<hbm>>
    %dma_start3A_712 = arith.constant 0 : i32
    %dma_start3A_713 = tpu.memref_slice %arg4[%add3A_704, %dma_start3A_712] : memref<90112x128xf32, #tpu.memory_space<hbm>> -> memref<128x128xf32, #tpu.memory_space<hbm>>
    %dma_start3A_714 = arith.constant 0 : i32
    %dma_start3A_715 = arith.constant 0 : i32
    %dma_start3A_716 = tpu.memref_slice %arg6[%dma_start3A_705, %dma_start3A_714, %dma_start3A_715] : memref<2x128x128xf32, #tpu.memory_space<vmem>> -> memref<1x128x128xf32, #tpu.memory_space<vmem>>
    %dma_start3A_717 = tpu.memref_squeeze %dma_start3A_716 : memref<1x128x128xf32, #tpu.memory_space<vmem>> -> memref<128x128xf32, #tpu.memory_space<vmem>>
    tpu.enqueue_dma source(%dma_start3A_717 : memref<128x128xf32, #tpu.memory_space<vmem>>) target(%dma_start3A_713 : memref<128x128xf32, #tpu.memory_space<hbm>>) target_semaphore(%arg8 : memref<!tpu.dma_semaphore, #tpu.memory_space<semaphore_mem>>)
    %dma_wait3A_718 = arith.constant 0 : i32
    %dma_wait3A_719 = arith.constant 0 : i32
    %dma_wait3A_720 = arith.constant 0 : i32
    %dma_wait3A_721 = tpu.memref_slice %arg6[%dma_wait3A_718, %dma_wait3A_719, %dma_wait3A_720] : memref<2x128x128xf32, #tpu.memory_space<vmem>> -> memref<1x128x128xf32, #tpu.memory_space<vmem>>
    %dma_wait3A_722 = tpu.memref_squeeze %dma_wait3A_721 : memref<1x128x128xf32, #tpu.memory_space<vmem>> -> memref<128x128xf32, #tpu.memory_space<vmem>>
    %dma_wait3A_723 = arith.constant 0 : i32
    %dma_wait3A_724 = tpu.memref_slice %arg4[%add3A_704, %dma_wait3A_723] : memref<90112x128xf32, #tpu.memory_space<hbm>> -> memref<128x128xf32, #tpu.memory_space<hbm>>
    %dma_wait3A_725 = arith.constant 0 : i32
    %dma_wait3A_726 = tpu.memref_slice %arg4[%add3A_704, %dma_wait3A_725] : memref<90112x128xf32, #tpu.memory_space<hbm>> -> memref<128x128xf32, #tpu.memory_space<hbm>>
    %dma_wait3A_727 = arith.constant 0 : i32
    %dma_wait3A_728 = arith.constant 0 : i32
    %dma_wait3A_729 = tpu.memref_slice %arg6[%dma_wait3A_718, %dma_wait3A_727, %dma_wait3A_728] : memref<2x128x128xf32, #tpu.memory_space<vmem>> -> memref<1x128x128xf32, #tpu.memory_space<vmem>>
    %dma_wait3A_730 = tpu.memref_squeeze %dma_wait3A_729 : memref<1x128x128xf32, #tpu.memory_space<vmem>> -> memref<128x128xf32, #tpu.memory_space<vmem>>
    tpu.wait_dma2 semaphore(%arg8 : memref<!tpu.dma_semaphore, #tpu.memory_space<semaphore_mem>>) src(%dma_wait3A_730 : memref<128x128xf32, #tpu.memory_space<vmem>>) dst(%dma_wait3A_726 : memref<128x128xf32, #tpu.memory_space<hbm>>)
    %dma_start3A_731 = arith.constant 0 : i32
    %dma_start3A_732 = arith.constant 0 : i32
    %dma_start3A_733 = arith.constant 0 : i32
    %dma_start3A_734 = tpu.memref_slice %arg6[%dma_start3A_731, %dma_start3A_732, %dma_start3A_733] : memref<2x128x128xf32, #tpu.memory_space<vmem>> -> memref<1x128x128xf32, #tpu.memory_space<vmem>>
    %dma_start3A_735 = tpu.memref_squeeze %dma_start3A_734 : memref<1x128x128xf32, #tpu.memory_space<vmem>> -> memref<128x128xf32, #tpu.memory_space<vmem>>
    %dma_start3A_736 = arith.constant 2048 : i32
    %dma_start3A_737 = tpu.memref_slice %arg5[%dma_start3A_736] : memref<2816xi32, #tpu.memory_space<vmem>> -> memref<128xi32, #tpu.memory_space<vmem>>
    %dma_start3A_738 = arith.constant 0 : i32
    %dma_start3A_739 = arith.constant 0 : i32
    %dma_start3A_740 = tpu.memref_slice %arg2[%dma_start3A_738, %dma_start3A_739] : memref<20488x128xf32, #tpu.memory_space<hbm>> -> memref<20488x128xf32, #tpu.memory_space<hbm>>
    tpu.enqueue_indirect_dma source(%dma_start3A_740 : memref<20488x128xf32, #tpu.memory_space<hbm>>) target(%dma_start3A_735 : memref<128x128xf32, #tpu.memory_space<vmem>>) offsets(%dma_start3A_737 : memref<128xi32, #tpu.memory_space<vmem>>) semaphore(%arg7 : memref<!tpu.dma_semaphore, #tpu.memory_space<semaphore_mem>>)
    %dma_wait3A_741 = arith.constant 1 : i32
    %dma_wait3A_742 = arith.constant 0 : i32
    %dma_wait3A_743 = arith.constant 0 : i32
    %dma_wait3A_744 = tpu.memref_slice %arg6[%dma_wait3A_741, %dma_wait3A_742, %dma_wait3A_743] : memref<2x128x128xf32, #tpu.memory_space<vmem>> -> memref<1x128x128xf32, #tpu.memory_space<vmem>>
    %dma_wait3A_745 = tpu.memref_squeeze %dma_wait3A_744 : memref<1x128x128xf32, #tpu.memory_space<vmem>> -> memref<128x128xf32, #tpu.memory_space<vmem>>
    %dma_wait3A_746 = arith.constant 1920 : i32
    %dma_wait3A_747 = tpu.memref_slice %arg5[%dma_wait3A_746] : memref<2816xi32, #tpu.memory_space<vmem>> -> memref<128xi32, #tpu.memory_space<vmem>>
    %dma_wait3A_748 = arith.constant 0 : i32
    %dma_wait3A_749 = arith.constant 0 : i32
    %dma_wait3A_750 = tpu.memref_slice %arg2[%dma_wait3A_748, %dma_wait3A_749] : memref<20488x128xf32, #tpu.memory_space<hbm>> -> memref<20488x128xf32, #tpu.memory_space<hbm>>
    tpu.wait_indirect_dma semaphore(%arg7 : memref<!tpu.dma_semaphore, #tpu.memory_space<semaphore_mem>>) src(%dma_wait3A_750 : memref<20488x128xf32, #tpu.memory_space<hbm>>) dst(%dma_wait3A_745 : memref<128x128xf32, #tpu.memory_space<vmem>>)
    %add3A_751 = arith.constant 1920 : i32
    %add3A_752 = arith.addi %mul3A_2, %add3A_751 : i32
    %dma_start3A_753 = arith.constant 1 : i32
    %dma_start3A_754 = arith.constant 0 : i32
    %dma_start3A_755 = arith.constant 0 : i32
    %dma_start3A_756 = tpu.memref_slice %arg6[%dma_start3A_753, %dma_start3A_754, %dma_start3A_755] : memref<2x128x128xf32, #tpu.memory_space<vmem>> -> memref<1x128x128xf32, #tpu.memory_space<vmem>>
    %dma_start3A_757 = tpu.memref_squeeze %dma_start3A_756 : memref<1x128x128xf32, #tpu.memory_space<vmem>> -> memref<128x128xf32, #tpu.memory_space<vmem>>
    %dma_start3A_758 = arith.constant 0 : i32
    %dma_start3A_759 = tpu.memref_slice %arg4[%add3A_752, %dma_start3A_758] : memref<90112x128xf32, #tpu.memory_space<hbm>> -> memref<128x128xf32, #tpu.memory_space<hbm>>
    %dma_start3A_760 = arith.constant 0 : i32
    %dma_start3A_761 = tpu.memref_slice %arg4[%add3A_752, %dma_start3A_760] : memref<90112x128xf32, #tpu.memory_space<hbm>> -> memref<128x128xf32, #tpu.memory_space<hbm>>
    %dma_start3A_762 = arith.constant 0 : i32
    %dma_start3A_763 = arith.constant 0 : i32
    %dma_start3A_764 = tpu.memref_slice %arg6[%dma_start3A_753, %dma_start3A_762, %dma_start3A_763] : memref<2x128x128xf32, #tpu.memory_space<vmem>> -> memref<1x128x128xf32, #tpu.memory_space<vmem>>
    %dma_start3A_765 = tpu.memref_squeeze %dma_start3A_764 : memref<1x128x128xf32, #tpu.memory_space<vmem>> -> memref<128x128xf32, #tpu.memory_space<vmem>>
    tpu.enqueue_dma source(%dma_start3A_765 : memref<128x128xf32, #tpu.memory_space<vmem>>) target(%dma_start3A_761 : memref<128x128xf32, #tpu.memory_space<hbm>>) target_semaphore(%arg8 : memref<!tpu.dma_semaphore, #tpu.memory_space<semaphore_mem>>)
    %dma_wait3A_766 = arith.constant 1 : i32
    %dma_wait3A_767 = arith.constant 0 : i32
    %dma_wait3A_768 = arith.constant 0 : i32
    %dma_wait3A_769 = tpu.memref_slice %arg6[%dma_wait3A_766, %dma_wait3A_767, %dma_wait3A_768] : memref<2x128x128xf32, #tpu.memory_space<vmem>> -> memref<1x128x128xf32, #tpu.memory_space<vmem>>
    %dma_wait3A_770 = tpu.memref_squeeze %dma_wait3A_769 : memref<1x128x128xf32, #tpu.memory_space<vmem>> -> memref<128x128xf32, #tpu.memory_space<vmem>>
    %dma_wait3A_771 = arith.constant 0 : i32
    %dma_wait3A_772 = tpu.memref_slice %arg4[%add3A_752, %dma_wait3A_771] : memref<90112x128xf32, #tpu.memory_space<hbm>> -> memref<128x128xf32, #tpu.memory_space<hbm>>
    %dma_wait3A_773 = arith.constant 0 : i32
    %dma_wait3A_774 = tpu.memref_slice %arg4[%add3A_752, %dma_wait3A_773] : memref<90112x128xf32, #tpu.memory_space<hbm>> -> memref<128x128xf32, #tpu.memory_space<hbm>>
    %dma_wait3A_775 = arith.constant 0 : i32
    %dma_wait3A_776 = arith.constant 0 : i32
    %dma_wait3A_777 = tpu.memref_slice %arg6[%dma_wait3A_766, %dma_wait3A_775, %dma_wait3A_776] : memref<2x128x128xf32, #tpu.memory_space<vmem>> -> memref<1x128x128xf32, #tpu.memory_space<vmem>>
    %dma_wait3A_778 = tpu.memref_squeeze %dma_wait3A_777 : memref<1x128x128xf32, #tpu.memory_space<vmem>> -> memref<128x128xf32, #tpu.memory_space<vmem>>
    tpu.wait_dma2 semaphore(%arg8 : memref<!tpu.dma_semaphore, #tpu.memory_space<semaphore_mem>>) src(%dma_wait3A_778 : memref<128x128xf32, #tpu.memory_space<vmem>>) dst(%dma_wait3A_774 : memref<128x128xf32, #tpu.memory_space<hbm>>)
    %dma_start3A_779 = arith.constant 1 : i32
    %dma_start3A_780 = arith.constant 0 : i32
    %dma_start3A_781 = arith.constant 0 : i32
    %dma_start3A_782 = tpu.memref_slice %arg6[%dma_start3A_779, %dma_start3A_780, %dma_start3A_781] : memref<2x128x128xf32, #tpu.memory_space<vmem>> -> memref<1x128x128xf32, #tpu.memory_space<vmem>>
    %dma_start3A_783 = tpu.memref_squeeze %dma_start3A_782 : memref<1x128x128xf32, #tpu.memory_space<vmem>> -> memref<128x128xf32, #tpu.memory_space<vmem>>
    %dma_start3A_784 = arith.constant 2176 : i32
    %dma_start3A_785 = tpu.memref_slice %arg5[%dma_start3A_784] : memref<2816xi32, #tpu.memory_space<vmem>> -> memref<128xi32, #tpu.memory_space<vmem>>
    %dma_start3A_786 = arith.constant 0 : i32
    %dma_start3A_787 = arith.constant 0 : i32
    %dma_start3A_788 = tpu.memref_slice %arg2[%dma_start3A_786, %dma_start3A_787] : memref<20488x128xf32, #tpu.memory_space<hbm>> -> memref<20488x128xf32, #tpu.memory_space<hbm>>
    tpu.enqueue_indirect_dma source(%dma_start3A_788 : memref<20488x128xf32, #tpu.memory_space<hbm>>) target(%dma_start3A_783 : memref<128x128xf32, #tpu.memory_space<vmem>>) offsets(%dma_start3A_785 : memref<128xi32, #tpu.memory_space<vmem>>) semaphore(%arg7 : memref<!tpu.dma_semaphore, #tpu.memory_space<semaphore_mem>>)
    %dma_wait3A_789 = arith.constant 0 : i32
    %dma_wait3A_790 = arith.constant 0 : i32
    %dma_wait3A_791 = arith.constant 0 : i32
    %dma_wait3A_792 = tpu.memref_slice %arg6[%dma_wait3A_789, %dma_wait3A_790, %dma_wait3A_791] : memref<2x128x128xf32, #tpu.memory_space<vmem>> -> memref<1x128x128xf32, #tpu.memory_space<vmem>>
    %dma_wait3A_793 = tpu.memref_squeeze %dma_wait3A_792 : memref<1x128x128xf32, #tpu.memory_space<vmem>> -> memref<128x128xf32, #tpu.memory_space<vmem>>
    %dma_wait3A_794 = arith.constant 2048 : i32
    %dma_wait3A_795 = tpu.memref_slice %arg5[%dma_wait3A_794] : memref<2816xi32, #tpu.memory_space<vmem>> -> memref<128xi32, #tpu.memory_space<vmem>>
    %dma_wait3A_796 = arith.constant 0 : i32
    %dma_wait3A_797 = arith.constant 0 : i32
    %dma_wait3A_798 = tpu.memref_slice %arg2[%dma_wait3A_796, %dma_wait3A_797] : memref<20488x128xf32, #tpu.memory_space<hbm>> -> memref<20488x128xf32, #tpu.memory_space<hbm>>
    tpu.wait_indirect_dma semaphore(%arg7 : memref<!tpu.dma_semaphore, #tpu.memory_space<semaphore_mem>>) src(%dma_wait3A_798 : memref<20488x128xf32, #tpu.memory_space<hbm>>) dst(%dma_wait3A_793 : memref<128x128xf32, #tpu.memory_space<vmem>>)
    %add3A_799 = arith.constant 2048 : i32
    %add3A_800 = arith.addi %mul3A_2, %add3A_799 : i32
    %dma_start3A_801 = arith.constant 0 : i32
    %dma_start3A_802 = arith.constant 0 : i32
    %dma_start3A_803 = arith.constant 0 : i32
    %dma_start3A_804 = tpu.memref_slice %arg6[%dma_start3A_801, %dma_start3A_802, %dma_start3A_803] : memref<2x128x128xf32, #tpu.memory_space<vmem>> -> memref<1x128x128xf32, #tpu.memory_space<vmem>>
    %dma_start3A_805 = tpu.memref_squeeze %dma_start3A_804 : memref<1x128x128xf32, #tpu.memory_space<vmem>> -> memref<128x128xf32, #tpu.memory_space<vmem>>
    %dma_start3A_806 = arith.constant 0 : i32
    %dma_start3A_807 = tpu.memref_slice %arg4[%add3A_800, %dma_start3A_806] : memref<90112x128xf32, #tpu.memory_space<hbm>> -> memref<128x128xf32, #tpu.memory_space<hbm>>
    %dma_start3A_808 = arith.constant 0 : i32
    %dma_start3A_809 = tpu.memref_slice %arg4[%add3A_800, %dma_start3A_808] : memref<90112x128xf32, #tpu.memory_space<hbm>> -> memref<128x128xf32, #tpu.memory_space<hbm>>
    %dma_start3A_810 = arith.constant 0 : i32
    %dma_start3A_811 = arith.constant 0 : i32
    %dma_start3A_812 = tpu.memref_slice %arg6[%dma_start3A_801, %dma_start3A_810, %dma_start3A_811] : memref<2x128x128xf32, #tpu.memory_space<vmem>> -> memref<1x128x128xf32, #tpu.memory_space<vmem>>
    %dma_start3A_813 = tpu.memref_squeeze %dma_start3A_812 : memref<1x128x128xf32, #tpu.memory_space<vmem>> -> memref<128x128xf32, #tpu.memory_space<vmem>>
    tpu.enqueue_dma source(%dma_start3A_813 : memref<128x128xf32, #tpu.memory_space<vmem>>) target(%dma_start3A_809 : memref<128x128xf32, #tpu.memory_space<hbm>>) target_semaphore(%arg8 : memref<!tpu.dma_semaphore, #tpu.memory_space<semaphore_mem>>)
    %dma_wait3A_814 = arith.constant 0 : i32
    %dma_wait3A_815 = arith.constant 0 : i32
    %dma_wait3A_816 = arith.constant 0 : i32
    %dma_wait3A_817 = tpu.memref_slice %arg6[%dma_wait3A_814, %dma_wait3A_815, %dma_wait3A_816] : memref<2x128x128xf32, #tpu.memory_space<vmem>> -> memref<1x128x128xf32, #tpu.memory_space<vmem>>
    %dma_wait3A_818 = tpu.memref_squeeze %dma_wait3A_817 : memref<1x128x128xf32, #tpu.memory_space<vmem>> -> memref<128x128xf32, #tpu.memory_space<vmem>>
    %dma_wait3A_819 = arith.constant 0 : i32
    %dma_wait3A_820 = tpu.memref_slice %arg4[%add3A_800, %dma_wait3A_819] : memref<90112x128xf32, #tpu.memory_space<hbm>> -> memref<128x128xf32, #tpu.memory_space<hbm>>
    %dma_wait3A_821 = arith.constant 0 : i32
    %dma_wait3A_822 = tpu.memref_slice %arg4[%add3A_800, %dma_wait3A_821] : memref<90112x128xf32, #tpu.memory_space<hbm>> -> memref<128x128xf32, #tpu.memory_space<hbm>>
    %dma_wait3A_823 = arith.constant 0 : i32
    %dma_wait3A_824 = arith.constant 0 : i32
    %dma_wait3A_825 = tpu.memref_slice %arg6[%dma_wait3A_814, %dma_wait3A_823, %dma_wait3A_824] : memref<2x128x128xf32, #tpu.memory_space<vmem>> -> memref<1x128x128xf32, #tpu.memory_space<vmem>>
    %dma_wait3A_826 = tpu.memref_squeeze %dma_wait3A_825 : memref<1x128x128xf32, #tpu.memory_space<vmem>> -> memref<128x128xf32, #tpu.memory_space<vmem>>
    tpu.wait_dma2 semaphore(%arg8 : memref<!tpu.dma_semaphore, #tpu.memory_space<semaphore_mem>>) src(%dma_wait3A_826 : memref<128x128xf32, #tpu.memory_space<vmem>>) dst(%dma_wait3A_822 : memref<128x128xf32, #tpu.memory_space<hbm>>)
    %dma_start3A_827 = arith.constant 0 : i32
    %dma_start3A_828 = arith.constant 0 : i32
    %dma_start3A_829 = arith.constant 0 : i32
    %dma_start3A_830 = tpu.memref_slice %arg6[%dma_start3A_827, %dma_start3A_828, %dma_start3A_829] : memref<2x128x128xf32, #tpu.memory_space<vmem>> -> memref<1x128x128xf32, #tpu.memory_space<vmem>>
    %dma_start3A_831 = tpu.memref_squeeze %dma_start3A_830 : memref<1x128x128xf32, #tpu.memory_space<vmem>> -> memref<128x128xf32, #tpu.memory_space<vmem>>
    %dma_start3A_832 = arith.constant 2304 : i32
    %dma_start3A_833 = tpu.memref_slice %arg5[%dma_start3A_832] : memref<2816xi32, #tpu.memory_space<vmem>> -> memref<128xi32, #tpu.memory_space<vmem>>
    %dma_start3A_834 = arith.constant 0 : i32
    %dma_start3A_835 = arith.constant 0 : i32
    %dma_start3A_836 = tpu.memref_slice %arg2[%dma_start3A_834, %dma_start3A_835] : memref<20488x128xf32, #tpu.memory_space<hbm>> -> memref<20488x128xf32, #tpu.memory_space<hbm>>
    tpu.enqueue_indirect_dma source(%dma_start3A_836 : memref<20488x128xf32, #tpu.memory_space<hbm>>) target(%dma_start3A_831 : memref<128x128xf32, #tpu.memory_space<vmem>>) offsets(%dma_start3A_833 : memref<128xi32, #tpu.memory_space<vmem>>) semaphore(%arg7 : memref<!tpu.dma_semaphore, #tpu.memory_space<semaphore_mem>>)
    %dma_wait3A_837 = arith.constant 1 : i32
    %dma_wait3A_838 = arith.constant 0 : i32
    %dma_wait3A_839 = arith.constant 0 : i32
    %dma_wait3A_840 = tpu.memref_slice %arg6[%dma_wait3A_837, %dma_wait3A_838, %dma_wait3A_839] : memref<2x128x128xf32, #tpu.memory_space<vmem>> -> memref<1x128x128xf32, #tpu.memory_space<vmem>>
    %dma_wait3A_841 = tpu.memref_squeeze %dma_wait3A_840 : memref<1x128x128xf32, #tpu.memory_space<vmem>> -> memref<128x128xf32, #tpu.memory_space<vmem>>
    %dma_wait3A_842 = arith.constant 2176 : i32
    %dma_wait3A_843 = tpu.memref_slice %arg5[%dma_wait3A_842] : memref<2816xi32, #tpu.memory_space<vmem>> -> memref<128xi32, #tpu.memory_space<vmem>>
    %dma_wait3A_844 = arith.constant 0 : i32
    %dma_wait3A_845 = arith.constant 0 : i32
    %dma_wait3A_846 = tpu.memref_slice %arg2[%dma_wait3A_844, %dma_wait3A_845] : memref<20488x128xf32, #tpu.memory_space<hbm>> -> memref<20488x128xf32, #tpu.memory_space<hbm>>
    tpu.wait_indirect_dma semaphore(%arg7 : memref<!tpu.dma_semaphore, #tpu.memory_space<semaphore_mem>>) src(%dma_wait3A_846 : memref<20488x128xf32, #tpu.memory_space<hbm>>) dst(%dma_wait3A_841 : memref<128x128xf32, #tpu.memory_space<vmem>>)
    %add3A_847 = arith.constant 2176 : i32
    %add3A_848 = arith.addi %mul3A_2, %add3A_847 : i32
    %dma_start3A_849 = arith.constant 1 : i32
    %dma_start3A_850 = arith.constant 0 : i32
    %dma_start3A_851 = arith.constant 0 : i32
    %dma_start3A_852 = tpu.memref_slice %arg6[%dma_start3A_849, %dma_start3A_850, %dma_start3A_851] : memref<2x128x128xf32, #tpu.memory_space<vmem>> -> memref<1x128x128xf32, #tpu.memory_space<vmem>>
    %dma_start3A_853 = tpu.memref_squeeze %dma_start3A_852 : memref<1x128x128xf32, #tpu.memory_space<vmem>> -> memref<128x128xf32, #tpu.memory_space<vmem>>
    %dma_start3A_854 = arith.constant 0 : i32
    %dma_start3A_855 = tpu.memref_slice %arg4[%add3A_848, %dma_start3A_854] : memref<90112x128xf32, #tpu.memory_space<hbm>> -> memref<128x128xf32, #tpu.memory_space<hbm>>
    %dma_start3A_856 = arith.constant 0 : i32
    %dma_start3A_857 = tpu.memref_slice %arg4[%add3A_848, %dma_start3A_856] : memref<90112x128xf32, #tpu.memory_space<hbm>> -> memref<128x128xf32, #tpu.memory_space<hbm>>
    %dma_start3A_858 = arith.constant 0 : i32
    %dma_start3A_859 = arith.constant 0 : i32
    %dma_start3A_860 = tpu.memref_slice %arg6[%dma_start3A_849, %dma_start3A_858, %dma_start3A_859] : memref<2x128x128xf32, #tpu.memory_space<vmem>> -> memref<1x128x128xf32, #tpu.memory_space<vmem>>
    %dma_start3A_861 = tpu.memref_squeeze %dma_start3A_860 : memref<1x128x128xf32, #tpu.memory_space<vmem>> -> memref<128x128xf32, #tpu.memory_space<vmem>>
    tpu.enqueue_dma source(%dma_start3A_861 : memref<128x128xf32, #tpu.memory_space<vmem>>) target(%dma_start3A_857 : memref<128x128xf32, #tpu.memory_space<hbm>>) target_semaphore(%arg8 : memref<!tpu.dma_semaphore, #tpu.memory_space<semaphore_mem>>)
    %dma_wait3A_862 = arith.constant 1 : i32
    %dma_wait3A_863 = arith.constant 0 : i32
    %dma_wait3A_864 = arith.constant 0 : i32
    %dma_wait3A_865 = tpu.memref_slice %arg6[%dma_wait3A_862, %dma_wait3A_863, %dma_wait3A_864] : memref<2x128x128xf32, #tpu.memory_space<vmem>> -> memref<1x128x128xf32, #tpu.memory_space<vmem>>
    %dma_wait3A_866 = tpu.memref_squeeze %dma_wait3A_865 : memref<1x128x128xf32, #tpu.memory_space<vmem>> -> memref<128x128xf32, #tpu.memory_space<vmem>>
    %dma_wait3A_867 = arith.constant 0 : i32
    %dma_wait3A_868 = tpu.memref_slice %arg4[%add3A_848, %dma_wait3A_867] : memref<90112x128xf32, #tpu.memory_space<hbm>> -> memref<128x128xf32, #tpu.memory_space<hbm>>
    %dma_wait3A_869 = arith.constant 0 : i32
    %dma_wait3A_870 = tpu.memref_slice %arg4[%add3A_848, %dma_wait3A_869] : memref<90112x128xf32, #tpu.memory_space<hbm>> -> memref<128x128xf32, #tpu.memory_space<hbm>>
    %dma_wait3A_871 = arith.constant 0 : i32
    %dma_wait3A_872 = arith.constant 0 : i32
    %dma_wait3A_873 = tpu.memref_slice %arg6[%dma_wait3A_862, %dma_wait3A_871, %dma_wait3A_872] : memref<2x128x128xf32, #tpu.memory_space<vmem>> -> memref<1x128x128xf32, #tpu.memory_space<vmem>>
    %dma_wait3A_874 = tpu.memref_squeeze %dma_wait3A_873 : memref<1x128x128xf32, #tpu.memory_space<vmem>> -> memref<128x128xf32, #tpu.memory_space<vmem>>
    tpu.wait_dma2 semaphore(%arg8 : memref<!tpu.dma_semaphore, #tpu.memory_space<semaphore_mem>>) src(%dma_wait3A_874 : memref<128x128xf32, #tpu.memory_space<vmem>>) dst(%dma_wait3A_870 : memref<128x128xf32, #tpu.memory_space<hbm>>)
    %dma_start3A_875 = arith.constant 1 : i32
    %dma_start3A_876 = arith.constant 0 : i32
    %dma_start3A_877 = arith.constant 0 : i32
    %dma_start3A_878 = tpu.memref_slice %arg6[%dma_start3A_875, %dma_start3A_876, %dma_start3A_877] : memref<2x128x128xf32, #tpu.memory_space<vmem>> -> memref<1x128x128xf32, #tpu.memory_space<vmem>>
    %dma_start3A_879 = tpu.memref_squeeze %dma_start3A_878 : memref<1x128x128xf32, #tpu.memory_space<vmem>> -> memref<128x128xf32, #tpu.memory_space<vmem>>
    %dma_start3A_880 = arith.constant 2432 : i32
    %dma_start3A_881 = tpu.memref_slice %arg5[%dma_start3A_880] : memref<2816xi32, #tpu.memory_space<vmem>> -> memref<128xi32, #tpu.memory_space<vmem>>
    %dma_start3A_882 = arith.constant 0 : i32
    %dma_start3A_883 = arith.constant 0 : i32
    %dma_start3A_884 = tpu.memref_slice %arg2[%dma_start3A_882, %dma_start3A_883] : memref<20488x128xf32, #tpu.memory_space<hbm>> -> memref<20488x128xf32, #tpu.memory_space<hbm>>
    tpu.enqueue_indirect_dma source(%dma_start3A_884 : memref<20488x128xf32, #tpu.memory_space<hbm>>) target(%dma_start3A_879 : memref<128x128xf32, #tpu.memory_space<vmem>>) offsets(%dma_start3A_881 : memref<128xi32, #tpu.memory_space<vmem>>) semaphore(%arg7 : memref<!tpu.dma_semaphore, #tpu.memory_space<semaphore_mem>>)
    %dma_wait3A_885 = arith.constant 0 : i32
    %dma_wait3A_886 = arith.constant 0 : i32
    %dma_wait3A_887 = arith.constant 0 : i32
    %dma_wait3A_888 = tpu.memref_slice %arg6[%dma_wait3A_885, %dma_wait3A_886, %dma_wait3A_887] : memref<2x128x128xf32, #tpu.memory_space<vmem>> -> memref<1x128x128xf32, #tpu.memory_space<vmem>>
    %dma_wait3A_889 = tpu.memref_squeeze %dma_wait3A_888 : memref<1x128x128xf32, #tpu.memory_space<vmem>> -> memref<128x128xf32, #tpu.memory_space<vmem>>
    %dma_wait3A_890 = arith.constant 2304 : i32
    %dma_wait3A_891 = tpu.memref_slice %arg5[%dma_wait3A_890] : memref<2816xi32, #tpu.memory_space<vmem>> -> memref<128xi32, #tpu.memory_space<vmem>>
    %dma_wait3A_892 = arith.constant 0 : i32
    %dma_wait3A_893 = arith.constant 0 : i32
    %dma_wait3A_894 = tpu.memref_slice %arg2[%dma_wait3A_892, %dma_wait3A_893] : memref<20488x128xf32, #tpu.memory_space<hbm>> -> memref<20488x128xf32, #tpu.memory_space<hbm>>
    tpu.wait_indirect_dma semaphore(%arg7 : memref<!tpu.dma_semaphore, #tpu.memory_space<semaphore_mem>>) src(%dma_wait3A_894 : memref<20488x128xf32, #tpu.memory_space<hbm>>) dst(%dma_wait3A_889 : memref<128x128xf32, #tpu.memory_space<vmem>>)
    %add3A_895 = arith.constant 2304 : i32
    %add3A_896 = arith.addi %mul3A_2, %add3A_895 : i32
    %dma_start3A_897 = arith.constant 0 : i32
    %dma_start3A_898 = arith.constant 0 : i32
    %dma_start3A_899 = arith.constant 0 : i32
    %dma_start3A_900 = tpu.memref_slice %arg6[%dma_start3A_897, %dma_start3A_898, %dma_start3A_899] : memref<2x128x128xf32, #tpu.memory_space<vmem>> -> memref<1x128x128xf32, #tpu.memory_space<vmem>>
    %dma_start3A_901 = tpu.memref_squeeze %dma_start3A_900 : memref<1x128x128xf32, #tpu.memory_space<vmem>> -> memref<128x128xf32, #tpu.memory_space<vmem>>
    %dma_start3A_902 = arith.constant 0 : i32
    %dma_start3A_903 = tpu.memref_slice %arg4[%add3A_896, %dma_start3A_902] : memref<90112x128xf32, #tpu.memory_space<hbm>> -> memref<128x128xf32, #tpu.memory_space<hbm>>
    %dma_start3A_904 = arith.constant 0 : i32
    %dma_start3A_905 = tpu.memref_slice %arg4[%add3A_896, %dma_start3A_904] : memref<90112x128xf32, #tpu.memory_space<hbm>> -> memref<128x128xf32, #tpu.memory_space<hbm>>
    %dma_start3A_906 = arith.constant 0 : i32
    %dma_start3A_907 = arith.constant 0 : i32
    %dma_start3A_908 = tpu.memref_slice %arg6[%dma_start3A_897, %dma_start3A_906, %dma_start3A_907] : memref<2x128x128xf32, #tpu.memory_space<vmem>> -> memref<1x128x128xf32, #tpu.memory_space<vmem>>
    %dma_start3A_909 = tpu.memref_squeeze %dma_start3A_908 : memref<1x128x128xf32, #tpu.memory_space<vmem>> -> memref<128x128xf32, #tpu.memory_space<vmem>>
    tpu.enqueue_dma source(%dma_start3A_909 : memref<128x128xf32, #tpu.memory_space<vmem>>) target(%dma_start3A_905 : memref<128x128xf32, #tpu.memory_space<hbm>>) target_semaphore(%arg8 : memref<!tpu.dma_semaphore, #tpu.memory_space<semaphore_mem>>)
    %dma_wait3A_910 = arith.constant 0 : i32
    %dma_wait3A_911 = arith.constant 0 : i32
    %dma_wait3A_912 = arith.constant 0 : i32
    %dma_wait3A_913 = tpu.memref_slice %arg6[%dma_wait3A_910, %dma_wait3A_911, %dma_wait3A_912] : memref<2x128x128xf32, #tpu.memory_space<vmem>> -> memref<1x128x128xf32, #tpu.memory_space<vmem>>
    %dma_wait3A_914 = tpu.memref_squeeze %dma_wait3A_913 : memref<1x128x128xf32, #tpu.memory_space<vmem>> -> memref<128x128xf32, #tpu.memory_space<vmem>>
    %dma_wait3A_915 = arith.constant 0 : i32
    %dma_wait3A_916 = tpu.memref_slice %arg4[%add3A_896, %dma_wait3A_915] : memref<90112x128xf32, #tpu.memory_space<hbm>> -> memref<128x128xf32, #tpu.memory_space<hbm>>
    %dma_wait3A_917 = arith.constant 0 : i32
    %dma_wait3A_918 = tpu.memref_slice %arg4[%add3A_896, %dma_wait3A_917] : memref<90112x128xf32, #tpu.memory_space<hbm>> -> memref<128x128xf32, #tpu.memory_space<hbm>>
    %dma_wait3A_919 = arith.constant 0 : i32
    %dma_wait3A_920 = arith.constant 0 : i32
    %dma_wait3A_921 = tpu.memref_slice %arg6[%dma_wait3A_910, %dma_wait3A_919, %dma_wait3A_920] : memref<2x128x128xf32, #tpu.memory_space<vmem>> -> memref<1x128x128xf32, #tpu.memory_space<vmem>>
    %dma_wait3A_922 = tpu.memref_squeeze %dma_wait3A_921 : memref<1x128x128xf32, #tpu.memory_space<vmem>> -> memref<128x128xf32, #tpu.memory_space<vmem>>
    tpu.wait_dma2 semaphore(%arg8 : memref<!tpu.dma_semaphore, #tpu.memory_space<semaphore_mem>>) src(%dma_wait3A_922 : memref<128x128xf32, #tpu.memory_space<vmem>>) dst(%dma_wait3A_918 : memref<128x128xf32, #tpu.memory_space<hbm>>)
    %dma_start3A_923 = arith.constant 0 : i32
    %dma_start3A_924 = arith.constant 0 : i32
    %dma_start3A_925 = arith.constant 0 : i32
    %dma_start3A_926 = tpu.memref_slice %arg6[%dma_start3A_923, %dma_start3A_924, %dma_start3A_925] : memref<2x128x128xf32, #tpu.memory_space<vmem>> -> memref<1x128x128xf32, #tpu.memory_space<vmem>>
    %dma_start3A_927 = tpu.memref_squeeze %dma_start3A_926 : memref<1x128x128xf32, #tpu.memory_space<vmem>> -> memref<128x128xf32, #tpu.memory_space<vmem>>
    %dma_start3A_928 = arith.constant 2560 : i32
    %dma_start3A_929 = tpu.memref_slice %arg5[%dma_start3A_928] : memref<2816xi32, #tpu.memory_space<vmem>> -> memref<128xi32, #tpu.memory_space<vmem>>
    %dma_start3A_930 = arith.constant 0 : i32
    %dma_start3A_931 = arith.constant 0 : i32
    %dma_start3A_932 = tpu.memref_slice %arg2[%dma_start3A_930, %dma_start3A_931] : memref<20488x128xf32, #tpu.memory_space<hbm>> -> memref<20488x128xf32, #tpu.memory_space<hbm>>
    tpu.enqueue_indirect_dma source(%dma_start3A_932 : memref<20488x128xf32, #tpu.memory_space<hbm>>) target(%dma_start3A_927 : memref<128x128xf32, #tpu.memory_space<vmem>>) offsets(%dma_start3A_929 : memref<128xi32, #tpu.memory_space<vmem>>) semaphore(%arg7 : memref<!tpu.dma_semaphore, #tpu.memory_space<semaphore_mem>>)
    %dma_wait3A_933 = arith.constant 1 : i32
    %dma_wait3A_934 = arith.constant 0 : i32
    %dma_wait3A_935 = arith.constant 0 : i32
    %dma_wait3A_936 = tpu.memref_slice %arg6[%dma_wait3A_933, %dma_wait3A_934, %dma_wait3A_935] : memref<2x128x128xf32, #tpu.memory_space<vmem>> -> memref<1x128x128xf32, #tpu.memory_space<vmem>>
    %dma_wait3A_937 = tpu.memref_squeeze %dma_wait3A_936 : memref<1x128x128xf32, #tpu.memory_space<vmem>> -> memref<128x128xf32, #tpu.memory_space<vmem>>
    %dma_wait3A_938 = arith.constant 2432 : i32
    %dma_wait3A_939 = tpu.memref_slice %arg5[%dma_wait3A_938] : memref<2816xi32, #tpu.memory_space<vmem>> -> memref<128xi32, #tpu.memory_space<vmem>>
    %dma_wait3A_940 = arith.constant 0 : i32
    %dma_wait3A_941 = arith.constant 0 : i32
    %dma_wait3A_942 = tpu.memref_slice %arg2[%dma_wait3A_940, %dma_wait3A_941] : memref<20488x128xf32, #tpu.memory_space<hbm>> -> memref<20488x128xf32, #tpu.memory_space<hbm>>
    tpu.wait_indirect_dma semaphore(%arg7 : memref<!tpu.dma_semaphore, #tpu.memory_space<semaphore_mem>>) src(%dma_wait3A_942 : memref<20488x128xf32, #tpu.memory_space<hbm>>) dst(%dma_wait3A_937 : memref<128x128xf32, #tpu.memory_space<vmem>>)
    %add3A_943 = arith.constant 2432 : i32
    %add3A_944 = arith.addi %mul3A_2, %add3A_943 : i32
    %dma_start3A_945 = arith.constant 1 : i32
    %dma_start3A_946 = arith.constant 0 : i32
    %dma_start3A_947 = arith.constant 0 : i32
    %dma_start3A_948 = tpu.memref_slice %arg6[%dma_start3A_945, %dma_start3A_946, %dma_start3A_947] : memref<2x128x128xf32, #tpu.memory_space<vmem>> -> memref<1x128x128xf32, #tpu.memory_space<vmem>>
    %dma_start3A_949 = tpu.memref_squeeze %dma_start3A_948 : memref<1x128x128xf32, #tpu.memory_space<vmem>> -> memref<128x128xf32, #tpu.memory_space<vmem>>
    %dma_start3A_950 = arith.constant 0 : i32
    %dma_start3A_951 = tpu.memref_slice %arg4[%add3A_944, %dma_start3A_950] : memref<90112x128xf32, #tpu.memory_space<hbm>> -> memref<128x128xf32, #tpu.memory_space<hbm>>
    %dma_start3A_952 = arith.constant 0 : i32
    %dma_start3A_953 = tpu.memref_slice %arg4[%add3A_944, %dma_start3A_952] : memref<90112x128xf32, #tpu.memory_space<hbm>> -> memref<128x128xf32, #tpu.memory_space<hbm>>
    %dma_start3A_954 = arith.constant 0 : i32
    %dma_start3A_955 = arith.constant 0 : i32
    %dma_start3A_956 = tpu.memref_slice %arg6[%dma_start3A_945, %dma_start3A_954, %dma_start3A_955] : memref<2x128x128xf32, #tpu.memory_space<vmem>> -> memref<1x128x128xf32, #tpu.memory_space<vmem>>
    %dma_start3A_957 = tpu.memref_squeeze %dma_start3A_956 : memref<1x128x128xf32, #tpu.memory_space<vmem>> -> memref<128x128xf32, #tpu.memory_space<vmem>>
    tpu.enqueue_dma source(%dma_start3A_957 : memref<128x128xf32, #tpu.memory_space<vmem>>) target(%dma_start3A_953 : memref<128x128xf32, #tpu.memory_space<hbm>>) target_semaphore(%arg8 : memref<!tpu.dma_semaphore, #tpu.memory_space<semaphore_mem>>)
    %dma_wait3A_958 = arith.constant 1 : i32
    %dma_wait3A_959 = arith.constant 0 : i32
    %dma_wait3A_960 = arith.constant 0 : i32
    %dma_wait3A_961 = tpu.memref_slice %arg6[%dma_wait3A_958, %dma_wait3A_959, %dma_wait3A_960] : memref<2x128x128xf32, #tpu.memory_space<vmem>> -> memref<1x128x128xf32, #tpu.memory_space<vmem>>
    %dma_wait3A_962 = tpu.memref_squeeze %dma_wait3A_961 : memref<1x128x128xf32, #tpu.memory_space<vmem>> -> memref<128x128xf32, #tpu.memory_space<vmem>>
    %dma_wait3A_963 = arith.constant 0 : i32
    %dma_wait3A_964 = tpu.memref_slice %arg4[%add3A_944, %dma_wait3A_963] : memref<90112x128xf32, #tpu.memory_space<hbm>> -> memref<128x128xf32, #tpu.memory_space<hbm>>
    %dma_wait3A_965 = arith.constant 0 : i32
    %dma_wait3A_966 = tpu.memref_slice %arg4[%add3A_944, %dma_wait3A_965] : memref<90112x128xf32, #tpu.memory_space<hbm>> -> memref<128x128xf32, #tpu.memory_space<hbm>>
    %dma_wait3A_967 = arith.constant 0 : i32
    %dma_wait3A_968 = arith.constant 0 : i32
    %dma_wait3A_969 = tpu.memref_slice %arg6[%dma_wait3A_958, %dma_wait3A_967, %dma_wait3A_968] : memref<2x128x128xf32, #tpu.memory_space<vmem>> -> memref<1x128x128xf32, #tpu.memory_space<vmem>>
    %dma_wait3A_970 = tpu.memref_squeeze %dma_wait3A_969 : memref<1x128x128xf32, #tpu.memory_space<vmem>> -> memref<128x128xf32, #tpu.memory_space<vmem>>
    tpu.wait_dma2 semaphore(%arg8 : memref<!tpu.dma_semaphore, #tpu.memory_space<semaphore_mem>>) src(%dma_wait3A_970 : memref<128x128xf32, #tpu.memory_space<vmem>>) dst(%dma_wait3A_966 : memref<128x128xf32, #tpu.memory_space<hbm>>)
    %dma_start3A_971 = arith.constant 1 : i32
    %dma_start3A_972 = arith.constant 0 : i32
    %dma_start3A_973 = arith.constant 0 : i32
    %dma_start3A_974 = tpu.memref_slice %arg6[%dma_start3A_971, %dma_start3A_972, %dma_start3A_973] : memref<2x128x128xf32, #tpu.memory_space<vmem>> -> memref<1x128x128xf32, #tpu.memory_space<vmem>>
    %dma_start3A_975 = tpu.memref_squeeze %dma_start3A_974 : memref<1x128x128xf32, #tpu.memory_space<vmem>> -> memref<128x128xf32, #tpu.memory_space<vmem>>
    %dma_start3A_976 = arith.constant 2688 : i32
    %dma_start3A_977 = tpu.memref_slice %arg5[%dma_start3A_976] : memref<2816xi32, #tpu.memory_space<vmem>> -> memref<128xi32, #tpu.memory_space<vmem>>
    %dma_start3A_978 = arith.constant 0 : i32
    %dma_start3A_979 = arith.constant 0 : i32
    %dma_start3A_980 = tpu.memref_slice %arg2[%dma_start3A_978, %dma_start3A_979] : memref<20488x128xf32, #tpu.memory_space<hbm>> -> memref<20488x128xf32, #tpu.memory_space<hbm>>
    tpu.enqueue_indirect_dma source(%dma_start3A_980 : memref<20488x128xf32, #tpu.memory_space<hbm>>) target(%dma_start3A_975 : memref<128x128xf32, #tpu.memory_space<vmem>>) offsets(%dma_start3A_977 : memref<128xi32, #tpu.memory_space<vmem>>) semaphore(%arg7 : memref<!tpu.dma_semaphore, #tpu.memory_space<semaphore_mem>>)
    %dma_wait3A_981 = arith.constant 0 : i32
    %dma_wait3A_982 = arith.constant 0 : i32
    %dma_wait3A_983 = arith.constant 0 : i32
    %dma_wait3A_984 = tpu.memref_slice %arg6[%dma_wait3A_981, %dma_wait3A_982, %dma_wait3A_983] : memref<2x128x128xf32, #tpu.memory_space<vmem>> -> memref<1x128x128xf32, #tpu.memory_space<vmem>>
    %dma_wait3A_985 = tpu.memref_squeeze %dma_wait3A_984 : memref<1x128x128xf32, #tpu.memory_space<vmem>> -> memref<128x128xf32, #tpu.memory_space<vmem>>
    %dma_wait3A_986 = arith.constant 2560 : i32
    %dma_wait3A_987 = tpu.memref_slice %arg5[%dma_wait3A_986] : memref<2816xi32, #tpu.memory_space<vmem>> -> memref<128xi32, #tpu.memory_space<vmem>>
    %dma_wait3A_988 = arith.constant 0 : i32
    %dma_wait3A_989 = arith.constant 0 : i32
    %dma_wait3A_990 = tpu.memref_slice %arg2[%dma_wait3A_988, %dma_wait3A_989] : memref<20488x128xf32, #tpu.memory_space<hbm>> -> memref<20488x128xf32, #tpu.memory_space<hbm>>
    tpu.wait_indirect_dma semaphore(%arg7 : memref<!tpu.dma_semaphore, #tpu.memory_space<semaphore_mem>>) src(%dma_wait3A_990 : memref<20488x128xf32, #tpu.memory_space<hbm>>) dst(%dma_wait3A_985 : memref<128x128xf32, #tpu.memory_space<vmem>>)
    %add3A_991 = arith.constant 2560 : i32
    %add3A_992 = arith.addi %mul3A_2, %add3A_991 : i32
    %dma_start3A_993 = arith.constant 0 : i32
    %dma_start3A_994 = arith.constant 0 : i32
    %dma_start3A_995 = arith.constant 0 : i32
    %dma_start3A_996 = tpu.memref_slice %arg6[%dma_start3A_993, %dma_start3A_994, %dma_start3A_995] : memref<2x128x128xf32, #tpu.memory_space<vmem>> -> memref<1x128x128xf32, #tpu.memory_space<vmem>>
    %dma_start3A_997 = tpu.memref_squeeze %dma_start3A_996 : memref<1x128x128xf32, #tpu.memory_space<vmem>> -> memref<128x128xf32, #tpu.memory_space<vmem>>
    %dma_start3A_998 = arith.constant 0 : i32
    %dma_start3A_999 = tpu.memref_slice %arg4[%add3A_992, %dma_start3A_998] : memref<90112x128xf32, #tpu.memory_space<hbm>> -> memref<128x128xf32, #tpu.memory_space<hbm>>
    %dma_start3A_1000 = arith.constant 0 : i32
    %dma_start3A_1001 = tpu.memref_slice %arg4[%add3A_992, %dma_start3A_1000] : memref<90112x128xf32, #tpu.memory_space<hbm>> -> memref<128x128xf32, #tpu.memory_space<hbm>>
    %dma_start3A_1002 = arith.constant 0 : i32
    %dma_start3A_1003 = arith.constant 0 : i32
    %dma_start3A_1004 = tpu.memref_slice %arg6[%dma_start3A_993, %dma_start3A_1002, %dma_start3A_1003] : memref<2x128x128xf32, #tpu.memory_space<vmem>> -> memref<1x128x128xf32, #tpu.memory_space<vmem>>
    %dma_start3A_1005 = tpu.memref_squeeze %dma_start3A_1004 : memref<1x128x128xf32, #tpu.memory_space<vmem>> -> memref<128x128xf32, #tpu.memory_space<vmem>>
    tpu.enqueue_dma source(%dma_start3A_1005 : memref<128x128xf32, #tpu.memory_space<vmem>>) target(%dma_start3A_1001 : memref<128x128xf32, #tpu.memory_space<hbm>>) target_semaphore(%arg8 : memref<!tpu.dma_semaphore, #tpu.memory_space<semaphore_mem>>)
    %dma_wait3A_1006 = arith.constant 1 : i32
    %dma_wait3A_1007 = arith.constant 0 : i32
    %dma_wait3A_1008 = arith.constant 0 : i32
    %dma_wait3A_1009 = tpu.memref_slice %arg6[%dma_wait3A_1006, %dma_wait3A_1007, %dma_wait3A_1008] : memref<2x128x128xf32, #tpu.memory_space<vmem>> -> memref<1x128x128xf32, #tpu.memory_space<vmem>>
    %dma_wait3A_1010 = tpu.memref_squeeze %dma_wait3A_1009 : memref<1x128x128xf32, #tpu.memory_space<vmem>> -> memref<128x128xf32, #tpu.memory_space<vmem>>
    %dma_wait3A_1011 = arith.constant 2688 : i32
    %dma_wait3A_1012 = tpu.memref_slice %arg5[%dma_wait3A_1011] : memref<2816xi32, #tpu.memory_space<vmem>> -> memref<128xi32, #tpu.memory_space<vmem>>
    %dma_wait3A_1013 = arith.constant 0 : i32
    %dma_wait3A_1014 = arith.constant 0 : i32
    %dma_wait3A_1015 = tpu.memref_slice %arg2[%dma_wait3A_1013, %dma_wait3A_1014] : memref<20488x128xf32, #tpu.memory_space<hbm>> -> memref<20488x128xf32, #tpu.memory_space<hbm>>
    tpu.wait_indirect_dma semaphore(%arg7 : memref<!tpu.dma_semaphore, #tpu.memory_space<semaphore_mem>>) src(%dma_wait3A_1015 : memref<20488x128xf32, #tpu.memory_space<hbm>>) dst(%dma_wait3A_1010 : memref<128x128xf32, #tpu.memory_space<vmem>>)
    %add3A_1016 = arith.constant 2688 : i32
    %add3A_1017 = arith.addi %mul3A_2, %add3A_1016 : i32
    %dma_start3A_1018 = arith.constant 1 : i32
    %dma_start3A_1019 = arith.constant 0 : i32
    %dma_start3A_1020 = arith.constant 0 : i32
    %dma_start3A_1021 = tpu.memref_slice %arg6[%dma_start3A_1018, %dma_start3A_1019, %dma_start3A_1020] : memref<2x128x128xf32, #tpu.memory_space<vmem>> -> memref<1x128x128xf32, #tpu.memory_space<vmem>>
    %dma_start3A_1022 = tpu.memref_squeeze %dma_start3A_1021 : memref<1x128x128xf32, #tpu.memory_space<vmem>> -> memref<128x128xf32, #tpu.memory_space<vmem>>
    %dma_start3A_1023 = arith.constant 0 : i32
    %dma_start3A_1024 = tpu.memref_slice %arg4[%add3A_1017, %dma_start3A_1023] : memref<90112x128xf32, #tpu.memory_space<hbm>> -> memref<128x128xf32, #tpu.memory_space<hbm>>
    %dma_start3A_1025 = arith.constant 0 : i32
    %dma_start3A_1026 = tpu.memref_slice %arg4[%add3A_1017, %dma_start3A_1025] : memref<90112x128xf32, #tpu.memory_space<hbm>> -> memref<128x128xf32, #tpu.memory_space<hbm>>
    %dma_start3A_1027 = arith.constant 0 : i32
    %dma_start3A_1028 = arith.constant 0 : i32
    %dma_start3A_1029 = tpu.memref_slice %arg6[%dma_start3A_1018, %dma_start3A_1027, %dma_start3A_1028] : memref<2x128x128xf32, #tpu.memory_space<vmem>> -> memref<1x128x128xf32, #tpu.memory_space<vmem>>
    %dma_start3A_1030 = tpu.memref_squeeze %dma_start3A_1029 : memref<1x128x128xf32, #tpu.memory_space<vmem>> -> memref<128x128xf32, #tpu.memory_space<vmem>>
    tpu.enqueue_dma source(%dma_start3A_1030 : memref<128x128xf32, #tpu.memory_space<vmem>>) target(%dma_start3A_1026 : memref<128x128xf32, #tpu.memory_space<hbm>>) target_semaphore(%arg8 : memref<!tpu.dma_semaphore, #tpu.memory_space<semaphore_mem>>)
    %dma_wait3A_1031 = arith.constant 0 : i32
    %dma_wait3A_1032 = arith.constant 0 : i32
    %dma_wait3A_1033 = arith.constant 0 : i32
    %dma_wait3A_1034 = tpu.memref_slice %arg6[%dma_wait3A_1031, %dma_wait3A_1032, %dma_wait3A_1033] : memref<2x128x128xf32, #tpu.memory_space<vmem>> -> memref<1x128x128xf32, #tpu.memory_space<vmem>>
    %dma_wait3A_1035 = tpu.memref_squeeze %dma_wait3A_1034 : memref<1x128x128xf32, #tpu.memory_space<vmem>> -> memref<128x128xf32, #tpu.memory_space<vmem>>
    %dma_wait3A_1036 = arith.constant 0 : i32
    %dma_wait3A_1037 = tpu.memref_slice %arg4[%add3A_992, %dma_wait3A_1036] : memref<90112x128xf32, #tpu.memory_space<hbm>> -> memref<128x128xf32, #tpu.memory_space<hbm>>
    %dma_wait3A_1038 = arith.constant 0 : i32
    %dma_wait3A_1039 = tpu.memref_slice %arg4[%add3A_992, %dma_wait3A_1038] : memref<90112x128xf32, #tpu.memory_space<hbm>> -> memref<128x128xf32, #tpu.memory_space<hbm>>
    %dma_wait3A_1040 = arith.constant 0 : i32
    %dma_wait3A_1041 = arith.constant 0 : i32
    %dma_wait3A_1042 = tpu.memref_slice %arg6[%dma_wait3A_1031, %dma_wait3A_1040, %dma_wait3A_1041] : memref<2x128x128xf32, #tpu.memory_space<vmem>> -> memref<1x128x128xf32, #tpu.memory_space<vmem>>
    %dma_wait3A_1043 = tpu.memref_squeeze %dma_wait3A_1042 : memref<1x128x128xf32, #tpu.memory_space<vmem>> -> memref<128x128xf32, #tpu.memory_space<vmem>>
    tpu.wait_dma2 semaphore(%arg8 : memref<!tpu.dma_semaphore, #tpu.memory_space<semaphore_mem>>) src(%dma_wait3A_1043 : memref<128x128xf32, #tpu.memory_space<vmem>>) dst(%dma_wait3A_1039 : memref<128x128xf32, #tpu.memory_space<hbm>>)
    %dma_wait3A_1044 = arith.constant 1 : i32
    %dma_wait3A_1045 = arith.constant 0 : i32
    %dma_wait3A_1046 = arith.constant 0 : i32
    %dma_wait3A_1047 = tpu.memref_slice %arg6[%dma_wait3A_1044, %dma_wait3A_1045, %dma_wait3A_1046] : memref<2x128x128xf32, #tpu.memory_space<vmem>> -> memref<1x128x128xf32, #tpu.memory_space<vmem>>
    %dma_wait3A_1048 = tpu.memref_squeeze %dma_wait3A_1047 : memref<1x128x128xf32, #tpu.memory_space<vmem>> -> memref<128x128xf32, #tpu.memory_space<vmem>>
    %dma_wait3A_1049 = arith.constant 0 : i32
    %dma_wait3A_1050 = tpu.memref_slice %arg4[%add3A_1017, %dma_wait3A_1049] : memref<90112x128xf32, #tpu.memory_space<hbm>> -> memref<128x128xf32, #tpu.memory_space<hbm>>
    %dma_wait3A_1051 = arith.constant 0 : i32
    %dma_wait3A_1052 = tpu.memref_slice %arg4[%add3A_1017, %dma_wait3A_1051] : memref<90112x128xf32, #tpu.memory_space<hbm>> -> memref<128x128xf32, #tpu.memory_space<hbm>>
    %dma_wait3A_1053 = arith.constant 0 : i32
    %dma_wait3A_1054 = arith.constant 0 : i32
    %dma_wait3A_1055 = tpu.memref_slice %arg6[%dma_wait3A_1044, %dma_wait3A_1053, %dma_wait3A_1054] : memref<2x128x128xf32, #tpu.memory_space<vmem>> -> memref<1x128x128xf32, #tpu.memory_space<vmem>>
    %dma_wait3A_1056 = tpu.memref_squeeze %dma_wait3A_1055 : memref<1x128x128xf32, #tpu.memory_space<vmem>> -> memref<128x128xf32, #tpu.memory_space<vmem>>
    tpu.wait_dma2 semaphore(%arg8 : memref<!tpu.dma_semaphore, #tpu.memory_space<semaphore_mem>>) src(%dma_wait3A_1056 : memref<128x128xf32, #tpu.memory_space<vmem>>) dst(%dma_wait3A_1052 : memref<128x128xf32, #tpu.memory_space<hbm>>)
    return
  }
}

module attributes {stable_mosaic.version = 14 : i64} {
  func.func @_prep_body(%arg0: memref<202x22xf32, #tpu.memory_space<vmem>>, %arg1: memref<1x22xi32, #tpu.memory_space<vmem>>, %arg2: memref<1024x128xf32, #tpu.memory_space<vmem>>, %arg3: memref<20x128xf32, #tpu.memory_space<vmem>>, %arg4: memref<8x128xf32, #tpu.memory_space<vmem>>, %arg5: memref<4096x202xf32, #tpu.memory_space<vmem>>, %arg6: memref<20488x128xf32, #tpu.memory_space<vmem>>, %arg7: memref<4096x22xi32, #tpu.memory_space<vmem>>) attributes {dimension_semantics = [], scalar_prefetch = 0 : i64, scratch_operands = 0 : i64, tpu.core_type = #tpu.core_type<tc>} {
    %get3A = arith.constant 0 : index
    %get3A_0 = arith.constant 0 : index
    %get3A_1 = vector.load %arg2[%get3A, %get3A_0] : memref<1024x128xf32, #tpu.memory_space<vmem>>, vector<1024x128xf32>
    %get3A_2 = arith.constant 0 : index
    %get3A_3 = arith.constant 0 : index
    %get3A_4 = vector.load %arg3[%get3A_2, %get3A_3] : memref<20x128xf32, #tpu.memory_space<vmem>>, vector<1x128xf32>
    %add3A = vector.broadcast %get3A_4 : vector<1x128xf32> to vector<1024x128xf32>
    %add3A_5 = arith.addf %get3A_1, %add3A : vector<1024x128xf32>
    %swap3A = arith.constant 0 : index
    %swap3A_6 = arith.constant 0 : index
    %swap3A_7 = vector.load %arg6[%swap3A, %swap3A_6] : memref<20488x128xf32, #tpu.memory_space<vmem>>, vector<1024x128xf32>
    tpu.vector_store %arg6[%swap3A, %swap3A_6], %add3A_5 {strides = array<i32>} : memref<20488x128xf32, #tpu.memory_space<vmem>>, vector<1024x128xf32>,
    %get3A_8 = arith.constant 0 : index
    %get3A_9 = arith.constant 0 : index
    %get3A_10 = vector.load %arg2[%get3A_8, %get3A_9] : memref<1024x128xf32, #tpu.memory_space<vmem>>, vector<1024x128xf32>
    %get3A_11 = arith.constant 1 : index
    %get3A_12 = arith.constant 0 : index
    %get3A_13 = vector.load %arg3[%get3A_11, %get3A_12] : memref<20x128xf32, #tpu.memory_space<vmem>>, vector<1x128xf32>
    %add3A_14 = vector.broadcast %get3A_13 : vector<1x128xf32> to vector<1024x128xf32>
    %add3A_15 = arith.addf %get3A_10, %add3A_14 : vector<1024x128xf32>
    %swap3A_16 = arith.constant 1024 : index
    %swap3A_17 = arith.constant 0 : index
    %swap3A_18 = vector.load %arg6[%swap3A_16, %swap3A_17] : memref<20488x128xf32, #tpu.memory_space<vmem>>, vector<1024x128xf32>
    tpu.vector_store %arg6[%swap3A_16, %swap3A_17], %add3A_15 {strides = array<i32>} : memref<20488x128xf32, #tpu.memory_space<vmem>>, vector<1024x128xf32>,
    %get3A_19 = arith.constant 0 : index
    %get3A_20 = arith.constant 0 : index
    %get3A_21 = vector.load %arg2[%get3A_19, %get3A_20] : memref<1024x128xf32, #tpu.memory_space<vmem>>, vector<1024x128xf32>
    %get3A_22 = arith.constant 2 : index
    %get3A_23 = arith.constant 0 : index
    %get3A_24 = vector.load %arg3[%get3A_22, %get3A_23] : memref<20x128xf32, #tpu.memory_space<vmem>>, vector<1x128xf32>
    %add3A_25 = vector.broadcast %get3A_24 : vector<1x128xf32> to vector<1024x128xf32>
    %add3A_26 = arith.addf %get3A_21, %add3A_25 : vector<1024x128xf32>
    %swap3A_27 = arith.constant 2048 : index
    %swap3A_28 = arith.constant 0 : index
    %swap3A_29 = vector.load %arg6[%swap3A_27, %swap3A_28] : memref<20488x128xf32, #tpu.memory_space<vmem>>, vector<1024x128xf32>
    tpu.vector_store %arg6[%swap3A_27, %swap3A_28], %add3A_26 {strides = array<i32>} : memref<20488x128xf32, #tpu.memory_space<vmem>>, vector<1024x128xf32>,
    %get3A_30 = arith.constant 0 : index
    %get3A_31 = arith.constant 0 : index
    %get3A_32 = vector.load %arg2[%get3A_30, %get3A_31] : memref<1024x128xf32, #tpu.memory_space<vmem>>, vector<1024x128xf32>
    %get3A_33 = arith.constant 3 : index
    %get3A_34 = arith.constant 0 : index
    %get3A_35 = vector.load %arg3[%get3A_33, %get3A_34] : memref<20x128xf32, #tpu.memory_space<vmem>>, vector<1x128xf32>
    %add3A_36 = vector.broadcast %get3A_35 : vector<1x128xf32> to vector<1024x128xf32>
    %add3A_37 = arith.addf %get3A_32, %add3A_36 : vector<1024x128xf32>
    %swap3A_38 = arith.constant 3072 : index
    %swap3A_39 = arith.constant 0 : index
    %swap3A_40 = vector.load %arg6[%swap3A_38, %swap3A_39] : memref<20488x128xf32, #tpu.memory_space<vmem>>, vector<1024x128xf32>
    tpu.vector_store %arg6[%swap3A_38, %swap3A_39], %add3A_37 {strides = array<i32>} : memref<20488x128xf32, #tpu.memory_space<vmem>>, vector<1024x128xf32>,
    %get3A_41 = arith.constant 0 : index
    %get3A_42 = arith.constant 0 : index
    %get3A_43 = vector.load %arg2[%get3A_41, %get3A_42] : memref<1024x128xf32, #tpu.memory_space<vmem>>, vector<1024x128xf32>
    %get3A_44 = arith.constant 4 : index
    %get3A_45 = arith.constant 0 : index
    %get3A_46 = vector.load %arg3[%get3A_44, %get3A_45] : memref<20x128xf32, #tpu.memory_space<vmem>>, vector<1x128xf32>
    %add3A_47 = vector.broadcast %get3A_46 : vector<1x128xf32> to vector<1024x128xf32>
    %add3A_48 = arith.addf %get3A_43, %add3A_47 : vector<1024x128xf32>
    %swap3A_49 = arith.constant 4096 : index
    %swap3A_50 = arith.constant 0 : index
    %swap3A_51 = vector.load %arg6[%swap3A_49, %swap3A_50] : memref<20488x128xf32, #tpu.memory_space<vmem>>, vector<1024x128xf32>
    tpu.vector_store %arg6[%swap3A_49, %swap3A_50], %add3A_48 {strides = array<i32>} : memref<20488x128xf32, #tpu.memory_space<vmem>>, vector<1024x128xf32>,
    %get3A_52 = arith.constant 0 : index
    %get3A_53 = arith.constant 0 : index
    %get3A_54 = vector.load %arg2[%get3A_52, %get3A_53] : memref<1024x128xf32, #tpu.memory_space<vmem>>, vector<1024x128xf32>
    %get3A_55 = arith.constant 5 : index
    %get3A_56 = arith.constant 0 : index
    %get3A_57 = vector.load %arg3[%get3A_55, %get3A_56] : memref<20x128xf32, #tpu.memory_space<vmem>>, vector<1x128xf32>
    %add3A_58 = vector.broadcast %get3A_57 : vector<1x128xf32> to vector<1024x128xf32>
    %add3A_59 = arith.addf %get3A_54, %add3A_58 : vector<1024x128xf32>
    %swap3A_60 = arith.constant 5120 : index
    %swap3A_61 = arith.constant 0 : index
    %swap3A_62 = vector.load %arg6[%swap3A_60, %swap3A_61] : memref<20488x128xf32, #tpu.memory_space<vmem>>, vector<1024x128xf32>
    tpu.vector_store %arg6[%swap3A_60, %swap3A_61], %add3A_59 {strides = array<i32>} : memref<20488x128xf32, #tpu.memory_space<vmem>>, vector<1024x128xf32>,
    %get3A_63 = arith.constant 0 : index
    %get3A_64 = arith.constant 0 : index
    %get3A_65 = vector.load %arg2[%get3A_63, %get3A_64] : memref<1024x128xf32, #tpu.memory_space<vmem>>, vector<1024x128xf32>
    %get3A_66 = arith.constant 6 : index
    %get3A_67 = arith.constant 0 : index
    %get3A_68 = vector.load %arg3[%get3A_66, %get3A_67] : memref<20x128xf32, #tpu.memory_space<vmem>>, vector<1x128xf32>
    %add3A_69 = vector.broadcast %get3A_68 : vector<1x128xf32> to vector<1024x128xf32>
    %add3A_70 = arith.addf %get3A_65, %add3A_69 : vector<1024x128xf32>
    %swap3A_71 = arith.constant 6144 : index
    %swap3A_72 = arith.constant 0 : index
    %swap3A_73 = vector.load %arg6[%swap3A_71, %swap3A_72] : memref<20488x128xf32, #tpu.memory_space<vmem>>, vector<1024x128xf32>
    tpu.vector_store %arg6[%swap3A_71, %swap3A_72], %add3A_70 {strides = array<i32>} : memref<20488x128xf32, #tpu.memory_space<vmem>>, vector<1024x128xf32>,
    %get3A_74 = arith.constant 0 : index
    %get3A_75 = arith.constant 0 : index
    %get3A_76 = vector.load %arg2[%get3A_74, %get3A_75] : memref<1024x128xf32, #tpu.memory_space<vmem>>, vector<1024x128xf32>
    %get3A_77 = arith.constant 7 : index
    %get3A_78 = arith.constant 0 : index
    %get3A_79 = vector.load %arg3[%get3A_77, %get3A_78] : memref<20x128xf32, #tpu.memory_space<vmem>>, vector<1x128xf32>
    %add3A_80 = vector.broadcast %get3A_79 : vector<1x128xf32> to vector<1024x128xf32>
    %add3A_81 = arith.addf %get3A_76, %add3A_80 : vector<1024x128xf32>
    %swap3A_82 = arith.constant 7168 : index
    %swap3A_83 = arith.constant 0 : index
    %swap3A_84 = vector.load %arg6[%swap3A_82, %swap3A_83] : memref<20488x128xf32, #tpu.memory_space<vmem>>, vector<1024x128xf32>
    tpu.vector_store %arg6[%swap3A_82, %swap3A_83], %add3A_81 {strides = array<i32>} : memref<20488x128xf32, #tpu.memory_space<vmem>>, vector<1024x128xf32>,
    %get3A_85 = arith.constant 0 : index
    %get3A_86 = arith.constant 0 : index
    %get3A_87 = vector.load %arg2[%get3A_85, %get3A_86] : memref<1024x128xf32, #tpu.memory_space<vmem>>, vector<1024x128xf32>
    %get3A_88 = arith.constant 8 : index
    %get3A_89 = arith.constant 0 : index
    %get3A_90 = vector.load %arg3[%get3A_88, %get3A_89] : memref<20x128xf32, #tpu.memory_space<vmem>>, vector<1x128xf32>
    %add3A_91 = vector.broadcast %get3A_90 : vector<1x128xf32> to vector<1024x128xf32>
    %add3A_92 = arith.addf %get3A_87, %add3A_91 : vector<1024x128xf32>
    %swap3A_93 = arith.constant 8192 : index
    %swap3A_94 = arith.constant 0 : index
    %swap3A_95 = vector.load %arg6[%swap3A_93, %swap3A_94] : memref<20488x128xf32, #tpu.memory_space<vmem>>, vector<1024x128xf32>
    tpu.vector_store %arg6[%swap3A_93, %swap3A_94], %add3A_92 {strides = array<i32>} : memref<20488x128xf32, #tpu.memory_space<vmem>>, vector<1024x128xf32>,
    %get3A_96 = arith.constant 0 : index
    %get3A_97 = arith.constant 0 : index
    %get3A_98 = vector.load %arg2[%get3A_96, %get3A_97] : memref<1024x128xf32, #tpu.memory_space<vmem>>, vector<1024x128xf32>
    %get3A_99 = arith.constant 9 : index
    %get3A_100 = arith.constant 0 : index
    %get3A_101 = vector.load %arg3[%get3A_99, %get3A_100] : memref<20x128xf32, #tpu.memory_space<vmem>>, vector<1x128xf32>
    %add3A_102 = vector.broadcast %get3A_101 : vector<1x128xf32> to vector<1024x128xf32>
    %add3A_103 = arith.addf %get3A_98, %add3A_102 : vector<1024x128xf32>
    %swap3A_104 = arith.constant 9216 : index
    %swap3A_105 = arith.constant 0 : index
    %swap3A_106 = vector.load %arg6[%swap3A_104, %swap3A_105] : memref<20488x128xf32, #tpu.memory_space<vmem>>, vector<1024x128xf32>
    tpu.vector_store %arg6[%swap3A_104, %swap3A_105], %add3A_103 {strides = array<i32>} : memref<20488x128xf32, #tpu.memory_space<vmem>>, vector<1024x128xf32>,
    %get3A_107 = arith.constant 0 : index
    %get3A_108 = arith.constant 0 : index
    %get3A_109 = vector.load %arg2[%get3A_107, %get3A_108] : memref<1024x128xf32, #tpu.memory_space<vmem>>, vector<1024x128xf32>
    %get3A_110 = arith.constant 10 : index
    %get3A_111 = arith.constant 0 : index
    %get3A_112 = vector.load %arg3[%get3A_110, %get3A_111] : memref<20x128xf32, #tpu.memory_space<vmem>>, vector<1x128xf32>
    %add3A_113 = vector.broadcast %get3A_112 : vector<1x128xf32> to vector<1024x128xf32>
    %add3A_114 = arith.addf %get3A_109, %add3A_113 : vector<1024x128xf32>
    %swap3A_115 = arith.constant 10240 : index
    %swap3A_116 = arith.constant 0 : index
    %swap3A_117 = vector.load %arg6[%swap3A_115, %swap3A_116] : memref<20488x128xf32, #tpu.memory_space<vmem>>, vector<1024x128xf32>
    tpu.vector_store %arg6[%swap3A_115, %swap3A_116], %add3A_114 {strides = array<i32>} : memref<20488x128xf32, #tpu.memory_space<vmem>>, vector<1024x128xf32>,
    %get3A_118 = arith.constant 0 : index
    %get3A_119 = arith.constant 0 : index
    %get3A_120 = vector.load %arg2[%get3A_118, %get3A_119] : memref<1024x128xf32, #tpu.memory_space<vmem>>, vector<1024x128xf32>
    %get3A_121 = arith.constant 11 : index
    %get3A_122 = arith.constant 0 : index
    %get3A_123 = vector.load %arg3[%get3A_121, %get3A_122] : memref<20x128xf32, #tpu.memory_space<vmem>>, vector<1x128xf32>
    %add3A_124 = vector.broadcast %get3A_123 : vector<1x128xf32> to vector<1024x128xf32>
    %add3A_125 = arith.addf %get3A_120, %add3A_124 : vector<1024x128xf32>
    %swap3A_126 = arith.constant 11264 : index
    %swap3A_127 = arith.constant 0 : index
    %swap3A_128 = vector.load %arg6[%swap3A_126, %swap3A_127] : memref<20488x128xf32, #tpu.memory_space<vmem>>, vector<1024x128xf32>
    tpu.vector_store %arg6[%swap3A_126, %swap3A_127], %add3A_125 {strides = array<i32>} : memref<20488x128xf32, #tpu.memory_space<vmem>>, vector<1024x128xf32>,
    %get3A_129 = arith.constant 0 : index
    %get3A_130 = arith.constant 0 : index
    %get3A_131 = vector.load %arg2[%get3A_129, %get3A_130] : memref<1024x128xf32, #tpu.memory_space<vmem>>, vector<1024x128xf32>
    %get3A_132 = arith.constant 12 : index
    %get3A_133 = arith.constant 0 : index
    %get3A_134 = vector.load %arg3[%get3A_132, %get3A_133] : memref<20x128xf32, #tpu.memory_space<vmem>>, vector<1x128xf32>
    %add3A_135 = vector.broadcast %get3A_134 : vector<1x128xf32> to vector<1024x128xf32>
    %add3A_136 = arith.addf %get3A_131, %add3A_135 : vector<1024x128xf32>
    %swap3A_137 = arith.constant 12288 : index
    %swap3A_138 = arith.constant 0 : index
    %swap3A_139 = vector.load %arg6[%swap3A_137, %swap3A_138] : memref<20488x128xf32, #tpu.memory_space<vmem>>, vector<1024x128xf32>
    tpu.vector_store %arg6[%swap3A_137, %swap3A_138], %add3A_136 {strides = array<i32>} : memref<20488x128xf32, #tpu.memory_space<vmem>>, vector<1024x128xf32>,
    %get3A_140 = arith.constant 0 : index
    %get3A_141 = arith.constant 0 : index
    %get3A_142 = vector.load %arg2[%get3A_140, %get3A_141] : memref<1024x128xf32, #tpu.memory_space<vmem>>, vector<1024x128xf32>
    %get3A_143 = arith.constant 13 : index
    %get3A_144 = arith.constant 0 : index
    %get3A_145 = vector.load %arg3[%get3A_143, %get3A_144] : memref<20x128xf32, #tpu.memory_space<vmem>>, vector<1x128xf32>
    %add3A_146 = vector.broadcast %get3A_145 : vector<1x128xf32> to vector<1024x128xf32>
    %add3A_147 = arith.addf %get3A_142, %add3A_146 : vector<1024x128xf32>
    %swap3A_148 = arith.constant 13312 : index
    %swap3A_149 = arith.constant 0 : index
    %swap3A_150 = vector.load %arg6[%swap3A_148, %swap3A_149] : memref<20488x128xf32, #tpu.memory_space<vmem>>, vector<1024x128xf32>
    tpu.vector_store %arg6[%swap3A_148, %swap3A_149], %add3A_147 {strides = array<i32>} : memref<20488x128xf32, #tpu.memory_space<vmem>>, vector<1024x128xf32>,
    %get3A_151 = arith.constant 0 : index
    %get3A_152 = arith.constant 0 : index
    %get3A_153 = vector.load %arg2[%get3A_151, %get3A_152] : memref<1024x128xf32, #tpu.memory_space<vmem>>, vector<1024x128xf32>
    %get3A_154 = arith.constant 14 : index
    %get3A_155 = arith.constant 0 : index
    %get3A_156 = vector.load %arg3[%get3A_154, %get3A_155] : memref<20x128xf32, #tpu.memory_space<vmem>>, vector<1x128xf32>
    %add3A_157 = vector.broadcast %get3A_156 : vector<1x128xf32> to vector<1024x128xf32>
    %add3A_158 = arith.addf %get3A_153, %add3A_157 : vector<1024x128xf32>
    %swap3A_159 = arith.constant 14336 : index
    %swap3A_160 = arith.constant 0 : index
    %swap3A_161 = vector.load %arg6[%swap3A_159, %swap3A_160] : memref<20488x128xf32, #tpu.memory_space<vmem>>, vector<1024x128xf32>
    tpu.vector_store %arg6[%swap3A_159, %swap3A_160], %add3A_158 {strides = array<i32>} : memref<20488x128xf32, #tpu.memory_space<vmem>>, vector<1024x128xf32>,
    %get3A_162 = arith.constant 0 : index
    %get3A_163 = arith.constant 0 : index
    %get3A_164 = vector.load %arg2[%get3A_162, %get3A_163] : memref<1024x128xf32, #tpu.memory_space<vmem>>, vector<1024x128xf32>
    %get3A_165 = arith.constant 15 : index
    %get3A_166 = arith.constant 0 : index
    %get3A_167 = vector.load %arg3[%get3A_165, %get3A_166] : memref<20x128xf32, #tpu.memory_space<vmem>>, vector<1x128xf32>
    %add3A_168 = vector.broadcast %get3A_167 : vector<1x128xf32> to vector<1024x128xf32>
    %add3A_169 = arith.addf %get3A_164, %add3A_168 : vector<1024x128xf32>
    %swap3A_170 = arith.constant 15360 : index
    %swap3A_171 = arith.constant 0 : index
    %swap3A_172 = vector.load %arg6[%swap3A_170, %swap3A_171] : memref<20488x128xf32, #tpu.memory_space<vmem>>, vector<1024x128xf32>
    tpu.vector_store %arg6[%swap3A_170, %swap3A_171], %add3A_169 {strides = array<i32>} : memref<20488x128xf32, #tpu.memory_space<vmem>>, vector<1024x128xf32>,
    %get3A_173 = arith.constant 0 : index
    %get3A_174 = arith.constant 0 : index
    %get3A_175 = vector.load %arg2[%get3A_173, %get3A_174] : memref<1024x128xf32, #tpu.memory_space<vmem>>, vector<1024x128xf32>
    %get3A_176 = arith.constant 16 : index
    %get3A_177 = arith.constant 0 : index
    %get3A_178 = vector.load %arg3[%get3A_176, %get3A_177] : memref<20x128xf32, #tpu.memory_space<vmem>>, vector<1x128xf32>
    %add3A_179 = vector.broadcast %get3A_178 : vector<1x128xf32> to vector<1024x128xf32>
    %add3A_180 = arith.addf %get3A_175, %add3A_179 : vector<1024x128xf32>
    %swap3A_181 = arith.constant 16384 : index
    %swap3A_182 = arith.constant 0 : index
    %swap3A_183 = vector.load %arg6[%swap3A_181, %swap3A_182] : memref<20488x128xf32, #tpu.memory_space<vmem>>, vector<1024x128xf32>
    tpu.vector_store %arg6[%swap3A_181, %swap3A_182], %add3A_180 {strides = array<i32>} : memref<20488x128xf32, #tpu.memory_space<vmem>>, vector<1024x128xf32>,
    %get3A_184 = arith.constant 0 : index
    %get3A_185 = arith.constant 0 : index
    %get3A_186 = vector.load %arg2[%get3A_184, %get3A_185] : memref<1024x128xf32, #tpu.memory_space<vmem>>, vector<1024x128xf32>
    %get3A_187 = arith.constant 17 : index
    %get3A_188 = arith.constant 0 : index
    %get3A_189 = vector.load %arg3[%get3A_187, %get3A_188] : memref<20x128xf32, #tpu.memory_space<vmem>>, vector<1x128xf32>
    %add3A_190 = vector.broadcast %get3A_189 : vector<1x128xf32> to vector<1024x128xf32>
    %add3A_191 = arith.addf %get3A_186, %add3A_190 : vector<1024x128xf32>
    %swap3A_192 = arith.constant 17408 : index
    %swap3A_193 = arith.constant 0 : index
    %swap3A_194 = vector.load %arg6[%swap3A_192, %swap3A_193] : memref<20488x128xf32, #tpu.memory_space<vmem>>, vector<1024x128xf32>
    tpu.vector_store %arg6[%swap3A_192, %swap3A_193], %add3A_191 {strides = array<i32>} : memref<20488x128xf32, #tpu.memory_space<vmem>>, vector<1024x128xf32>,
    %get3A_195 = arith.constant 0 : index
    %get3A_196 = arith.constant 0 : index
    %get3A_197 = vector.load %arg2[%get3A_195, %get3A_196] : memref<1024x128xf32, #tpu.memory_space<vmem>>, vector<1024x128xf32>
    %get3A_198 = arith.constant 18 : index
    %get3A_199 = arith.constant 0 : index
    %get3A_200 = vector.load %arg3[%get3A_198, %get3A_199] : memref<20x128xf32, #tpu.memory_space<vmem>>, vector<1x128xf32>
    %add3A_201 = vector.broadcast %get3A_200 : vector<1x128xf32> to vector<1024x128xf32>
    %add3A_202 = arith.addf %get3A_197, %add3A_201 : vector<1024x128xf32>
    %swap3A_203 = arith.constant 18432 : index
    %swap3A_204 = arith.constant 0 : index
    %swap3A_205 = vector.load %arg6[%swap3A_203, %swap3A_204] : memref<20488x128xf32, #tpu.memory_space<vmem>>, vector<1024x128xf32>
    tpu.vector_store %arg6[%swap3A_203, %swap3A_204], %add3A_202 {strides = array<i32>} : memref<20488x128xf32, #tpu.memory_space<vmem>>, vector<1024x128xf32>,
    %get3A_206 = arith.constant 0 : index
    %get3A_207 = arith.constant 0 : index
    %get3A_208 = vector.load %arg2[%get3A_206, %get3A_207] : memref<1024x128xf32, #tpu.memory_space<vmem>>, vector<1024x128xf32>
    %get3A_209 = arith.constant 19 : index
    %get3A_210 = arith.constant 0 : index
    %get3A_211 = vector.load %arg3[%get3A_209, %get3A_210] : memref<20x128xf32, #tpu.memory_space<vmem>>, vector<1x128xf32>
    %add3A_212 = vector.broadcast %get3A_211 : vector<1x128xf32> to vector<1024x128xf32>
    %add3A_213 = arith.addf %get3A_208, %add3A_212 : vector<1024x128xf32>
    %swap3A_214 = arith.constant 19456 : index
    %swap3A_215 = arith.constant 0 : index
    %swap3A_216 = vector.load %arg6[%swap3A_214, %swap3A_215] : memref<20488x128xf32, #tpu.memory_space<vmem>>, vector<1024x128xf32>
    tpu.vector_store %arg6[%swap3A_214, %swap3A_215], %add3A_213 {strides = array<i32>} : memref<20488x128xf32, #tpu.memory_space<vmem>>, vector<1024x128xf32>,
    %get3A_217 = arith.constant 0 : index
    %get3A_218 = arith.constant 0 : index
    %get3A_219 = vector.load %arg4[%get3A_217, %get3A_218] : memref<8x128xf32, #tpu.memory_space<vmem>>, vector<8x128xf32>
    %swap3A_220 = arith.constant 20480 : index
    %swap3A_221 = arith.constant 0 : index
    %swap3A_222 = vector.load %arg6[%swap3A_220, %swap3A_221] : memref<20488x128xf32, #tpu.memory_space<vmem>>, vector<8x128xf32>
    tpu.vector_store %arg6[%swap3A_220, %swap3A_221], %get3A_219 {strides = array<i32>} : memref<20488x128xf32, #tpu.memory_space<vmem>>, vector<8x128xf32>,
    %get3A_223 = arith.constant 0 : index
    %get3A_224 = arith.constant 0 : index
    %get3A_225 = vector.load %arg5[%get3A_223, %get3A_224] : memref<4096x202xf32, #tpu.memory_space<vmem>>, vector<4096x202xf32>
    %get3A_226 = arith.constant 0 : index
    %get3A_227 = arith.constant 0 : index
    %get3A_228 = vector.load %arg0[%get3A_226, %get3A_227] : memref<202x22xf32, #tpu.memory_space<vmem>>, vector<202x22xf32>
    %dot_general3A = arith.constant dense<0.000000e+00> : vector<4096x22xf32>
    %dot_general3A_229 = tpu.matmul %get3A_225, %get3A_228, %dot_general3A {dimension_numbers = #tpu.dot_dimension_numbers<[1], [0], [0], [1], [0, 0, 1, 1], [], []>, transpose_lhs_hint = false} : vector<4096x202xf32>, vector<202x22xf32>, vector<4096x22xf32> -> vector<4096x22xf32>
    %convert_element_type3A = arith.fptosi %dot_general3A_229 : vector<4096x22xf32> to vector<4096x22xi32>
    %get3A_230 = arith.constant 0 : index
    %get3A_231 = arith.constant 0 : index
    %get3A_232 = vector.load %arg1[%get3A_230, %get3A_231] : memref<1x22xi32, #tpu.memory_space<vmem>>, vector<1x22xi32>
    %add3A_233 = vector.broadcast %get3A_232 : vector<1x22xi32> to vector<4096x22xi32>
    %add3A_234 = arith.addi %convert_element_type3A, %add3A_233 : vector<4096x22xi32>
    %swap3A_235 = arith.constant 0 : index
    %swap3A_236 = arith.constant 0 : index
    %swap3A_237 = vector.load %arg7[%swap3A_235, %swap3A_236] : memref<4096x22xi32, #tpu.memory_space<vmem>>, vector<4096x22xi32>
    tpu.vector_store %arg7[%swap3A_235, %swap3A_236], %add3A_234 {strides = array<i32>} : memref<4096x22xi32, #tpu.memory_space<vmem>>, vector<4096x22xi32>,
    return
  }
}

</mosaic_0001>

<sc_bundles>
// kernel: kernel.4.cloned.1.call-start
scs
__scs_entry_jumppad:
0x0: {  	(pc) =	sbr.rel $0x88, $3  }
0x1: {  	(tag) =	ssettag $0x0;
	lr =	simm.s32 $0x1  }
0x2: {  	[smem:$0x3F9B] =	sst lr;
	_ =	strace $0xD0000000  }
0x3: {  	_ = 	snop  }
0x4: {  	_ = 	snop  }
0x5: {  	_ = 	snop  }
0x6: {  	_ = 	snop  }
0x7: {  	_ = 	snop  }
__scs_overlays_trampoline_lowered:
0x8: {  	[smem:$0x3FAA] =	sst s0  }
0x9: {  	[smem:$0x3FAB] =	sst s1  }
0xa: {  	[smem:$0x3FAC] =	sst s2  }
0xb: {  	[smem:$0x3FAD] =	sst s3  }
0xc: {  	[smem:$0x3FAE] =	sst s4  }
0xd: {  	[smem:$0x3FAF] =	sst s5  }
0xe: {  	[smem:$0x3FB0] =	sst s6  }
0xf: {  	[smem:$0x3FB1] =	sst s7  }
0x10: {  	[smem:$0x3FB2] =	sst s8  }
0x11: {  	[smem:$0x3FB3] =	sst s9;
	s0 =	simm.s32 @!p0 $0x0  }
0x12: {  	s1 =	sld [smem:$0x3F99];
	s0 =	simm.s32 @p0 $0x1  }
0x13: {  	[smem:$0x3FB4] =	sst s0;
	s0 =	simm.s32 @!p1 $0x0  }
0x14: {  	s2 =	sld [smem:$0x3F98];
	s0 =	simm.s32 @p1 $0x1  }
0x15: {  	[smem:$0x3FB5] =	sst s0;
	s0 =	simm.s32 @!p2 $0x0  }
0x16: {  	s3 =	sld [smem:$0x3FDB];
	s0 =	simm.s32 @p2 $0x1  }
0x17: {  	s4 =	simm.s32 $0x1BF5;
	[smem:$0x3FB7] =	sst s0  }
0x18: {  	s0 =	sld [smem:$0x3F9A];
	_ =	swait.ge [sflag:s4], $0x0  }
0x19: {  	s7 =	sld [smem:$0x3F9B]  }
0x1a: {  	s8 =	sadd.s32 $0xFFFFE003, lr  }
0x1b: {  	s9 =	sadd.s32 $0xFFFFFEF7, lr;
	s5 =	simm.s32 $0xFFFFFFFF;
	p2 =	slt.u32 s8, $0xFFFFF086  }
0x1c: {  	p1 =	slt.u32 s9, $0xF7A;
	s5 =	simm.s32 @!p2 $0x0  }
0x1d: {  	s5 =	simm.s32 @p1 $0x1;
	p0 =	seq.s32 s7, s2  }
0x1e: {  	s7 =	smul.u32 @!p0 $0xF7A, s2;
	p2 =	seq.s32 @!p0 s5, $0x0  }
0x1f: {  	s9 =	smul.u32 $0xF7A, s1;
	s8 =	simm.s32 @!p0 $0x1BF5;
	p2 =	por !p2, p0  }
0x20: {  	[sflag:s8] =	ssyncset.s32 @!p0 $0xFFFFF086;
	s6 =	sadd.s32 @!p0 s3, s7;
	s7 =	simm.s32 @!p0 $0x108  }
0x21: {  	s3 =	sadd.s32 s3, s9;
	s6 =	sadd.s32 @!p0 $0x88, s6;
	s7 =	simm.s32 @p2 $0x1082  }
0x22: {  	[simem:s7], [sflag:s8] =	dma.local @!p0 [hbm:s6], $0xF7A  }
0x23: {  	s9 =	sor.u32 $0xD0000000, s2;
	s6 =	simm.s32 $0x108;
	_ =	swait.ge @!p0 [sflag:s8], $0x0  }
0x24: {  	s3 =	sadd.s32 $0x88, s3;
	s6 =	simm.s32 @!p1 $0x1082;
	[sflag:s4] =	ssyncset.s32 $0xFFFFF086  }
0x25: {  	[simem:s6], [sflag:s4] =	dma.local [hbm:s3], $0xF7A  }
0x26: {  	[smem:$0x3F9B] =	sst s1;
	(tag) =	ssettag s2;
	_ =	strace s9  }
0x27: {  	s1 =	sld [smem:$0x3FAB]  }
0x28: {  	s2 =	sld [smem:$0x3FAC]  }
0x29: {  	s4 =	sld [smem:$0x3FAE]  }
0x2a: {  	p0 =	seq.s32 s5, $0x0;
	s5 =	sld [smem:$0x3FAF]  }
0x2b: {  	s6 =	sld [smem:$0x3FB0]  }
0x2c: {  	s7 =	sld [smem:$0x3FB1]  }
0x2d: {  	s3 =	simm.s32 $0x108;
	s8 =	sld [smem:$0x3FB2]  }
0x2e: {  	s3 =	simm.s32 @!p0 $0x1082;
	s9 =	sld [smem:$0x3FB3]  }
0x2f: {  	lr =	sadd.s32 s0, s3;
	s0 =	sld [smem:$0x3FAA]  }
0x30: {  	s3 =	sld [smem:$0x3FAD]  }
0x31: {  	[smem:$0x3FB6] =	sst s10  }
0x32: {  	s10 =	sld [smem:$0x3FB4];
	_ =	sdelay $0x3  }
0x33: {  	p0 =	seq.s32 s10, $0x1;
	s10 =	sld [smem:$0x3FB6];
	_ =	sdelay $0x3  }
0x34: {  	[smem:$0x3FB6] =	sst s10  }
0x35: {  	s10 =	sld [smem:$0x3FB5];
	_ =	sdelay $0x3  }
0x36: {  	p1 =	seq.s32 s10, $0x1;
	s10 =	sld [smem:$0x3FB6];
	_ =	sdelay $0x3  }
0x37: {  	[smem:$0x3FB6] =	sst s10  }
0x38: {  	s10 =	sld [smem:$0x3FB7]  }
0x39: {  	_ = 	snop;
	(pc) =	sbr.ind lr, $3  }
0x3a: {  	_ = 	snop  }
0x3b: {  	_ = 	snop  }
0x3c: {  	p2 =	seq.s32 s10, $0x1;
	s10 =	sld [smem:$0x3FB6]  }
0x3d: {  	_ =	shalt  }
0x3e: {  	_ =	shalt  }
0x3f: {  	_ =	shalt  }
0x40: {  	_ =	shalt  }
0x41: {  	_ =	shalt  }
0x42: {  	_ =	shalt  }
0x43: {  	_ =	shalt  }
0x44: {  	_ =	shalt  }
0x45: {  	_ =	shalt  }
0x46: {  	_ =	shalt  }
0x47: {  	_ =	shalt  }
0x48: {  	_ =	shalt  }
0x49: {  	_ =	shalt  }
0x4a: {  	_ =	shalt  }
0x4b: {  	_ =	shalt  }
0x4c: {  	_ =	shalt  }
0x4d: {  	_ =	shalt  }
0x4e: {  	_ =	shalt  }
0x4f: {  	_ =	shalt  }
0x50: {  	_ =	shalt  }
0x51: {  	_ =	shalt  }
0x52: {  	_ =	shalt  }
0x53: {  	_ =	shalt  }
0x54: {  	_ =	shalt  }
0x55: {  	_ =	shalt  }
0x56: {  	_ =	shalt  }
0x57: {  	_ =	shalt  }
0x58: {  	_ =	shalt  }
0x59: {  	_ =	shalt  }
0x5a: {  	_ =	shalt  }
0x5b: {  	_ =	shalt  }
0x5c: {  	_ =	shalt  }
0x5d: {  	_ =	shalt  }
0x5e: {  	_ =	shalt  }
0x5f: {  	_ =	shalt  }
0x60: {  	_ =	shalt  }
0x61: {  	_ =	shalt  }
0x62: {  	_ =	shalt  }
0x63: {  	_ =	shalt  }
0x64: {  	_ =	shalt  }
0x65: {  	_ =	shalt  }
0x66: {  	_ =	shalt  }
0x67: {  	_ =	shalt  }
0x68: {  	_ =	shalt  }
0x69: {  	_ =	shalt  }
0x6a: {  	_ =	shalt  }
0x6b: {  	_ =	shalt  }
0x6c: {  	_ =	shalt  }
0x6d: {  	_ =	shalt  }
0x6e: {  	_ =	shalt  }
0x6f: {  	_ =	shalt  }
0x70: {  	_ =	shalt  }
0x71: {  	_ =	shalt  }
0x72: {  	_ =	shalt  }
0x73: {  	_ =	shalt  }
0x74: {  	_ =	shalt  }
0x75: {  	_ =	shalt  }
0x76: {  	_ =	shalt  }
0x77: {  	_ =	shalt  }
0x78: {  	_ =	shalt  }
0x79: {  	_ =	shalt  }
0x7a: {  	_ =	shalt  }
0x7b: {  	_ =	shalt  }
0x7c: {  	_ =	shalt  }
0x7d: {  	_ =	shalt  }
0x7e: {  	_ =	shalt  }
0x7f: {  	_ =	shalt  }
0x80: {  	_ =	shalt  }
0x81: {  	_ =	shalt  }
0x82: {  	_ =	shalt  }
0x83: {  	_ =	shalt  }
0x84: {  	_ =	shalt  }
0x85: {  	_ =	shalt  }
0x86: {  	_ =	shalt  }
0x87: {  	_ =	shalt  }
.Lfunc_end0:
.L_simem_size_0:
called_computation.1_lowered:
.L_overlay_start_0:
0x88: {  	s2 =	sld [smem:$0x3FD9]  }
0x89: {  	s3 =	sld [smem:$0x3FFE];
	_ =	sdelay $0x1  }
0x8a: {  	s1 =	srdreg.scid  }
0x8b: {  	s0 =	sand.u32 $0x1, s1  }
0x8c: {  	s17 =	sshll.u32 s0, $0xA;
	s2 =	sadd.s32 s3, s2  }
0x8d: {  	s2 =	sadd.s32 s2, s17  }
0x8e: {  	[smem:$0x3FC2] =	sst s2  }
0x8f: {  	_ = 	snop  }
0x90: {  	s2 =	sld [smem:$0x3FD0];
	(tm) =	ssettm $0x1  }
0x91: {  	s18 =	sld [smem:$0x3FFB];
	_ =	sdelay $0x3  }
0x92: {  	_ =	strace s18  }
0x93: {  	s3 =	sld [smem:$0x3FFC];
	_ =	sdelay $0x3  }
0x94: {  	_ =	strace s3  }
0x95: {  	s3 =	sld [smem:$0x3FFD];
	_ =	sdelay $0x3  }
0x96: {  	_ =	strace s3  }
0x97: {  	_ =	strace $0x8FFFFFFF  }
0x98: {  	s19 =	sld [smem:$0x3FDB];
	_ =	sdelay $0x1  }
0x99: {  	s4 =	simm.s32 $_scs_section_size  }
0x9a: {  	s5 =	simm.s32 $_size__tile_overlayer_lowered;
	s6 =	simm.s32 $_tile_overlayer_lowered  }
0x9b: {  	s22 =	simm.s32 $0x1BFF;
	s21 =	sshll.u32 s6, $0x1;
	s3 =	sadd.s32 s4, s19  }
0x9c: {  	s7 =	simm.s32 $0x0;
	s20 =	sshll.u32 s5, $0x1;
	s5 =	sadd.s32 s21, s3  }
0x9d: {  	[timem:s7], [sflag:s22] =	dma.local [hbm:s5], s20  }
0x9e: {  	_ =	swait.ge [sflag:s22], s20  }
0x9f: {  	s4 =	ssub.s32 $0x0, s20;
	[sflag:s22] =	ssyncset.done $0x0  }
0xa0: {  	[sflag:s22] =	ssyncadd.s32 s4;
	_ =	sdelay $0x1  }
0xa1: {  	s23 =	simm.s32 $0x1B8B  }
0xa2: {  	_ =	swait.ge [sflag:s23], $0x1  }
0xa3: {  	[sflag:s23] =	ssyncset.done $0x0  }
0xa4: {  	s25 =	simm.s32 $0x1B8E;
	s24 =	sld [smem:$0x3FFE];
	[sflag:s23] =	ssyncadd.s32 $0xFFFFFFFF  }
0xa5: {  	s26 =	simm.s32 $execute0_lowered;
	[smem:$0x3FD2] =	sst s25  }
0xa6: {  	s5 =	sshll.u32 s26, $0x1;
	_ =	strace $0x80000046;
	[dreg:$0x1] =	wrdreg $0xFFFFFFFF  }
0xa7: {  	s28 =	simm.s32 $_size_execute0_lowered;
	s3 =	sadd.s32 s3, s5;
	[dreg:$0x0] =	wrdreg $0x0  }
0xa8: {  	s5 =	sshll.u32 s28, $0x1;
	[dreg:$0x2] =	wrdreg s3  }
0xa9: {  	[dreg:$0x3] =	wrdreg s5  }
0xaa: {  	[dreg:$0x4] =	wrdreg $0xC0  }
0xab: {  	_ =	task [dreg:s7], $0x5FFFF  }
0xac: {  	[dreg:$0x1] =	wrdreg $0xFFFFFFFF  }
0xad: {  	[dreg:$0x0] =	wrdreg $0x60  }
0xae: {  	[dreg:$0x2] =	wrdreg s24  }
0xaf: {  	[dreg:$0x3] =	wrdreg s2  }
0xb0: {  	[dreg:$0x4] =	wrdreg $0x9  }
0xb1: {  	_ =	task.clear_ibuf [dreg:s7], $0x5FFFF;
	_ =	strace $0x90000046  }
0xb2: {  	s29 =	simm.s32 $0x9;
	_ =	strace $0x80000048  }
0xb3: {  	_ =	swait.ge [sflag:s29], $0x1  }
0xb4: {  	[sflag:s29] =	ssyncadd.s32 $0xFFFFFFFF  }
0xb5: {  	_ =	strace $0x90000048  }
0xb6: {  	_ =	sfence  }
0xb7: {  	s30 =	sld [smem:$0x0];
	_ =	sdelay $0x2  }
0xb8: {  	s31 =	sshll.u32 s1, $0xD;
	s1 =	sshrl.u32 s1, $0x2  }
0xb9: {  	s3 =	sand.u32 $0x4000, s31;
	s1 =	sadd.s32 s1, s30  }
0xba: {  	s0 =	sor.u32 s3, s0;
	s1 =	sshll.u32 s1, $0x11  }
0xbb: {  	s0 =	sor.u32 s1, s0  }
0xbc: {  	s0 =	sadd.s32 $0x8F2B, s0  }
0xbd: {  	[sflag:s0] =	ssyncadd.remote.s32 $0x1  }
0xbe: {  	_ =	sfence.sel $0xFFFF  }
0xbf: {  	[dreg:$0x0] =	wrdreg $0xFFFFFFFF;
	(pc) =	sbr.abs _section_cstart, $3  }
0xc0: {  	[dreg:$0x1] =	wrdreg $0xFFFFFFFF  }
0xc1: {  	_ =	task.clear_ibuf [dreg:s7], $0x2FFFF;
	_ =	strace $0x9FFFFFFF  }
0xc2: {  	(tm) =	ssettm $0x7FFFFFFF  }
0xc3: {  	_ =	shalt  }
tec
execute0_lowered:
.L_overlay_start_1:
0x0: {  	(tag) =	ssettag $0x1  }
0x1: {  	s0 =	srdreg.scid;
	s1 =	stileid.u32  }
0x2: {  	s0 =	sand.u32 $0x1, s0;
	s1 =	sshll.u32 s1, $0x1  }
0x3: {  	s1 =	sor.u32 s0, s1  }
0x4: {  	s5 =	smul.u32 $0x160, s1  }
0x5: {  	s3 =	rddreg [dreg:$0x0];
	s2 =	simm.s32 $0x0;
	s6 =	smul.u32 $0xB000, s1  }
0x6: {  	[smem:$0x7FF] =	sst s2;
	s1 =	smul.u32 $0x58000, s1  }
0x7: {  	s4 =	rddreg [dreg:$0x1];
	_ =	strace $0x80000047;
	s5 =	sadd.s32 s5, s3  }
0x8: {  	s22 =	sadd.s32 s4, s6;
	s1 =	sshrl.u32 s1, $0x3;
	s5 =	sadd.s32 $0x51600, s5  }
0x9: {  	s6 =	sadd.s32 $0x800, s22;
	s1 =	sadd.s32 s4, s1;
	[dreg:$0x3] =	wrdreg s5  }
0xa: {  	[dreg:$0x4] =	wrdreg s6;
	s4 =	sadd.s32 $0x1000, s1  }
0xb: {  	s7 =	sadd.s32 $0x1800, s1;
	[dreg:$0x5] =	wrdreg s4  }
0xc: {  	s8 =	sadd.s32 $0x2000, s1;
	[dreg:$0x6] =	wrdreg s7  }
0xd: {  	s9 =	sadd.s32 $0x2800, s1;
	[dreg:$0x7] =	wrdreg s8  }
0xe: {  	s10 =	sadd.s32 $0x3000, s1;
	[dreg:$0x8] =	wrdreg s9  }
0xf: {  	s11 =	sadd.s32 $0x3800, s1;
	[dreg:$0x9] =	wrdreg s10  }
0x10: {  	s12 =	sadd.s32 $0x4000, s1;
	[dreg:$0xa] =	wrdreg s11  }
0x11: {  	s31 =	simm.s32 $0x3;
	s13 =	sadd.s32 $0x4800, s1;
	[dreg:$0xb] =	wrdreg s12  }
0x12: {  	s30 =	simm.s32 $0x100;
	s14 =	sadd.s32 $0x5000, s1;
	[dreg:$0xc] =	wrdreg s13  }
0x13: {  	s29 =	simm.s32 $0x180;
	s15 =	sadd.s32 $0x5800, s1;
	[dreg:$0xd] =	wrdreg s14  }
0x14: {  	s28 =	simm.s32 $0x200;
	s16 =	sadd.s32 $0x6000, s1;
	[dreg:$0xe] =	wrdreg s15  }
0x15: {  	p0 =	por $0x0, $0x0;
	s17 =	sadd.s32 $0x6800, s1;
	[dreg:$0xf] =	wrdreg s16  }
0x16: {  	s0 =	ssub.s32 $0x2, s0;
	s18 =	sadd.s32 $0x7000, s1;
	[dreg:$0x10] =	wrdreg s17  }
0x17: {  	s25 =	sshrl.u32 s0, $0x1;
	s19 =	sadd.s32 $0x7800, s1;
	[dreg:$0x11] =	wrdreg s18  }
0x18: {  	s0 =	ssub.s32 s0, s25;
	s20 =	sadd.s32 $0x8000, s1;
	[dreg:$0x12] =	wrdreg s19  }
0x19: {  	s25 =	simm.s32 $0x300;
	s21 =	sadd.s32 $0x8800, s1;
	[dreg:$0x13] =	wrdreg s20  }
0x1a: {  	s0 =	smax.u32 s0, $0x1;
	s23 =	sadd.s32 $0x9000, s1;
	[dreg:$0x14] =	wrdreg s21  }
0x1b: {  	p1 =	sne.s32 s0, $0x1;
	s24 =	sadd.s32 $0x9800, s1;
	[dreg:$0x15] =	wrdreg s23  }
0x1c: {  	s26 =	sadd.s32 $0xA000, s1;
	s1 =	sadd.s32 $0xA800, s1;
	[dreg:$0x16] =	wrdreg s24  }
0x1d: {  	s6 =	sadd.s32 $0x1400, s3;
	s5 =	simm.s32 $0x1;
	[dreg:$0x17] =	wrdreg s26  }
0x1e: {  	s3 =	simm.s32 $0x2;
	[dreg:$0x18] =	wrdreg s1;
	s8 =	simm.s32 $0x80  }
0x1f: {  	s7 =	simm.s32 $0xB00;
	s4 =	simm.s32 $0x4B00;
	s26 =	simm.s32 $0x280  }
0x20: {  	s24 =	simm.s32 $0x380;
	s23 =	simm.s32 $0x400;
	s21 =	simm.s32 $0x480  }
.Ltmp0:
0x21: {  	s20 =	simm.s32 $0x500;
	s19 =	simm.s32 $0x580;
	(pc) =	sbr.rel @!p1 .LBB2_3-.Ltmp0, $4  }
0x22: {  	s18 =	simm.s32 $0x600;
	s17 =	simm.s32 $0x680;
	s16 =	simm.s32 $0x700  }
0x23: {  	s15 =	simm.s32 $0x780;
	s1 =	sadd.s32 $0xFFFFFFFF, s0;
	s14 =	simm.s32 $0x800  }
0x24: {  	s13 =	simm.s32 $0x880;
	s12 =	simm.s32 $0x900;
	s11 =	simm.s32 $0x980  }
0x25: {  	s10 =	simm.s32 $0xA00;
	s9 =	simm.s32 $0xA80;
	s0 =	rddreg [dreg:$0x3]  }
0x26: {  	[tilespmem:s2], [sflag:$0x3] =	stream.linear.gather [hbm4b:s0+s2], $0xB00, $0x38;
	[tilespmem:$0x8B00] =	vst v63  }
0x27: {  	_ =	swait.ge [sflag:s31], $0xB00  }
0x28: {  	[sflag:s31] =	ssyncset.done $0x0  }
0x29: {  	[sflag:s31] =	ssyncadd.s32 $0xFFFFF500  }
0x2a: {  	[tilespmem:s7], [sflag:$0x1] =	stream.indirect.gather [hbm4b:s6+s8], $0x80, s2, s8, $0xb8;
	[tilespmem:$0x8B00] =	vst v63  }
0x2b: {  	_ = 	snop  }
0x2c: {  	[tilespmem:s4], [sflag:$0x1] =	stream.indirect.gather [hbm4b:s6+s8], $0x80, s8, s8, $0xb8;
	[tilespmem:$0x8B00] =	vst v63  }
0x2d: {  	_ =	swait.ge [sflag:s5], $0x4000  }
0x2e: {  	[sflag:s5] =	ssyncset.done $0x0  }
0x2f: {  	[sflag:s5] =	ssyncadd.s32 $0xFFFFC000  }
0x30: {  	[hbm4b:s22+s2] =	stream.linear.scatter [tilespmem:s7], [sflag:$0x2], $0x4000, $0x38;
	[tilespmem:$0x8B00] =	vst v63  }
0x31: {  	_ =	swait.ge [sflag:s3], $0x4000  }
0x32: {  	[sflag:s3] =	ssyncset.done $0x0  }
0x33: {  	[sflag:s3] =	ssyncadd.s32 $0xFFFFC000  }
0x34: {  	[tilespmem:s7], [sflag:$0x1] =	stream.indirect.gather [hbm4b:s6+s8], $0x80, s30, s8, $0xb8;
	[tilespmem:$0x8B00] =	vst v63  }
0x35: {  	_ =	swait.ge [sflag:s5], $0x4000  }
0x36: {  	[sflag:s5] =	ssyncset.done $0x0  }
0x37: {  	s0 =	rddreg [dreg:$0x4];
	[sflag:s5] =	ssyncadd.s32 $0xFFFFC000  }
0x38: {  	[hbm4b:s0+s2] =	stream.linear.scatter [tilespmem:s4], [sflag:$0x2], $0x4000, $0x38;
	[tilespmem:$0x8B00] =	vst v63  }
0x39: {  	_ =	swait.ge [sflag:s3], $0x4000  }
0x3a: {  	[sflag:s3] =	ssyncset.done $0x0  }
0x3b: {  	[sflag:s3] =	ssyncadd.s32 $0xFFFFC000  }
0x3c: {  	[tilespmem:s4], [sflag:$0x1] =	stream.indirect.gather [hbm4b:s6+s8], $0x80, s29, s8, $0xb8;
	[tilespmem:$0x8B00] =	vst v63  }
0x3d: {  	_ =	swait.ge [sflag:s5], $0x4000  }
0x3e: {  	[sflag:s5] =	ssyncset.done $0x0  }
0x3f: {  	s0 =	rddreg [dreg:$0x5];
	[sflag:s5] =	ssyncadd.s32 $0xFFFFC000  }
0x40: {  	[hbm4b:s0+s2] =	stream.linear.scatter [tilespmem:s7], [sflag:$0x2], $0x4000, $0x38;
	[tilespmem:$0x8B00] =	vst v63  }
0x41: {  	_ =	swait.ge [sflag:s3], $0x4000  }
0x42: {  	[sflag:s3] =	ssyncset.done $0x0  }
0x43: {  	[sflag:s3] =	ssyncadd.s32 $0xFFFFC000  }
0x44: {  	[tilespmem:s7], [sflag:$0x1] =	stream.indirect.gather [hbm4b:s6+s8], $0x80, s28, s8, $0xb8;
	[tilespmem:$0x8B00] =	vst v63  }
0x45: {  	_ =	swait.ge [sflag:s5], $0x4000  }
0x46: {  	[sflag:s5] =	ssyncset.done $0x0  }
0x47: {  	s0 =	rddreg [dreg:$0x6];
	[sflag:s5] =	ssyncadd.s32 $0xFFFFC000  }
0x48: {  	[hbm4b:s0+s2] =	stream.linear.scatter [tilespmem:s4], [sflag:$0x2], $0x4000, $0x38;
	[tilespmem:$0x8B00] =	vst v63  }
0x49: {  	_ =	swait.ge [sflag:s3], $0x4000  }
0x4a: {  	[sflag:s3] =	ssyncset.done $0x0  }
0x4b: {  	[sflag:s3] =	ssyncadd.s32 $0xFFFFC000  }
0x4c: {  	[tilespmem:s4], [sflag:$0x1] =	stream.indirect.gather [hbm4b:s6+s8], $0x80, s26, s8, $0xb8;
	[tilespmem:$0x8B00] =	vst v63  }
0x4d: {  	_ =	swait.ge [sflag:s5], $0x4000  }
0x4e: {  	[sflag:s5] =	ssyncset.done $0x0  }
0x4f: {  	s0 =	rddreg [dreg:$0x7];
	[sflag:s5] =	ssyncadd.s32 $0xFFFFC000  }
0x50: {  	[hbm4b:s0+s2] =	stream.linear.scatter [tilespmem:s7], [sflag:$0x2], $0x4000, $0x38;
	[tilespmem:$0x8B00] =	vst v63  }
0x51: {  	_ =	swait.ge [sflag:s3], $0x4000  }
0x52: {  	[sflag:s3] =	ssyncset.done $0x0  }
0x53: {  	[sflag:s3] =	ssyncadd.s32 $0xFFFFC000  }
0x54: {  	[tilespmem:s7], [sflag:$0x1] =	stream.indirect.gather [hbm4b:s6+s8], $0x80, s25, s8, $0xb8;
	[tilespmem:$0x8B00] =	vst v63  }
0x55: {  	_ =	swait.ge [sflag:s5], $0x4000  }
0x56: {  	[sflag:s5] =	ssyncset.done $0x0  }
0x57: {  	s0 =	rddreg [dreg:$0x8];
	[sflag:s5] =	ssyncadd.s32 $0xFFFFC000  }
0x58: {  	[hbm4b:s0+s2] =	stream.linear.scatter [tilespmem:s4], [sflag:$0x2], $0x4000, $0x38;
	[tilespmem:$0x8B00] =	vst v63  }
0x59: {  	_ =	swait.ge [sflag:s3], $0x4000  }
0x5a: {  	[sflag:s3] =	ssyncset.done $0x0  }
0x5b: {  	[sflag:s3] =	ssyncadd.s32 $0xFFFFC000  }
0x5c: {  	[tilespmem:s4], [sflag:$0x1] =	stream.indirect.gather [hbm4b:s6+s8], $0x80, s24, s8, $0xb8;
	[tilespmem:$0x8B00] =	vst v63  }
0x5d: {  	_ =	swait.ge [sflag:s5], $0x4000  }
0x5e: {  	[sflag:s5] =	ssyncset.done $0x0  }
0x5f: {  	s0 =	rddreg [dreg:$0x9];
	[sflag:s5] =	ssyncadd.s32 $0xFFFFC000  }
0x60: {  	[hbm4b:s0+s2] =	stream.linear.scatter [tilespmem:s7], [sflag:$0x2], $0x4000, $0x38;
	[tilespmem:$0x8B00] =	vst v63  }
0x61: {  	_ =	swait.ge [sflag:s3], $0x4000  }
0x62: {  	[sflag:s3] =	ssyncset.done $0x0  }
0x63: {  	[sflag:s3] =	ssyncadd.s32 $0xFFFFC000  }
0x64: {  	[tilespmem:s7], [sflag:$0x1] =	stream.indirect.gather [hbm4b:s6+s8], $0x80, s23, s8, $0xb8;
	[tilespmem:$0x8B00] =	vst v63  }
0x65: {  	_ =	swait.ge [sflag:s5], $0x4000  }
0x66: {  	[sflag:s5] =	ssyncset.done $0x0  }
0x67: {  	s0 =	rddreg [dreg:$0xa];
	[sflag:s5] =	ssyncadd.s32 $0xFFFFC000  }
0x68: {  	[hbm4b:s0+s2] =	stream.linear.scatter [tilespmem:s4], [sflag:$0x2], $0x4000, $0x38;
	[tilespmem:$0x8B00] =	vst v63  }
0x69: {  	_ =	swait.ge [sflag:s3], $0x4000  }
0x6a: {  	[sflag:s3] =	ssyncset.done $0x0  }
0x6b: {  	[sflag:s3] =	ssyncadd.s32 $0xFFFFC000  }
0x6c: {  	[tilespmem:s4], [sflag:$0x1] =	stream.indirect.gather [hbm4b:s6+s8], $0x80, s21, s8, $0xb8;
	[tilespmem:$0x8B00] =	vst v63  }
0x6d: {  	_ =	swait.ge [sflag:s5], $0x4000  }
0x6e: {  	[sflag:s5] =	ssyncset.done $0x0  }
0x6f: {  	s0 =	rddreg [dreg:$0xb];
	[sflag:s5] =	ssyncadd.s32 $0xFFFFC000  }
0x70: {  	[hbm4b:s0+s2] =	stream.linear.scatter [tilespmem:s7], [sflag:$0x2], $0x4000, $0x38;
	[tilespmem:$0x8B00] =	vst v63  }
0x71: {  	_ =	swait.ge [sflag:s3], $0x4000  }
0x72: {  	[sflag:s3] =	ssyncset.done $0x0  }
0x73: {  	[sflag:s3] =	ssyncadd.s32 $0xFFFFC000  }
0x74: {  	[tilespmem:s7], [sflag:$0x1] =	stream.indirect.gather [hbm4b:s6+s8], $0x80, s20, s8, $0xb8;
	[tilespmem:$0x8B00] =	vst v63  }
0x75: {  	_ =	swait.ge [sflag:s5], $0x4000  }
0x76: {  	[sflag:s5] =	ssyncset.done $0x0  }
0x77: {  	s0 =	rddreg [dreg:$0xc];
	[sflag:s5] =	ssyncadd.s32 $0xFFFFC000  }
0x78: {  	[hbm4b:s0+s2] =	stream.linear.scatter [tilespmem:s4], [sflag:$0x2], $0x4000, $0x38;
	[tilespmem:$0x8B00] =	vst v63  }
0x79: {  	_ =	swait.ge [sflag:s3], $0x4000  }
0x7a: {  	[sflag:s3] =	ssyncset.done $0x0  }
0x7b: {  	[sflag:s3] =	ssyncadd.s32 $0xFFFFC000  }
0x7c: {  	[tilespmem:s4], [sflag:$0x1] =	stream.indirect.gather [hbm4b:s6+s8], $0x80, s19, s8, $0xb8;
	[tilespmem:$0x8B00] =	vst v63  }
0x7d: {  	_ =	swait.ge [sflag:s5], $0x4000  }
0x7e: {  	[sflag:s5] =	ssyncset.done $0x0  }
0x7f: {  	s0 =	rddreg [dreg:$0xd];
	[sflag:s5] =	ssyncadd.s32 $0xFFFFC000  }
0x80: {  	[hbm4b:s0+s2] =	stream.linear.scatter [tilespmem:s7], [sflag:$0x2], $0x4000, $0x38;
	[tilespmem:$0x8B00] =	vst v63  }
0x81: {  	_ =	swait.ge [sflag:s3], $0x4000  }
0x82: {  	[sflag:s3] =	ssyncset.done $0x0  }
0x83: {  	[sflag:s3] =	ssyncadd.s32 $0xFFFFC000  }
0x84: {  	[tilespmem:s7], [sflag:$0x1] =	stream.indirect.gather [hbm4b:s6+s8], $0x80, s18, s8, $0xb8;
	[tilespmem:$0x8B00] =	vst v63  }
0x85: {  	_ =	swait.ge [sflag:s5], $0x4000  }
0x86: {  	[sflag:s5] =	ssyncset.done $0x0  }
0x87: {  	s0 =	rddreg [dreg:$0xe];
	[sflag:s5] =	ssyncadd.s32 $0xFFFFC000  }
0x88: {  	[hbm4b:s0+s2] =	stream.linear.scatter [tilespmem:s4], [sflag:$0x2], $0x4000, $0x38;
	[tilespmem:$0x8B00] =	vst v63  }
0x89: {  	_ =	swait.ge [sflag:s3], $0x4000  }
0x8a: {  	[sflag:s3] =	ssyncset.done $0x0  }
0x8b: {  	[sflag:s3] =	ssyncadd.s32 $0xFFFFC000  }
0x8c: {  	[tilespmem:s4], [sflag:$0x1] =	stream.indirect.gather [hbm4b:s6+s8], $0x80, s17, s8, $0xb8;
	[tilespmem:$0x8B00] =	vst v63  }
0x8d: {  	_ =	swait.ge [sflag:s5], $0x4000  }
0x8e: {  	[sflag:s5] =	ssyncset.done $0x0  }
0x8f: {  	s0 =	rddreg [dreg:$0xf];
	[sflag:s5] =	ssyncadd.s32 $0xFFFFC000  }
0x90: {  	[hbm4b:s0+s2] =	stream.linear.scatter [tilespmem:s7], [sflag:$0x2], $0x4000, $0x38;
	[tilespmem:$0x8B00] =	vst v63  }
0x91: {  	_ =	swait.ge [sflag:s3], $0x4000  }
0x92: {  	[sflag:s3] =	ssyncset.done $0x0  }
0x93: {  	[sflag:s3] =	ssyncadd.s32 $0xFFFFC000  }
0x94: {  	[tilespmem:s7], [sflag:$0x1] =	stream.indirect.gather [hbm4b:s6+s8], $0x80, s16, s8, $0xb8;
	[tilespmem:$0x8B00] =	vst v63  }
0x95: {  	_ =	swait.ge [sflag:s5], $0x4000  }
0x96: {  	[sflag:s5] =	ssyncset.done $0x0  }
0x97: {  	s0 =	rddreg [dreg:$0x10];
	[sflag:s5] =	ssyncadd.s32 $0xFFFFC000  }
0x98: {  	[hbm4b:s0+s2] =	stream.linear.scatter [tilespmem:s4], [sflag:$0x2], $0x4000, $0x38;
	[tilespmem:$0x8B00] =	vst v63  }
0x99: {  	_ =	swait.ge [sflag:s3], $0x4000  }
0x9a: {  	[sflag:s3] =	ssyncset.done $0x0  }
0x9b: {  	[sflag:s3] =	ssyncadd.s32 $0xFFFFC000  }
0x9c: {  	[tilespmem:s4], [sflag:$0x1] =	stream.indirect.gather [hbm4b:s6+s8], $0x80, s15, s8, $0xb8;
	[tilespmem:$0x8B00] =	vst v63  }
0x9d: {  	_ =	swait.ge [sflag:s5], $0x4000  }
0x9e: {  	[sflag:s5] =	ssyncset.done $0x0  }
0x9f: {  	s0 =	rddreg [dreg:$0x11];
	[sflag:s5] =	ssyncadd.s32 $0xFFFFC000  }
0xa0: {  	[hbm4b:s0+s2] =	stream.linear.scatter [tilespmem:s7], [sflag:$0x2], $0x4000, $0x38;
	[tilespmem:$0x8B00] =	vst v63  }
0xa1: {  	_ =	swait.ge [sflag:s3], $0x4000  }
0xa2: {  	[sflag:s3] =	ssyncset.done $0x0  }
0xa3: {  	[sflag:s3] =	ssyncadd.s32 $0xFFFFC000  }
0xa4: {  	[tilespmem:s7], [sflag:$0x1] =	stream.indirect.gather [hbm4b:s6+s8], $0x80, s14, s8, $0xb8;
	[tilespmem:$0x8B00] =	vst v63  }
0xa5: {  	_ =	swait.ge [sflag:s5], $0x4000  }
0xa6: {  	[sflag:s5] =	ssyncset.done $0x0  }
0xa7: {  	s0 =	rddreg [dreg:$0x12];
	[sflag:s5] =	ssyncadd.s32 $0xFFFFC000  }
0xa8: {  	[hbm4b:s0+s2] =	stream.linear.scatter [tilespmem:s4], [sflag:$0x2], $0x4000, $0x38;
	[tilespmem:$0x8B00] =	vst v63  }
0xa9: {  	_ =	swait.ge [sflag:s3], $0x4000  }
0xaa: {  	[sflag:s3] =	ssyncset.done $0x0  }
0xab: {  	[sflag:s3] =	ssyncadd.s32 $0xFFFFC000  }
0xac: {  	[tilespmem:s4], [sflag:$0x1] =	stream.indirect.gather [hbm4b:s6+s8], $0x80, s13, s8, $0xb8;
	[tilespmem:$0x8B00] =	vst v63  }
0xad: {  	_ =	swait.ge [sflag:s5], $0x4000  }
0xae: {  	[sflag:s5] =	ssyncset.done $0x0  }
0xaf: {  	s0 =	rddreg [dreg:$0x13];
	[sflag:s5] =	ssyncadd.s32 $0xFFFFC000  }
0xb0: {  	[hbm4b:s0+s2] =	stream.linear.scatter [tilespmem:s7], [sflag:$0x2], $0x4000, $0x38;
	[tilespmem:$0x8B00] =	vst v63  }
0xb1: {  	_ =	swait.ge [sflag:s3], $0x4000  }
0xb2: {  	[sflag:s3] =	ssyncset.done $0x0  }
0xb3: {  	[sflag:s3] =	ssyncadd.s32 $0xFFFFC000  }
0xb4: {  	[tilespmem:s7], [sflag:$0x1] =	stream.indirect.gather [hbm4b:s6+s8], $0x80, s12, s8, $0xb8;
	[tilespmem:$0x8B00] =	vst v63  }
0xb5: {  	_ =	swait.ge [sflag:s5], $0x4000  }
0xb6: {  	[sflag:s5] =	ssyncset.done $0x0  }
0xb7: {  	s0 =	rddreg [dreg:$0x14];
	[sflag:s5] =	ssyncadd.s32 $0xFFFFC000  }
0xb8: {  	[hbm4b:s0+s2] =	stream.linear.scatter [tilespmem:s4], [sflag:$0x2], $0x4000, $0x38;
	[tilespmem:$0x8B00] =	vst v63  }
0xb9: {  	_ =	swait.ge [sflag:s3], $0x4000  }
0xba: {  	[sflag:s3] =	ssyncset.done $0x0  }
0xbb: {  	[sflag:s3] =	ssyncadd.s32 $0xFFFFC000  }
0xbc: {  	[tilespmem:s4], [sflag:$0x1] =	stream.indirect.gather [hbm4b:s6+s8], $0x80, s11, s8, $0xb8;
	[tilespmem:$0x8B00] =	vst v63  }
0xbd: {  	_ =	swait.ge [sflag:s5], $0x4000  }
0xbe: {  	[sflag:s5] =	ssyncset.done $0x0  }
0xbf: {  	s0 =	rddreg [dreg:$0x15];
	[sflag:s5] =	ssyncadd.s32 $0xFFFFC000  }
0xc0: {  	[hbm4b:s0+s2] =	stream.linear.scatter [tilespmem:s7], [sflag:$0x2], $0x4000, $0x38;
	[tilespmem:$0x8B00] =	vst v63  }
0xc1: {  	_ =	swait.ge [sflag:s3], $0x4000  }
0xc2: {  	[sflag:s3] =	ssyncset.done $0x0  }
0xc3: {  	[sflag:s3] =	ssyncadd.s32 $0xFFFFC000  }
0xc4: {  	[tilespmem:s7], [sflag:$0x1] =	stream.indirect.gather [hbm4b:s6+s8], $0x80, s10, s8, $0xb8;
	[tilespmem:$0x8B00] =	vst v63  }
0xc5: {  	_ =	swait.ge [sflag:s5], $0x4000  }
0xc6: {  	[sflag:s5] =	ssyncset.done $0x0  }
0xc7: {  	s0 =	rddreg [dreg:$0x16];
	[sflag:s5] =	ssyncadd.s32 $0xFFFFC000  }
0xc8: {  	[hbm4b:s0+s2] =	stream.linear.scatter [tilespmem:s4], [sflag:$0x2], $0x4000, $0x38;
	[tilespmem:$0x8B00] =	vst v63  }
0xc9: {  	_ =	swait.ge [sflag:s3], $0x4000  }
0xca: {  	[sflag:s3] =	ssyncset.done $0x0  }
0xcb: {  	[sflag:s3] =	ssyncadd.s32 $0xFFFFC000  }
0xcc: {  	[tilespmem:s4], [sflag:$0x1] =	stream.indirect.gather [hbm4b:s6+s8], $0x80, s9, s8, $0xb8;
	[tilespmem:$0x8B00] =	vst v63  }
0xcd: {  	_ =	swait.ge [sflag:s5], $0x4000  }
0xce: {  	[sflag:s5] =	ssyncset.done $0x0  }
0xcf: {  	s0 =	rddreg [dreg:$0x17];
	[sflag:s5] =	ssyncadd.s32 $0xFFFFC000  }
0xd0: {  	[hbm4b:s0+s2] =	stream.linear.scatter [tilespmem:s7], [sflag:$0x2], $0x4000, $0x38;
	[tilespmem:$0x8B00] =	vst v63  }
0xd1: {  	_ =	swait.ge [sflag:s5], $0x4000  }
0xd2: {  	[sflag:s5] =	ssyncset.done $0x0  }
0xd3: {  	p1 =	sne.s32 s1, $0x1;
	s0 =	rddreg [dreg:$0x18];
	[sflag:s5] =	ssyncadd.s32 $0xFFFFC000  }
0xd4: {  	[hbm4b:s0+s2] =	stream.linear.scatter [tilespmem:s4], [sflag:$0x2], $0x4000, $0x38;
	[tilespmem:$0x8B00] =	vst v63  }
.Ltmp1:
0xd5: {  	_ =	swait.ge [sflag:s3], $0x4000;
	(pc) =	sbr.rel @!p1 .LBB2_3-.Ltmp1, $4  }
0xd6: {  	[sflag:s3] =	ssyncset.done $0x0  }
0xd7: {  	[sflag:s3] =	ssyncadd.s32 $0xFFFFC000  }
0xd8: {  	s1 =	sadd.s32 $0xFFFFFFFF, s1;
	_ =	swait.ge [sflag:s3], $0x4000  }
0xd9: {  	p0 =	por $0x1, $0x1;
	s0 =	rddreg [dreg:$0x3];
	[sflag:s3] =	ssyncset.done $0x0  }
.LBB2_2:
0xda: {  	[sflag:s3] =	ssyncadd.s32 $0xFFFFC000  }
0xdb: {  	[tilespmem:s2], [sflag:$0x3] =	stream.linear.gather [hbm4b:s0+s2], $0xB00, $0x38;
	[tilespmem:$0x8B00] =	vst v63  }
0xdc: {  	_ =	swait.ge [sflag:s31], $0xB00  }
0xdd: {  	[sflag:s31] =	ssyncset.done $0x0  }
0xde: {  	[sflag:s31] =	ssyncadd.s32 $0xFFFFF500  }
0xdf: {  	[tilespmem:s7], [sflag:$0x1] =	stream.indirect.gather [hbm4b:s6+s8], $0x80, s2, s8, $0xb8;
	[tilespmem:$0x8B00] =	vst v63  }
0xe0: {  	_ = 	snop  }
0xe1: {  	[tilespmem:s4], [sflag:$0x1] =	stream.indirect.gather [hbm4b:s6+s8], $0x80, s8, s8, $0xb8;
	[tilespmem:$0x8B00] =	vst v63  }
0xe2: {  	_ =	swait.ge [sflag:s5], $0x4000  }
0xe3: {  	[sflag:s5] =	ssyncset.done $0x0  }
0xe4: {  	[sflag:s5] =	ssyncadd.s32 $0xFFFFC000  }
0xe5: {  	[hbm4b:s22+s2] =	stream.linear.scatter [tilespmem:s7], [sflag:$0x2], $0x4000, $0x38;
	[tilespmem:$0x8B00] =	vst v63  }
0xe6: {  	_ =	swait.ge [sflag:s3], $0x4000  }
0xe7: {  	[sflag:s3] =	ssyncset.done $0x0  }
0xe8: {  	[sflag:s3] =	ssyncadd.s32 $0xFFFFC000  }
0xe9: {  	[tilespmem:s7], [sflag:$0x1] =	stream.indirect.gather [hbm4b:s6+s8], $0x80, s30, s8, $0xb8;
	[tilespmem:$0x8B00] =	vst v63  }
0xea: {  	_ =	swait.ge [sflag:s5], $0x4000  }
0xeb: {  	[sflag:s5] =	ssyncset.done $0x0  }
0xec: {  	s0 =	rddreg [dreg:$0x4];
	[sflag:s5] =	ssyncadd.s32 $0xFFFFC000  }
0xed: {  	[hbm4b:s0+s2] =	stream.linear.scatter [tilespmem:s4], [sflag:$0x2], $0x4000, $0x38;
	[tilespmem:$0x8B00] =	vst v63  }
0xee: {  	_ =	swait.ge [sflag:s3], $0x4000  }
0xef: {  	[sflag:s3] =	ssyncset.done $0x0  }
0xf0: {  	[sflag:s3] =	ssyncadd.s32 $0xFFFFC000  }
0xf1: {  	[tilespmem:s4], [sflag:$0x1] =	stream.indirect.gather [hbm4b:s6+s8], $0x80, s29, s8, $0xb8;
	[tilespmem:$0x8B00] =	vst v63  }
0xf2: {  	_ =	swait.ge [sflag:s5], $0x4000  }
0xf3: {  	[sflag:s5] =	ssyncset.done $0x0  }
0xf4: {  	s0 =	rddreg [dreg:$0x5];
	[sflag:s5] =	ssyncadd.s32 $0xFFFFC000  }
0xf5: {  	[hbm4b:s0+s2] =	stream.linear.scatter [tilespmem:s7], [sflag:$0x2], $0x4000, $0x38;
	[tilespmem:$0x8B00] =	vst v63  }
0xf6: {  	_ =	swait.ge [sflag:s3], $0x4000  }
0xf7: {  	[sflag:s3] =	ssyncset.done $0x0  }
0xf8: {  	[sflag:s3] =	ssyncadd.s32 $0xFFFFC000  }
0xf9: {  	[tilespmem:s7], [sflag:$0x1] =	stream.indirect.gather [hbm4b:s6+s8], $0x80, s28, s8, $0xb8;
	[tilespmem:$0x8B00] =	vst v63  }
0xfa: {  	_ =	swait.ge [sflag:s5], $0x4000  }
0xfb: {  	[sflag:s5] =	ssyncset.done $0x0  }
0xfc: {  	s0 =	rddreg [dreg:$0x6];
	[sflag:s5] =	ssyncadd.s32 $0xFFFFC000  }
0xfd: {  	[hbm4b:s0+s2] =	stream.linear.scatter [tilespmem:s4], [sflag:$0x2], $0x4000, $0x38;
	[tilespmem:$0x8B00] =	vst v63  }
0xfe: {  	_ =	swait.ge [sflag:s3], $0x4000  }
0xff: {  	[sflag:s3] =	ssyncset.done $0x0  }
0x100: {  	[sflag:s3] =	ssyncadd.s32 $0xFFFFC000  }
0x101: {  	[tilespmem:s4], [sflag:$0x1] =	stream.indirect.gather [hbm4b:s6+s8], $0x80, s26, s8, $0xb8;
	[tilespmem:$0x8B00] =	vst v63  }
0x102: {  	_ =	swait.ge [sflag:s5], $0x4000  }
0x103: {  	[sflag:s5] =	ssyncset.done $0x0  }
0x104: {  	s0 =	rddreg [dreg:$0x7];
	[sflag:s5] =	ssyncadd.s32 $0xFFFFC000  }
0x105: {  	[hbm4b:s0+s2] =	stream.linear.scatter [tilespmem:s7], [sflag:$0x2], $0x4000, $0x38;
	[tilespmem:$0x8B00] =	vst v63  }
0x106: {  	_ =	swait.ge [sflag:s3], $0x4000  }
0x107: {  	[sflag:s3] =	ssyncset.done $0x0  }
0x108: {  	[sflag:s3] =	ssyncadd.s32 $0xFFFFC000  }
0x109: {  	[tilespmem:s7], [sflag:$0x1] =	stream.indirect.gather [hbm4b:s6+s8], $0x80, s25, s8, $0xb8;
	[tilespmem:$0x8B00] =	vst v63  }
0x10a: {  	_ =	swait.ge [sflag:s5], $0x4000  }
0x10b: {  	[sflag:s5] =	ssyncset.done $0x0  }
0x10c: {  	s0 =	rddreg [dreg:$0x8];
	[sflag:s5] =	ssyncadd.s32 $0xFFFFC000  }
0x10d: {  	[hbm4b:s0+s2] =	stream.linear.scatter [tilespmem:s4], [sflag:$0x2], $0x4000, $0x38;
	[tilespmem:$0x8B00] =	vst v63  }
0x10e: {  	_ =	swait.ge [sflag:s3], $0x4000  }
0x10f: {  	[sflag:s3] =	ssyncset.done $0x0  }
0x110: {  	[sflag:s3] =	ssyncadd.s32 $0xFFFFC000  }
0x111: {  	[tilespmem:s4], [sflag:$0x1] =	stream.indirect.gather [hbm4b:s6+s8], $0x80, s24, s8, $0xb8;
	[tilespmem:$0x8B00] =	vst v63  }
0x112: {  	_ =	swait.ge [sflag:s5], $0x4000  }
0x113: {  	[sflag:s5] =	ssyncset.done $0x0  }
0x114: {  	s0 =	rddreg [dreg:$0x9];
	[sflag:s5] =	ssyncadd.s32 $0xFFFFC000  }
0x115: {  	[hbm4b:s0+s2] =	stream.linear.scatter [tilespmem:s7], [sflag:$0x2], $0x4000, $0x38;
	[tilespmem:$0x8B00] =	vst v63  }
0x116: {  	_ =	swait.ge [sflag:s3], $0x4000  }
0x117: {  	[sflag:s3] =	ssyncset.done $0x0  }
0x118: {  	[sflag:s3] =	ssyncadd.s32 $0xFFFFC000  }
0x119: {  	[tilespmem:s7], [sflag:$0x1] =	stream.indirect.gather [hbm4b:s6+s8], $0x80, s23, s8, $0xb8;
	[tilespmem:$0x8B00] =	vst v63  }
0x11a: {  	_ =	swait.ge [sflag:s5], $0x4000  }
0x11b: {  	[sflag:s5] =	ssyncset.done $0x0  }
0x11c: {  	s0 =	rddreg [dreg:$0xa];
	[sflag:s5] =	ssyncadd.s32 $0xFFFFC000  }
0x11d: {  	[hbm4b:s0+s2] =	stream.linear.scatter [tilespmem:s4], [sflag:$0x2], $0x4000, $0x38;
	[tilespmem:$0x8B00] =	vst v63  }
0x11e: {  	_ =	swait.ge [sflag:s3], $0x4000  }
0x11f: {  	[sflag:s3] =	ssyncset.done $0x0  }
0x120: {  	[sflag:s3] =	ssyncadd.s32 $0xFFFFC000  }
0x121: {  	[tilespmem:s4], [sflag:$0x1] =	stream.indirect.gather [hbm4b:s6+s8], $0x80, s21, s8, $0xb8;
	[tilespmem:$0x8B00] =	vst v63  }
0x122: {  	_ =	swait.ge [sflag:s5], $0x4000  }
0x123: {  	[sflag:s5] =	ssyncset.done $0x0  }
0x124: {  	s0 =	rddreg [dreg:$0xb];
	[sflag:s5] =	ssyncadd.s32 $0xFFFFC000  }
0x125: {  	[hbm4b:s0+s2] =	stream.linear.scatter [tilespmem:s7], [sflag:$0x2], $0x4000, $0x38;
	[tilespmem:$0x8B00] =	vst v63  }
0x126: {  	_ =	swait.ge [sflag:s3], $0x4000  }
0x127: {  	[sflag:s3] =	ssyncset.done $0x0  }
0x128: {  	[sflag:s3] =	ssyncadd.s32 $0xFFFFC000  }
0x129: {  	[tilespmem:s7], [sflag:$0x1] =	stream.indirect.gather [hbm4b:s6+s8], $0x80, s20, s8, $0xb8;
	[tilespmem:$0x8B00] =	vst v63  }
0x12a: {  	_ =	swait.ge [sflag:s5], $0x4000  }
0x12b: {  	[sflag:s5] =	ssyncset.done $0x0  }
0x12c: {  	s0 =	rddreg [dreg:$0xc];
	[sflag:s5] =	ssyncadd.s32 $0xFFFFC000  }
0x12d: {  	[hbm4b:s0+s2] =	stream.linear.scatter [tilespmem:s4], [sflag:$0x2], $0x4000, $0x38;
	[tilespmem:$0x8B00] =	vst v63  }
0x12e: {  	_ =	swait.ge [sflag:s3], $0x4000  }
0x12f: {  	[sflag:s3] =	ssyncset.done $0x0  }
0x130: {  	[sflag:s3] =	ssyncadd.s32 $0xFFFFC000  }
0x131: {  	[tilespmem:s4], [sflag:$0x1] =	stream.indirect.gather [hbm4b:s6+s8], $0x80, s19, s8, $0xb8;
	[tilespmem:$0x8B00] =	vst v63  }
0x132: {  	_ =	swait.ge [sflag:s5], $0x4000  }
0x133: {  	[sflag:s5] =	ssyncset.done $0x0  }
0x134: {  	s0 =	rddreg [dreg:$0xd];
	[sflag:s5] =	ssyncadd.s32 $0xFFFFC000  }
0x135: {  	[hbm4b:s0+s2] =	stream.linear.scatter [tilespmem:s7], [sflag:$0x2], $0x4000, $0x38;
	[tilespmem:$0x8B00] =	vst v63  }
0x136: {  	_ =	swait.ge [sflag:s3], $0x4000  }
0x137: {  	[sflag:s3] =	ssyncset.done $0x0  }
0x138: {  	[sflag:s3] =	ssyncadd.s32 $0xFFFFC000  }
0x139: {  	[tilespmem:s7], [sflag:$0x1] =	stream.indirect.gather [hbm4b:s6+s8], $0x80, s18, s8, $0xb8;
	[tilespmem:$0x8B00] =	vst v63  }
0x13a: {  	_ =	swait.ge [sflag:s5], $0x4000  }
0x13b: {  	[sflag:s5] =	ssyncset.done $0x0  }
0x13c: {  	s0 =	rddreg [dreg:$0xe];
	[sflag:s5] =	ssyncadd.s32 $0xFFFFC000  }
0x13d: {  	[hbm4b:s0+s2] =	stream.linear.scatter [tilespmem:s4], [sflag:$0x2], $0x4000, $0x38;
	[tilespmem:$0x8B00] =	vst v63  }
0x13e: {  	_ =	swait.ge [sflag:s3], $0x4000  }
0x13f: {  	[sflag:s3] =	ssyncset.done $0x0  }
0x140: {  	[sflag:s3] =	ssyncadd.s32 $0xFFFFC000  }
0x141: {  	[tilespmem:s4], [sflag:$0x1] =	stream.indirect.gather [hbm4b:s6+s8], $0x80, s17, s8, $0xb8;
	[tilespmem:$0x8B00] =	vst v63  }
0x142: {  	_ =	swait.ge [sflag:s5], $0x4000  }
0x143: {  	[sflag:s5] =	ssyncset.done $0x0  }
0x144: {  	s0 =	rddreg [dreg:$0xf];
	[sflag:s5] =	ssyncadd.s32 $0xFFFFC000  }
0x145: {  	[hbm4b:s0+s2] =	stream.linear.scatter [tilespmem:s7], [sflag:$0x2], $0x4000, $0x38;
	[tilespmem:$0x8B00] =	vst v63  }
0x146: {  	_ =	swait.ge [sflag:s3], $0x4000  }
0x147: {  	[sflag:s3] =	ssyncset.done $0x0  }
0x148: {  	[sflag:s3] =	ssyncadd.s32 $0xFFFFC000  }
0x149: {  	[tilespmem:s7], [sflag:$0x1] =	stream.indirect.gather [hbm4b:s6+s8], $0x80, s16, s8, $0xb8;
	[tilespmem:$0x8B00] =	vst v63  }
0x14a: {  	_ =	swait.ge [sflag:s5], $0x4000  }
0x14b: {  	[sflag:s5] =	ssyncset.done $0x0  }
0x14c: {  	s0 =	rddreg [dreg:$0x10];
	[sflag:s5] =	ssyncadd.s32 $0xFFFFC000  }
0x14d: {  	[hbm4b:s0+s2] =	stream.linear.scatter [tilespmem:s4], [sflag:$0x2], $0x4000, $0x38;
	[tilespmem:$0x8B00] =	vst v63  }
0x14e: {  	_ =	swait.ge [sflag:s3], $0x4000  }
0x14f: {  	[sflag:s3] =	ssyncset.done $0x0  }
0x150: {  	[sflag:s3] =	ssyncadd.s32 $0xFFFFC000  }
0x151: {  	[tilespmem:s4], [sflag:$0x1] =	stream.indirect.gather [hbm4b:s6+s8], $0x80, s15, s8, $0xb8;
	[tilespmem:$0x8B00] =	vst v63  }
0x152: {  	_ =	swait.ge [sflag:s5], $0x4000  }
0x153: {  	[sflag:s5] =	ssyncset.done $0x0  }
0x154: {  	s0 =	rddreg [dreg:$0x11];
	[sflag:s5] =	ssyncadd.s32 $0xFFFFC000  }
0x155: {  	[hbm4b:s0+s2] =	stream.linear.scatter [tilespmem:s7], [sflag:$0x2], $0x4000, $0x38;
	[tilespmem:$0x8B00] =	vst v63  }
0x156: {  	_ =	swait.ge [sflag:s3], $0x4000  }
0x157: {  	[sflag:s3] =	ssyncset.done $0x0  }
0x158: {  	[sflag:s3] =	ssyncadd.s32 $0xFFFFC000  }
0x159: {  	[tilespmem:s7], [sflag:$0x1] =	stream.indirect.gather [hbm4b:s6+s8], $0x80, s14, s8, $0xb8;
	[tilespmem:$0x8B00] =	vst v63  }
0x15a: {  	_ =	swait.ge [sflag:s5], $0x4000  }
0x15b: {  	[sflag:s5] =	ssyncset.done $0x0  }
0x15c: {  	s0 =	rddreg [dreg:$0x12];
	[sflag:s5] =	ssyncadd.s32 $0xFFFFC000  }
0x15d: {  	[hbm4b:s0+s2] =	stream.linear.scatter [tilespmem:s4], [sflag:$0x2], $0x4000, $0x38;
	[tilespmem:$0x8B00] =	vst v63  }
0x15e: {  	_ =	swait.ge [sflag:s3], $0x4000  }
0x15f: {  	[sflag:s3] =	ssyncset.done $0x0  }
0x160: {  	[sflag:s3] =	ssyncadd.s32 $0xFFFFC000  }
0x161: {  	[tilespmem:s4], [sflag:$0x1] =	stream.indirect.gather [hbm4b:s6+s8], $0x80, s13, s8, $0xb8;
	[tilespmem:$0x8B00] =	vst v63  }
0x162: {  	_ =	swait.ge [sflag:s5], $0x4000  }
0x163: {  	[sflag:s5] =	ssyncset.done $0x0  }
0x164: {  	s0 =	rddreg [dreg:$0x13];
	[sflag:s5] =	ssyncadd.s32 $0xFFFFC000  }
0x165: {  	[hbm4b:s0+s2] =	stream.linear.scatter [tilespmem:s7], [sflag:$0x2], $0x4000, $0x38;
	[tilespmem:$0x8B00] =	vst v63  }
0x166: {  	_ =	swait.ge [sflag:s3], $0x4000  }
0x167: {  	[sflag:s3] =	ssyncset.done $0x0  }
0x168: {  	[sflag:s3] =	ssyncadd.s32 $0xFFFFC000  }
0x169: {  	[tilespmem:s7], [sflag:$0x1] =	stream.indirect.gather [hbm4b:s6+s8], $0x80, s12, s8, $0xb8;
	[tilespmem:$0x8B00] =	vst v63  }
0x16a: {  	_ =	swait.ge [sflag:s5], $0x4000  }
0x16b: {  	[sflag:s5] =	ssyncset.done $0x0  }
0x16c: {  	s0 =	rddreg [dreg:$0x14];
	[sflag:s5] =	ssyncadd.s32 $0xFFFFC000  }
0x16d: {  	[hbm4b:s0+s2] =	stream.linear.scatter [tilespmem:s4], [sflag:$0x2], $0x4000, $0x38;
	[tilespmem:$0x8B00] =	vst v63  }
0x16e: {  	_ =	swait.ge [sflag:s3], $0x4000  }
0x16f: {  	[sflag:s3] =	ssyncset.done $0x0  }
0x170: {  	[sflag:s3] =	ssyncadd.s32 $0xFFFFC000  }
0x171: {  	[tilespmem:s4], [sflag:$0x1] =	stream.indirect.gather [hbm4b:s6+s8], $0x80, s11, s8, $0xb8;
	[tilespmem:$0x8B00] =	vst v63  }
0x172: {  	_ =	swait.ge [sflag:s5], $0x4000  }
0x173: {  	[sflag:s5] =	ssyncset.done $0x0  }
0x174: {  	s0 =	rddreg [dreg:$0x15];
	[sflag:s5] =	ssyncadd.s32 $0xFFFFC000  }
0x175: {  	[hbm4b:s0+s2] =	stream.linear.scatter [tilespmem:s7], [sflag:$0x2], $0x4000, $0x38;
	[tilespmem:$0x8B00] =	vst v63  }
0x176: {  	_ =	swait.ge [sflag:s3], $0x4000  }
0x177: {  	[sflag:s3] =	ssyncset.done $0x0  }
0x178: {  	[sflag:s3] =	ssyncadd.s32 $0xFFFFC000  }
0x179: {  	[tilespmem:s7], [sflag:$0x1] =	stream.indirect.gather [hbm4b:s6+s8], $0x80, s10, s8, $0xb8;
	[tilespmem:$0x8B00] =	vst v63  }
0x17a: {  	_ =	swait.ge [sflag:s5], $0x4000  }
0x17b: {  	[sflag:s5] =	ssyncset.done $0x0  }
0x17c: {  	s0 =	rddreg [dreg:$0x16];
	[sflag:s5] =	ssyncadd.s32 $0xFFFFC000  }
0x17d: {  	[hbm4b:s0+s2] =	stream.linear.scatter [tilespmem:s4], [sflag:$0x2], $0x4000, $0x38;
	[tilespmem:$0x8B00] =	vst v63  }
0x17e: {  	_ =	swait.ge [sflag:s3], $0x4000  }
0x17f: {  	[sflag:s3] =	ssyncset.done $0x0  }
0x180: {  	[sflag:s3] =	ssyncadd.s32 $0xFFFFC000  }
0x181: {  	[tilespmem:s4], [sflag:$0x1] =	stream.indirect.gather [hbm4b:s6+s8], $0x80, s9, s8, $0xb8;
	[tilespmem:$0x8B00] =	vst v63  }
0x182: {  	_ =	swait.ge [sflag:s5], $0x4000  }
0x183: {  	[sflag:s5] =	ssyncset.done $0x0  }
0x184: {  	s0 =	rddreg [dreg:$0x17];
	[sflag:s5] =	ssyncadd.s32 $0xFFFFC000  }
0x185: {  	[hbm4b:s0+s2] =	stream.linear.scatter [tilespmem:s7], [sflag:$0x2], $0x4000, $0x38;
	[tilespmem:$0x8B00] =	vst v63  }
0x186: {  	_ =	swait.ge [sflag:s5], $0x4000  }
0x187: {  	[sflag:s5] =	ssyncset.done $0x0  }
0x188: {  	p1 =	sne.s32 s1, $0x1;
	s0 =	rddreg [dreg:$0x18];
	[sflag:s5] =	ssyncadd.s32 $0xFFFFC000  }
0x189: {  	[hbm4b:s0+s2] =	stream.linear.scatter [tilespmem:s4], [sflag:$0x2], $0x4000, $0x38;
	[tilespmem:$0x8B00] =	vst v63  }
.Ltmp2:
0x18a: {  	_ =	swait.ge [sflag:s3], $0x4000;
	(pc) =	sbr.rel @p1 .LBB2_2-.Ltmp2, $4  }
0x18b: {  	[sflag:s3] =	ssyncset.done $0x0  }
0x18c: {  	[sflag:s3] =	ssyncadd.s32 $0xFFFFC000  }
0x18d: {  	_ =	swait.ge [sflag:s3], $0x4000  }
0x18e: {  	s1 =	sadd.s32 $0xFFFFFFFF, s1;
	s0 =	rddreg [dreg:$0x3];
	[sflag:s3] =	ssyncset.done $0x0  }
.LBB2_3:
0x18f: {  	[sflag:s3] =	ssyncadd.s32 @p0 $0xFFFFC000  }
0x190: {  	[tilespmem:s2], [sflag:$0x3] =	stream.linear.gather [hbm4b:s0+s2], $0xB00, $0x38;
	[tilespmem:$0x8B00] =	vst v63  }
0x191: {  	_ =	swait.ge [sflag:s31], $0xB00  }
0x192: {  	[sflag:s31] =	ssyncset.done $0x0  }
0x193: {  	[sflag:s31] =	ssyncadd.s32 $0xFFFFF500  }
0x194: {  	[tilespmem:s7], [sflag:$0x1] =	stream.indirect.gather [hbm4b:s6+s8], $0x80, s2, s8, $0xb8;
	[tilespmem:$0x8B00] =	vst v63  }
0x195: {  	_ = 	snop  }
0x196: {  	[tilespmem:s4], [sflag:$0x1] =	stream.indirect.gather [hbm4b:s6+s8], $0x80, s8, s8, $0xb8;
	[tilespmem:$0x8B00] =	vst v63  }
0x197: {  	_ =	swait.ge [sflag:s5], $0x4000  }
0x198: {  	[sflag:s5] =	ssyncset.done $0x0  }
0x199: {  	[sflag:s5] =	ssyncadd.s32 $0xFFFFC000  }
0x19a: {  	[hbm4b:s22+s2] =	stream.linear.scatter [tilespmem:s7], [sflag:$0x2], $0x4000, $0x38;
	[tilespmem:$0x8B00] =	vst v63  }
0x19b: {  	_ =	swait.ge [sflag:s3], $0x4000  }
0x19c: {  	[sflag:s3] =	ssyncset.done $0x0  }
0x19d: {  	[sflag:s3] =	ssyncadd.s32 $0xFFFFC000  }
0x19e: {  	[tilespmem:s7], [sflag:$0x1] =	stream.indirect.gather [hbm4b:s6+s8], $0x80, s30, s8, $0xb8;
	[tilespmem:$0x8B00] =	vst v63  }
0x19f: {  	_ =	swait.ge [sflag:s5], $0x4000  }
0x1a0: {  	[sflag:s5] =	ssyncset.done $0x0  }
0x1a1: {  	s30 =	rddreg [dreg:$0x4];
	[sflag:s5] =	ssyncadd.s32 $0xFFFFC000  }
0x1a2: {  	[hbm4b:s30+s2] =	stream.linear.scatter [tilespmem:s4], [sflag:$0x2], $0x4000, $0x38;
	[tilespmem:$0x8B00] =	vst v63  }
0x1a3: {  	_ =	swait.ge [sflag:s3], $0x4000  }
0x1a4: {  	[sflag:s3] =	ssyncset.done $0x0  }
0x1a5: {  	[sflag:s3] =	ssyncadd.s32 $0xFFFFC000  }
0x1a6: {  	[tilespmem:s4], [sflag:$0x1] =	stream.indirect.gather [hbm4b:s6+s8], $0x80, s29, s8, $0xb8;
	[tilespmem:$0x8B00] =	vst v63  }
0x1a7: {  	_ =	swait.ge [sflag:s5], $0x4000  }
0x1a8: {  	[sflag:s5] =	ssyncset.done $0x0  }
0x1a9: {  	s31 =	rddreg [dreg:$0x5];
	[sflag:s5] =	ssyncadd.s32 $0xFFFFC000  }
0x1aa: {  	[hbm4b:s31+s2] =	stream.linear.scatter [tilespmem:s7], [sflag:$0x2], $0x4000, $0x38;
	[tilespmem:$0x8B00] =	vst v63  }
0x1ab: {  	_ =	swait.ge [sflag:s3], $0x4000  }
0x1ac: {  	[sflag:s3] =	ssyncset.done $0x0  }
0x1ad: {  	[sflag:s3] =	ssyncadd.s32 $0xFFFFC000  }
0x1ae: {  	[tilespmem:s7], [sflag:$0x1] =	stream.indirect.gather [hbm4b:s6+s8], $0x80, s28, s8, $0xb8;
	[tilespmem:$0x8B00] =	vst v63  }
0x1af: {  	_ =	swait.ge [sflag:s5], $0x4000  }
0x1b0: {  	[sflag:s5] =	ssyncset.done $0x0  }
0x1b1: {  	s1 =	rddreg [dreg:$0x6];
	[sflag:s5] =	ssyncadd.s32 $0xFFFFC000  }
0x1b2: {  	[hbm4b:s1+s2] =	stream.linear.scatter [tilespmem:s4], [sflag:$0x2], $0x4000, $0x38;
	[tilespmem:$0x8B00] =	vst v63  }
0x1b3: {  	_ =	swait.ge [sflag:s3], $0x4000  }
0x1b4: {  	[sflag:s3] =	ssyncset.done $0x0  }
0x1b5: {  	[sflag:s3] =	ssyncadd.s32 $0xFFFFC000  }
0x1b6: {  	[tilespmem:s4], [sflag:$0x1] =	stream.indirect.gather [hbm4b:s6+s8], $0x80, s26, s8, $0xb8;
	[tilespmem:$0x8B00] =	vst v63  }
0x1b7: {  	_ =	swait.ge [sflag:s5], $0x4000  }
0x1b8: {  	[sflag:s5] =	ssyncset.done $0x0  }
0x1b9: {  	s22 =	rddreg [dreg:$0x7];
	[sflag:s5] =	ssyncadd.s32 $0xFFFFC000  }
0x1ba: {  	[hbm4b:s22+s2] =	stream.linear.scatter [tilespmem:s7], [sflag:$0x2], $0x4000, $0x38;
	[tilespmem:$0x8B00] =	vst v63  }
0x1bb: {  	_ =	swait.ge [sflag:s3], $0x4000  }
0x1bc: {  	[sflag:s3] =	ssyncset.done $0x0  }
0x1bd: {  	[sflag:s3] =	ssyncadd.s32 $0xFFFFC000  }
0x1be: {  	[tilespmem:s7], [sflag:$0x1] =	stream.indirect.gather [hbm4b:s6+s8], $0x80, s25, s8, $0xb8;
	[tilespmem:$0x8B00] =	vst v63  }
0x1bf: {  	_ =	swait.ge [sflag:s5], $0x4000  }
0x1c0: {  	[sflag:s5] =	ssyncset.done $0x0  }
0x1c1: {  	s26 =	rddreg [dreg:$0x8];
	[sflag:s5] =	ssyncadd.s32 $0xFFFFC000  }
0x1c2: {  	[hbm4b:s26+s2] =	stream.linear.scatter [tilespmem:s4], [sflag:$0x2], $0x4000, $0x38;
	[tilespmem:$0x8B00] =	vst v63  }
0x1c3: {  	_ =	swait.ge [sflag:s3], $0x4000  }
0x1c4: {  	[sflag:s3] =	ssyncset.done $0x0  }
0x1c5: {  	[sflag:s3] =	ssyncadd.s32 $0xFFFFC000  }
0x1c6: {  	[tilespmem:s4], [sflag:$0x1] =	stream.indirect.gather [hbm4b:s6+s8], $0x80, s24, s8, $0xb8;
	[tilespmem:$0x8B00] =	vst v63  }
0x1c7: {  	_ =	swait.ge [sflag:s5], $0x4000  }
0x1c8: {  	[sflag:s5] =	ssyncset.done $0x0  }
0x1c9: {  	s28 =	rddreg [dreg:$0x9];
	[sflag:s5] =	ssyncadd.s32 $0xFFFFC000  }
0x1ca: {  	[hbm4b:s28+s2] =	stream.linear.scatter [tilespmem:s7], [sflag:$0x2], $0x4000, $0x38;
	[tilespmem:$0x8B00] =	vst v63  }
0x1cb: {  	_ =	swait.ge [sflag:s3], $0x4000  }
0x1cc: {  	[sflag:s3] =	ssyncset.done $0x0  }
0x1cd: {  	[sflag:s3] =	ssyncadd.s32 $0xFFFFC000  }
0x1ce: {  	[tilespmem:s7], [sflag:$0x1] =	stream.indirect.gather [hbm4b:s6+s8], $0x80, s23, s8, $0xb8;
	[tilespmem:$0x8B00] =	vst v63  }
0x1cf: {  	_ =	swait.ge [sflag:s5], $0x4000  }
0x1d0: {  	[sflag:s5] =	ssyncset.done $0x0  }
0x1d1: {  	s29 =	rddreg [dreg:$0xa];
	[sflag:s5] =	ssyncadd.s32 $0xFFFFC000  }
0x1d2: {  	[hbm4b:s29+s2] =	stream.linear.scatter [tilespmem:s4], [sflag:$0x2], $0x4000, $0x38;
	[tilespmem:$0x8B00] =	vst v63  }
0x1d3: {  	_ =	swait.ge [sflag:s3], $0x4000  }
0x1d4: {  	[sflag:s3] =	ssyncset.done $0x0  }
0x1d5: {  	[sflag:s3] =	ssyncadd.s32 $0xFFFFC000  }
0x1d6: {  	[tilespmem:s4], [sflag:$0x1] =	stream.indirect.gather [hbm4b:s6+s8], $0x80, s21, s8, $0xb8;
	[tilespmem:$0x8B00] =	vst v63  }
0x1d7: {  	_ =	swait.ge [sflag:s5], $0x4000  }
0x1d8: {  	[sflag:s5] =	ssyncset.done $0x0  }
0x1d9: {  	s30 =	rddreg [dreg:$0xb];
	[sflag:s5] =	ssyncadd.s32 $0xFFFFC000  }
0x1da: {  	[hbm4b:s30+s2] =	stream.linear.scatter [tilespmem:s7], [sflag:$0x2], $0x4000, $0x38;
	[tilespmem:$0x8B00] =	vst v63  }
0x1db: {  	_ =	swait.ge [sflag:s3], $0x4000  }
0x1dc: {  	[sflag:s3] =	ssyncset.done $0x0  }
0x1dd: {  	[sflag:s3] =	ssyncadd.s32 $0xFFFFC000  }
0x1de: {  	[tilespmem:s7], [sflag:$0x1] =	stream.indirect.gather [hbm4b:s6+s8], $0x80, s20, s8, $0xb8;
	[tilespmem:$0x8B00] =	vst v63  }
0x1df: {  	_ =	swait.ge [sflag:s5], $0x4000  }
0x1e0: {  	[sflag:s5] =	ssyncset.done $0x0  }
0x1e1: {  	s31 =	rddreg [dreg:$0xc];
	[sflag:s5] =	ssyncadd.s32 $0xFFFFC000  }
0x1e2: {  	[hbm4b:s31+s2] =	stream.linear.scatter [tilespmem:s4], [sflag:$0x2], $0x4000, $0x38;
	[tilespmem:$0x8B00] =	vst v63  }
0x1e3: {  	_ =	swait.ge [sflag:s3], $0x4000  }
0x1e4: {  	[sflag:s3] =	ssyncset.done $0x0  }
0x1e5: {  	[sflag:s3] =	ssyncadd.s32 $0xFFFFC000  }
0x1e6: {  	[tilespmem:s4], [sflag:$0x1] =	stream.indirect.gather [hbm4b:s6+s8], $0x80, s19, s8, $0xb8;
	[tilespmem:$0x8B00] =	vst v63  }
0x1e7: {  	_ =	swait.ge [sflag:s5], $0x4000  }
0x1e8: {  	[sflag:s5] =	ssyncset.done $0x0  }
0x1e9: {  	s1 =	rddreg [dreg:$0xd];
	[sflag:s5] =	ssyncadd.s32 $0xFFFFC000  }
0x1ea: {  	[hbm4b:s1+s2] =	stream.linear.scatter [tilespmem:s7], [sflag:$0x2], $0x4000, $0x38;
	[tilespmem:$0x8B00] =	vst v63  }
0x1eb: {  	_ =	swait.ge [sflag:s3], $0x4000  }
0x1ec: {  	[sflag:s3] =	ssyncset.done $0x0  }
0x1ed: {  	[sflag:s3] =	ssyncadd.s32 $0xFFFFC000  }
0x1ee: {  	[tilespmem:s7], [sflag:$0x1] =	stream.indirect.gather [hbm4b:s6+s8], $0x80, s18, s8, $0xb8;
	[tilespmem:$0x8B00] =	vst v63  }
0x1ef: {  	_ =	swait.ge [sflag:s5], $0x4000  }
0x1f0: {  	[sflag:s5] =	ssyncset.done $0x0  }
0x1f1: {  	s19 =	rddreg [dreg:$0xe];
	[sflag:s5] =	ssyncadd.s32 $0xFFFFC000  }
0x1f2: {  	[hbm4b:s19+s2] =	stream.linear.scatter [tilespmem:s4], [sflag:$0x2], $0x4000, $0x38;
	[tilespmem:$0x8B00] =	vst v63  }
0x1f3: {  	_ =	swait.ge [sflag:s3], $0x4000  }
0x1f4: {  	[sflag:s3] =	ssyncset.done $0x0  }
0x1f5: {  	[sflag:s3] =	ssyncadd.s32 $0xFFFFC000  }
0x1f6: {  	[tilespmem:s4], [sflag:$0x1] =	stream.indirect.gather [hbm4b:s6+s8], $0x80, s17, s8, $0xb8;
	[tilespmem:$0x8B00] =	vst v63  }
0x1f7: {  	_ =	swait.ge [sflag:s5], $0x4000  }
0x1f8: {  	[sflag:s5] =	ssyncset.done $0x0  }
0x1f9: {  	s20 =	rddreg [dreg:$0xf];
	[sflag:s5] =	ssyncadd.s32 $0xFFFFC000  }
0x1fa: {  	[hbm4b:s20+s2] =	stream.linear.scatter [tilespmem:s7], [sflag:$0x2], $0x4000, $0x38;
	[tilespmem:$0x8B00] =	vst v63  }
0x1fb: {  	_ =	swait.ge [sflag:s3], $0x4000  }
0x1fc: {  	[sflag:s3] =	ssyncset.done $0x0  }
0x1fd: {  	[sflag:s3] =	ssyncadd.s32 $0xFFFFC000  }
0x1fe: {  	[tilespmem:s7], [sflag:$0x1] =	stream.indirect.gather [hbm4b:s6+s8], $0x80, s16, s8, $0xb8;
	[tilespmem:$0x8B00] =	vst v63  }
0x1ff: {  	_ =	swait.ge [sflag:s5], $0x4000  }
0x200: {  	[sflag:s5] =	ssyncset.done $0x0  }
0x201: {  	s21 =	rddreg [dreg:$0x10];
	[sflag:s5] =	ssyncadd.s32 $0xFFFFC000  }
0x202: {  	[hbm4b:s21+s2] =	stream.linear.scatter [tilespmem:s4], [sflag:$0x2], $0x4000, $0x38;
	[tilespmem:$0x8B00] =	vst v63  }
0x203: {  	_ =	swait.ge [sflag:s3], $0x4000  }
0x204: {  	[sflag:s3] =	ssyncset.done $0x0  }
0x205: {  	[sflag:s3] =	ssyncadd.s32 $0xFFFFC000  }
0x206: {  	[tilespmem:s4], [sflag:$0x1] =	stream.indirect.gather [hbm4b:s6+s8], $0x80, s15, s8, $0xb8;
	[tilespmem:$0x8B00] =	vst v63  }
0x207: {  	_ =	swait.ge [sflag:s5], $0x4000  }
0x208: {  	[sflag:s5] =	ssyncset.done $0x0  }
0x209: {  	s22 =	rddreg [dreg:$0x11];
	[sflag:s5] =	ssyncadd.s32 $0xFFFFC000  }
0x20a: {  	[hbm4b:s22+s2] =	stream.linear.scatter [tilespmem:s7], [sflag:$0x2], $0x4000, $0x38;
	[tilespmem:$0x8B00] =	vst v63  }
0x20b: {  	_ =	swait.ge [sflag:s3], $0x4000  }
0x20c: {  	[sflag:s3] =	ssyncset.done $0x0  }
0x20d: {  	[sflag:s3] =	ssyncadd.s32 $0xFFFFC000  }
0x20e: {  	[tilespmem:s7], [sflag:$0x1] =	stream.indirect.gather [hbm4b:s6+s8], $0x80, s14, s8, $0xb8;
	[tilespmem:$0x8B00] =	vst v63  }
0x20f: {  	_ =	swait.ge [sflag:s5], $0x4000  }
0x210: {  	[sflag:s5] =	ssyncset.done $0x0  }
0x211: {  	s23 =	rddreg [dreg:$0x12];
	[sflag:s5] =	ssyncadd.s32 $0xFFFFC000  }
0x212: {  	[hbm4b:s23+s2] =	stream.linear.scatter [tilespmem:s4], [sflag:$0x2], $0x4000, $0x38;
	[tilespmem:$0x8B00] =	vst v63  }
0x213: {  	_ =	swait.ge [sflag:s3], $0x4000  }
0x214: {  	[sflag:s3] =	ssyncset.done $0x0  }
0x215: {  	[sflag:s3] =	ssyncadd.s32 $0xFFFFC000  }
0x216: {  	[tilespmem:s4], [sflag:$0x1] =	stream.indirect.gather [hbm4b:s6+s8], $0x80, s13, s8, $0xb8;
	[tilespmem:$0x8B00] =	vst v63  }
0x217: {  	_ =	swait.ge [sflag:s5], $0x4000  }
0x218: {  	[sflag:s5] =	ssyncset.done $0x0  }
0x219: {  	s24 =	rddreg [dreg:$0x13];
	[sflag:s5] =	ssyncadd.s32 $0xFFFFC000  }
0x21a: {  	[hbm4b:s24+s2] =	stream.linear.scatter [tilespmem:s7], [sflag:$0x2], $0x4000, $0x38;
	[tilespmem:$0x8B00] =	vst v63  }
0x21b: {  	_ =	swait.ge [sflag:s3], $0x4000  }
0x21c: {  	[sflag:s3] =	ssyncset.done $0x0  }
0x21d: {  	[sflag:s3] =	ssyncadd.s32 $0xFFFFC000  }
0x21e: {  	[tilespmem:s7], [sflag:$0x1] =	stream.indirect.gather [hbm4b:s6+s8], $0x80, s12, s8, $0xb8;
	[tilespmem:$0x8B00] =	vst v63  }
0x21f: {  	_ =	swait.ge [sflag:s5], $0x4000  }
0x220: {  	[sflag:s5] =	ssyncset.done $0x0  }
0x221: {  	s25 =	rddreg [dreg:$0x14];
	[sflag:s5] =	ssyncadd.s32 $0xFFFFC000  }
0x222: {  	[hbm4b:s25+s2] =	stream.linear.scatter [tilespmem:s4], [sflag:$0x2], $0x4000, $0x38;
	[tilespmem:$0x8B00] =	vst v63  }
0x223: {  	_ =	swait.ge [sflag:s3], $0x4000  }
0x224: {  	[sflag:s3] =	ssyncset.done $0x0  }
0x225: {  	[sflag:s3] =	ssyncadd.s32 $0xFFFFC000  }
0x226: {  	[tilespmem:s4], [sflag:$0x1] =	stream.indirect.gather [hbm4b:s6+s8], $0x80, s11, s8, $0xb8;
	[tilespmem:$0x8B00] =	vst v63  }
0x227: {  	_ =	swait.ge [sflag:s5], $0x4000  }
0x228: {  	[sflag:s5] =	ssyncset.done $0x0  }
0x229: {  	s26 =	rddreg [dreg:$0x15];
	[sflag:s5] =	ssyncadd.s32 $0xFFFFC000  }
0x22a: {  	[hbm4b:s26+s2] =	stream.linear.scatter [tilespmem:s7], [sflag:$0x2], $0x4000, $0x38;
	[tilespmem:$0x8B00] =	vst v63  }
0x22b: {  	_ =	swait.ge [sflag:s3], $0x4000  }
0x22c: {  	[sflag:s3] =	ssyncset.done $0x0  }
0x22d: {  	[sflag:s3] =	ssyncadd.s32 $0xFFFFC000  }
0x22e: {  	[tilespmem:s7], [sflag:$0x1] =	stream.indirect.gather [hbm4b:s6+s8], $0x80, s10, s8, $0xb8;
	[tilespmem:$0x8B00] =	vst v63  }
0x22f: {  	_ =	swait.ge [sflag:s5], $0x4000  }
0x230: {  	[sflag:s5] =	ssyncset.done $0x0  }
0x231: {  	s28 =	rddreg [dreg:$0x16];
	[sflag:s5] =	ssyncadd.s32 $0xFFFFC000  }
0x232: {  	[hbm4b:s28+s2] =	stream.linear.scatter [tilespmem:s4], [sflag:$0x2], $0x4000, $0x38;
	[tilespmem:$0x8B00] =	vst v63  }
0x233: {  	_ =	swait.ge [sflag:s3], $0x4000  }
0x234: {  	[sflag:s3] =	ssyncset.done $0x0  }
0x235: {  	[sflag:s3] =	ssyncadd.s32 $0xFFFFC000  }
0x236: {  	[tilespmem:s4], [sflag:$0x1] =	stream.indirect.gather [hbm4b:s6+s8], $0x80, s9, s8, $0xb8;
	[tilespmem:$0x8B00] =	vst v63  }
0x237: {  	_ =	swait.ge [sflag:s5], $0x4000  }
0x238: {  	[sflag:s5] =	ssyncset.done $0x0  }
0x239: {  	s29 =	rddreg [dreg:$0x17];
	[sflag:s5] =	ssyncadd.s32 $0xFFFFC000  }
0x23a: {  	[hbm4b:s29+s2] =	stream.linear.scatter [tilespmem:s7], [sflag:$0x2], $0x4000, $0x38;
	[tilespmem:$0x8B00] =	vst v63  }
0x23b: {  	_ =	swait.ge [sflag:s5], $0x4000  }
0x23c: {  	[sflag:s5] =	ssyncset.done $0x0  }
0x23d: {  	s30 =	rddreg [dreg:$0x18];
	[sflag:s5] =	ssyncadd.s32 $0xFFFFC000  }
0x23e: {  	[hbm4b:s30+s2] =	stream.linear.scatter [tilespmem:s4], [sflag:$0x2], $0x4000, $0x38;
	[tilespmem:$0x8B00] =	vst v63  }
0x23f: {  	_ =	swait.ge [sflag:s3], $0x4000  }
0x240: {  	[sflag:s3] =	ssyncset.done $0x0  }
0x241: {  	[sflag:s3] =	ssyncadd.s32 $0xFFFFC000  }
0x242: {  	_ =	swait.ge [sflag:s3], $0x4000  }
0x243: {  	[sflag:s3] =	ssyncset.done $0x0  }
0x244: {  	[sflag:s3] =	ssyncadd.s32 $0xFFFFC000  }
0x245: {  	_ =	sfence.sel $0x180000  }
0x246: {  	[bflag:$0x0] =	sbarrier.arrive $0xFFFF  }
0x247: {  	_ =	strace $0x90000047  }
0x248: {  	s31 =	stileid.u32;
	[bflag:$0x2] =	sbarrier.arrive $0xFFFF  }
0x249: {  	p0 =	sne.s32 s31, $0x0;
	s0 =	rddreg [dreg:$0x2]  }
0x24a: {  	s0 =	sadd.s32 @!p0 $0x100000, s0  }
0x24b: {  	[sflag:s0] =	ssyncadd.tile.s32 @!p0 $0x1;
	_ =	shalt  }
.Lfunc_end2:
_tile_overlayer_lowered:
.L_overlay_start_2:
0x24c: {  	(tag) =	ssettag $0x2  }
0x24d: {  	s0 =	rddreg [dreg:$0x0];
	s2 =	stileid.u32  }
0x24e: {  	s1 =	rddreg [dreg:$0x1];
	p0 =	sne.s32 s2, $0x0  }
0x24f: {  	s3 =	rddreg [dreg:$0x2];
	[bflag:$0x3] =	sbarrier.arrive $0xFFFF;
	s2 =	simm.s32 @!p0 $0x1C03  }
0x250: {  	[timem:s3], [sflag:s2] =	dma.local @!p0 [hbm:s0], s1  }
0x251: {  	s0 =	simm.s32 @!p0 $0x3  }
0x252: {  	_ =	swait.ge @!p0 [sflag:s0], s1  }
0x253: {  	s1 =	ssub.s32 @!p0 $0x0, s1;
	[sflag:s0] =	ssyncset.done @!p0 $0x0  }
0x254: {  	[sflag:s0] =	ssyncadd.s32 @!p0 s1  }
0x255: {  	[bflag:$0x3] =	sbarrier.arrive $0xFFFF  }
0x256: {  	_ =	shalt  }

// kernel: sparse-core-data-format-call.cloned.1.call-start
scs
called_computation_lowered:
.L_overlay_start_0:
0x0: {  	s2 =	sld [smem:$0x3FD9]  }
0x1: {  	s3 =	sld [smem:$0x3FFE];
	_ =	sdelay $0x1  }
0x2: {  	s1 =	srdreg.scid  }
0x3: {  	s0 =	sand.u32 $0x1, s1  }
0x4: {  	s18 =	sshll.u32 s0, $0xA;
	s2 =	sadd.s32 s3, s2  }
0x5: {  	s2 =	sadd.s32 s2, s18  }
0x6: {  	[smem:$0x3FC2] =	sst s2  }
0x7: {  	_ = 	snop  }
0x8: {  	s2 =	sld [smem:$0x3FD0];
	(tm) =	ssettm $0x1  }
0x9: {  	s19 =	sld [smem:$0x3FFB];
	_ =	sdelay $0x3  }
0xa: {  	_ =	strace s19  }
0xb: {  	s3 =	sld [smem:$0x3FFC];
	_ =	sdelay $0x3  }
0xc: {  	_ =	strace s3  }
0xd: {  	s3 =	sld [smem:$0x3FFD];
	_ =	sdelay $0x3  }
0xe: {  	_ =	strace s3  }
0xf: {  	_ =	strace $0x8FFFFFFF  }
0x10: {  	s20 =	sld [smem:$0x3FDB];
	_ =	sdelay $0x1  }
0x11: {  	s4 =	simm.s32 $_scs_section_size  }
0x12: {  	s5 =	simm.s32 $_size__tile_overlayer_lowered;
	s6 =	simm.s32 $_tile_overlayer_lowered  }
0x13: {  	s23 =	simm.s32 $0x1BFF;
	s22 =	sshll.u32 s6, $0x1;
	s3 =	sadd.s32 s4, s20  }
0x14: {  	s7 =	simm.s32 $0x0;
	s21 =	sshll.u32 s5, $0x1;
	s5 =	sadd.s32 s22, s3  }
0x15: {  	[timem:s7], [sflag:s23] =	dma.local [hbm:s5], s21  }
0x16: {  	_ =	swait.ge [sflag:s23], s21  }
0x17: {  	s4 =	ssub.s32 $0x0, s21;
	[sflag:s23] =	ssyncset.done $0x0  }
0x18: {  	[sflag:s23] =	ssyncadd.s32 s4;
	_ =	sdelay $0x1  }
0x19: {  	s24 =	simm.s32 $0x1B8B  }
0x1a: {  	_ =	swait.ge [sflag:s24], $0x1  }
0x1b: {  	[sflag:s24] =	ssyncset.done $0x0  }
0x1c: {  	s26 =	simm.s32 $0x1B8E;
	s25 =	sld [smem:$0x3FFE];
	[sflag:s24] =	ssyncadd.s32 $0xFFFFFFFF  }
0x1d: {  	s27 =	simm.s32 $execute0_lowered;
	[smem:$0x3FD2] =	sst s26  }
0x1e: {  	s5 =	sshll.u32 s27, $0x1;
	_ =	strace $0x80000049;
	[dreg:$0x1] =	wrdreg $0xFFFFFFFF  }
0x1f: {  	s28 =	simm.s32 $_size_execute0_lowered;
	s3 =	sadd.s32 s3, s5;
	[dreg:$0x0] =	wrdreg $0x0  }
0x20: {  	s5 =	sshll.u32 s28, $0x1;
	[dreg:$0x2] =	wrdreg s3  }
0x21: {  	[dreg:$0x3] =	wrdreg s5  }
0x22: {  	[dreg:$0x4] =	wrdreg $0xC0  }
0x23: {  	_ =	task [dreg:s7], $0x5FFFF  }
0x24: {  	[dreg:$0x1] =	wrdreg $0xFFFFFFFF  }
0x25: {  	[dreg:$0x0] =	wrdreg $0x60  }
0x26: {  	[dreg:$0x2] =	wrdreg s25  }
0x27: {  	[dreg:$0x3] =	wrdreg s2  }
0x28: {  	[dreg:$0x4] =	wrdreg $0x9  }
0x29: {  	_ =	task.clear_ibuf [dreg:s7], $0x5FFFF;
	_ =	strace $0x90000049  }
0x2a: {  	s29 =	simm.s32 $0x9;
	_ =	strace $0x8000004B  }
0x2b: {  	_ =	swait.ge [sflag:s29], $0x1  }
0x2c: {  	[sflag:s29] =	ssyncadd.s32 $0xFFFFFFFF  }
0x2d: {  	_ =	strace $0x9000004B  }
0x2e: {  	_ =	sfence  }
0x2f: {  	s30 =	sld [smem:$0x0];
	_ =	sdelay $0x2  }
0x30: {  	s31 =	sshll.u32 s1, $0xD;
	s1 =	sshrl.u32 s1, $0x2  }
0x31: {  	s3 =	sand.u32 $0x4000, s31;
	s1 =	sadd.s32 s1, s30  }
0x32: {  	s0 =	sor.u32 s3, s0;
	s1 =	sshll.u32 s1, $0x11  }
0x33: {  	s0 =	sor.u32 s1, s0  }
0x34: {  	s0 =	sadd.s32 $0x8F2B, s0  }
0x35: {  	[sflag:s0] =	ssyncadd.remote.s32 $0x1  }
0x36: {  	_ =	sfence.sel $0xFFFF  }
0x37: {  	[dreg:$0x0] =	wrdreg $0xFFFFFFFF;
	(pc) =	sbr.abs _section_cstart, $3  }
0x38: {  	[dreg:$0x1] =	wrdreg $0xFFFFFFFF  }
0x39: {  	_ =	task.clear_ibuf [dreg:s7], $0x2FFFF;
	_ =	strace $0x9FFFFFFF  }
0x3a: {  	(tm) =	ssettm $0x7FFFFFFF  }
0x3b: {  	_ =	shalt  }
tec
execute0_lowered:
.L_overlay_start_1:
0x0: {  	(tag) =	ssettag $0x1  }
0x1: {  	s0 =	srdreg.scid  }
0x2: {  	s1 =	sshll.u32 s0, $0x4  }
0x3: {  	s0 =	stileid.u32;
	s1 =	sand.u32 $0x10, s1  }
0x4: {  	s1 =	sor.u32 s0, s1  }
0x5: {  	s6 =	rddreg [dreg:$0x0];
	s4 =	simm.s32 $0x1;
	s2 =	sshll.u32 s1, $0x6  }
0x6: {  	s7 =	simm.s32 $0x2;
	s13 =	simm.s32 $0x0;
	s1 =	ssub.s32 $0x1000, s2  }
0x7: {  	s8 =	simm.s32 $0x2000;
	s9 =	simm.s32 $0x80000;
	s3 =	sand.u32 $0x7C0, s1  }
0x8: {  	s14 =	simm.s32 $0x0;
	s5 =	sshrl.u32 s1, $0xB;
	p0 =	sne.s32 s3, $0x0  }
.Ltmp0:
0x9: {  	s1 =	rddreg [dreg:$0x2];
	s4 =	simm.s32 @!p0 $0x0;
	(pc) =	sbr.rel .LBB1_1-.Ltmp0, $4  }
0xa: {  	s10 =	simm.s32 $0x0;
	s3 =	rddreg [dreg:$0x1];
	s5 =	sadd.s32 s4, s5  }
0xb: {  	_ =	strace $0x8000004A;
	s4 =	simm.s32 $0x1;
	s5 =	smul.u32 $0xB, s5  }
0xc: {  	s12 =	simm.s32 $0x0;
	s6 =	sadd.s32 $0x1400, s6;
	[sflag:s4] =	ssyncpa.u1 $0x0  }
0xd: {  	s11 =	smov.u32 s2;
	[sflag:s7] =	ssyncpa.u1 $0x0;
	s7 =	sadd.s32 $0x1, s5  }
.LBB1_7:
0xe: {  	s15 =	sadd.s32 $0x2, s10  }
0xf: {  	s13 =	sadd.s32 $0x800, s11;
	s17 =	smov.u32 s11;
	p1 =	sgt.s32 s15, $0x15  }
0x10: {  	s17 =	smov.u32 @p1 s13  }
0x11: {  	s15 =	simm.s32 @p1 $0x0;
	p1 =	sgt.s32 s17, $0xFFF  }
0x12: {  	s17 =	smov.u32 @p1 s2;
	p1 =	sne.s32 s12, s7  }
.Ltmp1:
0x13: {  	p0 =	slt.u32 s12, $0x2;
	(pc) =	sbr.rel @!p1 .LBB1_8-.Ltmp1, $4  }
0x14: {  	s16 =	simm.s32 @!p0 $0x2  }
0x15: {  	s14 =	smov.u32 s11;
	_ =	swait.ge @!p0 [sflag:s16], $0x4000  }
0x16: {  	s13 =	smov.u32 s10;
	[sflag:s16] =	ssyncset.done @!p0 $0x0;
	s10 =	smov.u32 s15  }
0x17: {  	s12 =	sadd.s32 $0x1, s12;
	[sflag:s16] =	ssyncadd.s32 @!p0 $0xFFFFC000;
	s11 =	smov.u32 s17  }
.LBB1_1:
0x18: {  	p0 =	sge.u32 s12, s5  }
0x19: {  	s15 =	sand.u32 @!p0 $0x1FFFFFF, s10  }
0x1a: {  	s16 =	smulhi.u32 @!p0 $0xAAAAAAB, s15;
	_ =	sdelay $0x1  }
0x1b: {  	s16 =	smul.u32 @!p0 $0x18, s16  }
0x1c: {  	s17 =	sxor.u32 @!p0 $0xFFFFFFFF, s12;
	s18 =	smul.u32 @!p0 $0x180, s11  }
0x1d: {  	s31 =	sadd.s32 $0xFFFFFFFF, s12;
	s17 =	sshll.u32 @!p0 s17, $0xE;
	s15 =	ssub.s32 @!p0 s15, s16  }
0x1e: {  	s16 =	sand.u32 @!p0 $0x4000, s17;
	s17 =	sadd.s32 @!p0 s6, s18;
	s15 =	sshll.u32 @!p0 s15, $0x4  }
0x1f: {  	s18 =	simm.s32 @!p0 $0xC00;
	s15 =	sadd.s32 @!p0 s15, s17;
	s17 =	simm.s32 @!p0 $0x100  }
0x20: {  	[tilespmem:s16], [sflag:$0x1] =	stream.strided.gather @!p0 [hbm4b:s15+s17], $0x4000, s18, s17, $0x38;
	[tilespmem:$0x10000] =	vst v63  }
0x21: {  	p0 =	sge.u32 s31, s5  }
.Ltmp2:
0x22: {  	_ = 	snop;
	(pc) =	sbr.rel @p0 .LBB1_7-.Ltmp2, $1  }
0x23: {  	_ =	sdelay $0x3  }
0x24: {  	_ =	swait.ge [sflag:s4], $0x4000;
	s15 =	sshll.u32 s12, $0xE  }
0x25: {  	[sflag:s4] =	ssyncset.done $0x0;
	s16 =	sand.u32 $0x4000, s15  }
0x26: {  	s17 =	simm.s32 $0x0;
	[sflag:s4] =	ssyncadd.s32 $0xFFFFC000;
	s15 =	sor.u32 $0x8000, s16  }
.LBB1_3:
0x27: {  	s18 =	sshll.u32 s17, $0x8  }
0x28: {  	s18 =	sand.u32 $0x3FFFFF00, s18  }
0x29: {  	s19 =	sshll.u32 s17, $0x7;
	s18 =	sadd.s32 s18, s16  }
0x2a: {  	s19 =	sand.u32 $0x3FFFFF80, s19;
	v0 =	vmov s18  }
0x2b: {  	s19 =	sadd.s32 s19, s15  }
0x2c: {  	p0 =	por $0x1, $0x1;
	v1 =	vmov s19;
	s18 =	simm.s32 $0x0  }
.LBB1_4:
0x2d: {  	s19 =	sshll.u32 s18, $0x7  }
0x2e: {  	s19 =	sand.u32 $0x3FFFFF80, s19  }
0x2f: {  	v2 =	vld.idx.msk [tilespmem:v0+s19+$0x0 ss:$0x1], $0xffff  }
0x30: {  	v3 =	vld.idx.msk [tilespmem:v0+s19+$0x10 ss:$0x1], $0xffff  }
0x31: {  	v4 =	vld.idx.msk [tilespmem:v0+s19+$0x20 ss:$0x1], $0xffff  }
0x32: {  	s31 =	sshll.u32 s18, $0xD;
	v5 =	vld.idx.msk [tilespmem:v0+s19+$0x30 ss:$0x1], $0xffff  }
0x33: {  	s18 =	sand.u32 $0x3FFFE000, s31;
	v6 =	vld.idx.msk [tilespmem:v0+s19+$0x40 ss:$0x1], $0xffff  }
0x34: {  	v63 =	vld.idx.msk [tilespmem:v0+s19+$0x70 ss:$0x1], $0xffff;
	[tilespmem:v1+s18+$0x0 ss:$0x1] =	vst.idx.msk $0xffff, v2  }
0x35: {  	v2 =	vld.idx.msk [tilespmem:v0+s19+$0x50 ss:$0x1], $0xffff;
	[tilespmem:v1+s18+$0x10 ss:$0x1] =	vst.idx.msk $0xffff, v3  }
0x36: {  	p1 =	por p0, p0;
	v3 =	vld.idx.msk [tilespmem:v0+s19+$0x60 ss:$0x1], $0xffff;
	[tilespmem:v1+s18+$0x20 ss:$0x1] =	vst.idx.msk $0xffff, v4  }
.Ltmp3:
0x37: {  	[tilespmem:v1+s18+$0x30 ss:$0x1] =	vst.idx.msk $0xffff, v5;
	(pc) =	sbr.rel @p1 .LBB1_4-.Ltmp3, $4  }
0x38: {  	[tilespmem:v1+s18+$0x40 ss:$0x1] =	vst.idx.msk $0xffff, v6  }
0x39: {  	[tilespmem:v1+s18+$0x70 ss:$0x1] =	vst.idx.msk $0xffff, v63  }
0x3a: {  	[tilespmem:v1+s18+$0x50 ss:$0x1] =	vst.idx.msk $0xffff, v2  }
0x3b: {  	p0 =	por $0x0, $0x0;
	[tilespmem:v1+s18+$0x60 ss:$0x1] =	vst.idx.msk $0xffff, v3;
	s18 =	simm.s32 $0x1  }
0x3c: {  	s17 =	sadd.s32 $0x1, s17  }
0x3d: {  	p0 =	sne.s32 s17, $0x40  }
.Ltmp4:
0x3e: {  	_ = 	snop;
	(pc) =	sbr.rel @p0 .LBB1_3-.Ltmp4, $1  }
0x3f: {  	_ =	sdelay $0x3  }
.Ltmp5:
0x40: {  	s14 =	sshll.u32 s14, $0x4;
	(pc) =	sbr.rel .LBB1_7-.Ltmp5, $4  }
0x41: {  	s14 =	sand.u32 $0xFFF0, s14  }
0x42: {  	s13 =	sshll.u32 s13, $0x10;
	s14 =	sadd.s32 s3, s14  }
0x43: {  	s13 =	sadd.s32 s13, s14  }
0x44: {  	[hbm4b:s13+s8] =	stream.strided.scatter [tilespmem:s15], [sflag:$0x2], $0x4000, s9, s8, $0x38;
	[tilespmem:$0x10000] =	vst v63  }
.LBB1_8:
0x45: {  	_ =	sfence.sel $0x180000  }
0x46: {  	s2 =	simm.s32 $0x1;
	[bflag:$0x0] =	sbarrier.arrive $0xFFFF  }
0x47: {  	s31 =	simm.s32 $0x2;
	[sflag:s2] =	ssyncpa.u1 $0x1  }
0x48: {  	[sflag:s31] =	ssyncpa.u1 $0x1  }
0x49: {  	p0 =	sne.s32 s0, $0x0;
	_ =	strace $0x9000004A  }
0x4a: {  	s0 =	sadd.s32 @!p0 $0x100000, s1;
	[bflag:$0x2] =	sbarrier.arrive $0xFFFF  }
0x4b: {  	[sflag:s0] =	ssyncadd.tile.s32 @!p0 $0x1;
	_ =	shalt  }
.Lfunc_end1:
_tile_overlayer_lowered:
.L_overlay_start_2:
0x4c: {  	(tag) =	ssettag $0x2  }
0x4d: {  	s0 =	rddreg [dreg:$0x0];
	s2 =	stileid.u32  }
0x4e: {  	s1 =	rddreg [dreg:$0x1];
	p0 =	sne.s32 s2, $0x0  }
0x4f: {  	s3 =	rddreg [dreg:$0x2];
	[bflag:$0x3] =	sbarrier.arrive $0xFFFF;
	s2 =	simm.s32 @!p0 $0x1C01  }
0x50: {  	[timem:s3], [sflag:s2] =	dma.local @!p0 [hbm:s0], s1  }
0x51: {  	s0 =	simm.s32 @!p0 $0x1  }
0x52: {  	_ =	swait.ge @!p0 [sflag:s0], s1  }
0x53: {  	s1 =	ssub.s32 @!p0 $0x0, s1;
	[sflag:s0] =	ssyncset.done @!p0 $0x0  }
0x54: {  	[sflag:s0] =	ssyncadd.s32 @!p0 s1  }
0x55: {  	[bflag:$0x3] =	sbarrier.arrive $0xFFFF  }
0x56: {  	_ =	shalt  }

</sc_bundles>
